<compile_context>
chip_gen: v7x
topology: tpu7x:2x2x1
jax: 0.10.2.dev20260603
libtpu: 0.0.44.dev20260713+nightly
codegen_flags: <defaults>
</compile_context>

<pallas_src>
import functools

import jax
import jax.numpy as jnp
from jax import lax
from jax.experimental import pallas as pl
from jax.experimental.pallas import tpu as pltpu
from jax.experimental.pallas import tpu_sc as plsc

N_NODES = 10000
N_PAD = 10240
N_EDGES = 320000
NC_SC = 2
NS_SC = 16
LANES = 16
EDGE_CHUNK = 80
ROW_W = 128


def _elu(x):
    return jnp.where(x > 0, x, jnp.exp(jnp.minimum(x, 0.0)) - 1.0)



def _stageA_body(x_ref, wq_ref, bq_ref, wk_ref, bk_ref, wv_ref, bv_ref,
                 we_ref, be_ref, ws_ref, bs_ref,
                 qtab_ref, kvtab_ref, skip_ref):
    x = x_ref[...]
    c = wq_ref.shape[1]
    qs = (jnp.dot(x, wq_ref[...], preferred_element_type=jnp.float32)
          + bq_ref[...]) * (1.0 / (c ** 0.5))
    k = jnp.dot(x, wk_ref[...], preferred_element_type=jnp.float32) + bk_ref[...]
    v = jnp.dot(x, wv_ref[...], preferred_element_type=jnp.float32) + bv_ref[...]
    u = jnp.sum(qs * we_ref[...], axis=1, keepdims=True)
    t = jnp.sum(qs * be_ref[...], axis=1, keepdims=True)
    pad = qtab_ref.shape[1] - c - 2
    qtab_ref[...] = jnp.concatenate(
        [qs, u, t, jnp.zeros((x.shape[0], pad), jnp.float32)], axis=1)
    kvpad = kvtab_ref.shape[1] - 2 * c
    kv = [k, v] if kvpad == 0 else [k, v, jnp.zeros((x.shape[0], kvpad), jnp.float32)]
    kvtab_ref[...] = jnp.concatenate(kv, axis=1)
    skip_ref[...] = (jnp.dot(x, ws_ref[...], preferred_element_type=jnp.float32)
                     + bs_ref[...])


def _dense_tables(x, wq, bq, wk, bk, wv, bv, we, be, ws, bs):
    n, _ = x.shape
    c = wq.shape[1]
    blk = 1000
    grid = n // blk
    full = lambda a: pl.BlockSpec(a.shape, lambda i: (0,) * a.ndim)
    return pl.pallas_call(
        _stageA_body,
        grid=(grid,),
        in_specs=[pl.BlockSpec((blk, x.shape[1]), lambda i: (i, 0))] +
                 [full(a) for a in (wq, bq, wk, bk, wv, bv, we, be, ws, bs)],
        out_specs=[pl.BlockSpec((blk, ROW_W), lambda i: (i, 0)),
                   pl.BlockSpec((blk, ROW_W), lambda i: (i, 0)),
                   pl.BlockSpec((blk, c), lambda i: (i, 0))],
        out_shape=[jax.ShapeDtypeStruct((n, ROW_W), jnp.float32),
                   jax.ShapeDtypeStruct((n, ROW_W), jnp.float32),
                   jax.ShapeDtypeStruct((n, c), jnp.float32)],
    )(x, wq, bq, wk, bk, wv, bv, we, be, ws, bs)


def _combine_body(parts_ref, skip_ref, we_ref, be_ref, h_ref):
    c = skip_ref.shape[1]
    acc = parts_ref[0] + parts_ref[1]
    num = acc[:, :c]
    s = acc[:, c:c + 1]
    sa = acc[:, c + 1:c + 2]
    num = num + sa * we_ref[...] + s * be_ref[...]
    h_ref[...] = _elu(num / (s + 1e-16) + skip_ref[...])


def _combine(parts, skip, we, be):
    n, c = skip.shape
    dpad = parts.shape[2]
    blk = 1000
    full = lambda a: pl.BlockSpec(a.shape, lambda i: (0,) * a.ndim)
    return pl.pallas_call(
        _combine_body,
        grid=(n // blk,),
        in_specs=[pl.BlockSpec((2, blk, dpad), lambda i: (0, i, 0)),
                  pl.BlockSpec((blk, c), lambda i: (i, 0)),
                  full(we), full(be)],
        out_specs=pl.BlockSpec((blk, c), lambda i: (i, 0)),
        out_shape=jax.ShapeDtypeStruct((n, c), jnp.float32),
    )(parts, skip, we, be)


def _head_body(h_ref, w1_ref, b1_ref, w2_ref, b2_ref, out_ref):
    z = _elu(jnp.dot(h_ref[...], w1_ref[...],
                     preferred_element_type=jnp.float32) + b1_ref[...])
    z = jnp.dot(z, w2_ref[...], preferred_element_type=jnp.float32) + b2_ref[...]
    m = jnp.max(z, axis=1, keepdims=True)
    lse = jnp.log(jnp.sum(jnp.exp(z - m), axis=1, keepdims=True)) + m
    out_ref[...] = z - lse


def _head(h, w1, b1, w2, b2):
    n = h.shape[0]
    nc = w2.shape[1]
    blk = 1000
    full = lambda a: pl.BlockSpec(a.shape, lambda i: (0,) * a.ndim)
    return pl.pallas_call(
        _head_body,
        grid=(n // blk,),
        in_specs=[pl.BlockSpec((blk, h.shape[1]), lambda i: (i, 0)),
                  full(w1), full(b1), full(w2), full(b2)],
        out_specs=pl.BlockSpec((blk, nc), lambda i: (i, 0)),
        out_shape=jax.ShapeDtypeStruct((n, nc), jnp.float32),
    )(h, w1, b1, w2, b2)



def _edge_pass_body(c_dim,
                    qtab_hbm, kvtab_hbm, src_hbm, dst_hbm, attr_hbm, zeros_hbm,
                    parts_hbm,
                    src_v, dst_v, attr_v, q_rows, kv_rows, msg_v, acc_shared,
                    sem0, sem1):
    cid = lax.axis_index("c")
    sid = lax.axis_index("s")
    wid = sid * NC_SC + cid
    epw = N_EDGES // (NC_SC * NS_SC)
    nchunks = epw // EDGE_CHUNK
    rows_per_sub = N_PAD // NS_SC

    pltpu.sync_copy(zeros_hbm.at[pl.ds(sid * rows_per_sub, rows_per_sub)],
                    acc_shared.at[pl.ds(sid * rows_per_sub, rows_per_sub)])
    plsc.subcore_barrier()

    def chunk_body(i, carry):
        base = wid * epw + i * EDGE_CHUNK
        pltpu.sync_copy(src_hbm.at[pl.ds(base, EDGE_CHUNK)], src_v)
        pltpu.sync_copy(dst_hbm.at[pl.ds(base, EDGE_CHUNK)], dst_v)
        pltpu.sync_copy(attr_hbm.at[pl.ds(base, EDGE_CHUNK)], attr_v)
        gkv = pltpu.async_copy(kvtab_hbm.at[src_v], kv_rows, sem0)
        gq = pltpu.async_copy(qtab_hbm.at[dst_v], q_rows, sem1)
        gkv.wait()
        gq.wait()

        def group_body(g, carry2):
            rows = g * LANES + lax.iota(jnp.int32, LANES)
            attr = attr_v[pl.ds(g * LANES, LANES)]
            alpha = plsc.load_gather(q_rows, [rows, jnp.full((LANES,), c_dim, jnp.int32)]) * attr
            alpha = alpha + plsc.load_gather(
                q_rows, [rows, jnp.full((LANES,), c_dim + 1, jnp.int32)])
            for c in range(c_dim):
                colc = jnp.full((LANES,), c, jnp.int32)
                qc = plsc.load_gather(q_rows, [rows, colc])
                kc = plsc.load_gather(kv_rows, [rows, colc])
                alpha = alpha + qc * kc
            s = jnp.exp(alpha)
            for c in range(c_dim):
                vc = plsc.load_gather(
                    kv_rows, [rows, jnp.full((LANES,), c_dim + c, jnp.int32)])
                plsc.store_scatter(msg_v, [rows, jnp.full((LANES,), c, jnp.int32)],
                                   vc * s)
            plsc.store_scatter(msg_v, [rows, jnp.full((LANES,), c_dim, jnp.int32)], s)
            plsc.store_scatter(msg_v,
                               [rows, jnp.full((LANES,), c_dim + 1, jnp.int32)],
                               s * attr)
            return carry2

        lax.fori_loop(0, EDGE_CHUNK // LANES, group_body, 0)
        pltpu.sync_copy(msg_v, acc_shared.at[dst_v], add=True)
        return carry

    lax.fori_loop(0, nchunks, chunk_body, 0)
    plsc.subcore_barrier()

    pltpu.sync_copy(acc_shared.at[pl.ds(sid * rows_per_sub, rows_per_sub)],
                    parts_hbm.at[cid, pl.ds(sid * rows_per_sub, rows_per_sub)])


def _edge_pass(qtab, kvtab, src, dst, attr, c_dim):
    mesh = plsc.VectorSubcoreMesh(core_axis_name="c", subcore_axis_name="s")
    zeros = jnp.zeros((N_PAD, ROW_W), jnp.float32)
    body = functools.partial(_edge_pass_body, c_dim)
    fn = pl.kernel(
        body,
        out_type=jax.ShapeDtypeStruct((NC_SC, N_PAD, ROW_W), jnp.float32),
        mesh=mesh,
        scratch_types=[
            pltpu.VMEM((EDGE_CHUNK,), jnp.int32),
            pltpu.VMEM((EDGE_CHUNK,), jnp.int32),
            pltpu.VMEM((EDGE_CHUNK,), jnp.float32),
            pltpu.VMEM((EDGE_CHUNK, ROW_W), jnp.float32),
            pltpu.VMEM((EDGE_CHUNK, ROW_W), jnp.float32),
            pltpu.VMEM((EDGE_CHUNK, ROW_W), jnp.float32),
            pltpu.VMEM_SHARED((N_PAD, ROW_W), jnp.float32),
            pltpu.SemaphoreType.DMA,
            pltpu.SemaphoreType.DMA,
        ],
        compiler_params=pltpu.CompilerParams(needs_layout_passes=False),
    )
    return fn(qtab, kvtab, src, dst, attr, zeros)[:, :N_NODES]



def kernel(x, edge_attr, c1_Wq, c1_bq, c1_Wk, c1_bk, c1_Wv, c1_bv, c1_We,
           c1_be, c1_Ws, c1_bs, c2_Wq, c2_bq, c2_Wk, c2_bk, c2_Wv, c2_bv,
           c2_We, c2_be, c2_Ws, c2_bs, fc1_W, fc1_b, fc2_W, fc2_b, edge_index):
    src = edge_index[0]
    dst = edge_index[1]
    attr = edge_attr[:, 0]
    r2 = lambda b: b.reshape(1, -1)

    qtab1, kvtab1, skip1 = _dense_tables(
        x, c1_Wq, r2(c1_bq), c1_Wk, r2(c1_bk), c1_Wv, r2(c1_bv), c1_We,
        r2(c1_be), c1_Ws, r2(c1_bs))
    parts1 = _edge_pass(qtab1, kvtab1, src, dst, attr, 32)
    h1 = _combine(parts1, skip1, c1_We, r2(c1_be))

    qtab2, kvtab2, skip2 = _dense_tables(
        h1, c2_Wq, r2(c2_bq), c2_Wk, r2(c2_bk), c2_Wv, r2(c2_bv), c2_We,
        r2(c2_be), c2_Ws, r2(c2_bs))
    parts2 = _edge_pass(qtab2, kvtab2, src, dst, attr, 64)
    h2 = _combine(parts2, skip2, c2_We, r2(c2_be))

    return _head(h2, fc1_W, r2(fc1_b), fc2_W, r2(fc2_b))

# --- scband reference (transcript-rebuilt; emitter-appended) ---
"""Pipeline reference for scband-transformer-conv-net-88553635709219 (READ-ONLY COPY).

The authoritative reference and input builder live on the scoring server;
editing this copy changes nothing except your own understanding.
"""

import jax, jax.numpy as jnp
import numpy as np


def _lin_init(key, fan_in, fan_out):
    k1, k2 = jax.random.split(key)
    s = 1.0 / np.sqrt(fan_in)
    W = jax.random.uniform(k1, (fan_in, fan_out), jnp.float32, -s, s)
    b = jax.random.uniform(k2, (fan_out,), jnp.float32, -s, s)
    return W, b


def _tconv(x, edge_index, edge_attr, Wq, bq, Wk, bk, Wv, bv, We, be, Ws, bs):
    # PyG TransformerConv with heads=1, concat=True, root_weight=True, beta=False
    N = x.shape[0]
    src = edge_index[0]
    dst = edge_index[1]
    q = x @ Wq + bq
    k = x @ Wk + bk
    v = x @ Wv + bv
    e = edge_attr @ We + be
    k_j = k[src] + e
    C = q.shape[1]
    alpha = jnp.sum(q[dst] * k_j, axis=-1) / jnp.sqrt(float(C))
    amax = jax.ops.segment_max(alpha, dst, num_segments=N)
    amax = jnp.where(jnp.isfinite(amax), amax, 0.0)
    ex = jnp.exp(alpha - amax[dst])
    denom = jax.ops.segment_sum(ex, dst, num_segments=N)
    a = ex / (denom[dst] + 1e-16)
    msg = (v[src] + e) * a[:, None]
    out = jax.ops.segment_sum(msg, dst, num_segments=N)
    return out + x @ Ws + bs


def _forward(x, edge_attr, params, edge_index):
    c1, c2, fc1_W, fc1_b, fc2_W, fc2_b = params
    h = jax.nn.elu(_tconv(x, edge_index, edge_attr, *c1))
    h = jax.nn.elu(_tconv(h, edge_index, edge_attr, *c2))
    h = jax.nn.elu(h @ fc1_W + fc1_b)
    h = h @ fc2_W + fc2_b
    return jax.nn.log_softmax(h, axis=1)


def setup_inputs(seed: int = 0):
    key = jax.random.key(seed)
    ks = jax.random.split(key, 16)
    N, E, D, NC = 10000, 320000, 128, 10
    inp = {}
    inp["x"] = jax.random.normal(ks[0], (N, D), jnp.float32)
    inp["edge_attr"] = jax.random.normal(ks[1], (E, 1), jnp.float32)
    names = ["Wq", "bq", "Wk", "bk", "Wv", "bv", "We", "be", "Ws", "bs"]
    dims1 = [(D, 32), (D, 32), (D, 32), (1, 32), (D, 32)]
    dims2 = [(32, 64), (32, 64), (32, 64), (1, 64), (32, 64)]
    for pre, dims, kk in [("c1_", dims1, ks[2]), ("c2_", dims2, ks[3])]:
        sub = jax.random.split(kk, 5)
        for i, (fi, fo) in enumerate(dims):
            W, b = _lin_init(sub[i], fi, fo)
            inp[pre + names[2 * i]] = W
            inp[pre + names[2 * i + 1]] = b
    inp["fc1_W"], inp["fc1_b"] = _lin_init(ks[4], 64, 128)
    inp["fc2_W"], inp["fc2_b"] = _lin_init(ks[5], 128, NC)
    inp["edge_index"] = jax.random.randint(ks[6], (2, E), 0, N, dtype=jnp.int32)
    return inp


def reference(x, edge_attr, c1_Wq, c1_bq, c1_Wk, c1_bk, c1_Wv, c1_bv, c1_We, c1_be, c1_Ws, c1_bs, c2_Wq, c2_bq, c2_Wk, c2_bk, c2_Wv, c2_bv, c2_We, c2_be, c2_Ws, c2_bs, fc1_W, fc1_b, fc2_W, fc2_b, edge_index):
    c1 = (c1_Wq, c1_bq, c1_Wk, c1_bk, c1_Wv, c1_bv, c1_We, c1_be, c1_Ws, c1_bs)
    c2 = (c2_Wq, c2_bq, c2_Wk, c2_bk, c2_Wv, c2_bv, c2_We, c2_be, c2_Ws, c2_bs)
    return _forward(x, edge_attr, (c1, c2, fc1_W, fc1_b, fc2_W, fc2_b), edge_index)

if __name__ == "__main__":
    import jax
    _d = setup_inputs()
    print(jax.jit(kernel)(*tuple(_d.values())))

</pallas_src>

<mosaic_0001>
#map = affine_map<(d0, d1) -> (0, 0)>
#map1 = affine_map<(d0, d1) -> (0)>
#map2 = affine_map<(d0, d1) -> (0, 0, 0)>
module attributes {stable_mosaic.version = 14 : i64} {
  func.func @_edge_pass_body(%arg0: i32, %arg1: i32, %arg2: memref<10000x128xf32, #tpu.memory_space<hbm>>, %arg3: memref<10000x128xf32, #tpu.memory_space<hbm>>, %arg4: memref<320000xi32, #tpu.memory_space<hbm>>, %arg5: memref<320000xi32, #tpu.memory_space<hbm>>, %arg6: memref<320000xf32, #tpu.memory_space<hbm>>, %arg7: memref<10240x128xf32, #tpu.memory_space<hbm>>, %arg8: memref<2x10240x128xf32, #tpu.memory_space<hbm>>, %arg9: memref<80xi32, #tpu.memory_space<vmem>>, %arg10: memref<80xi32, #tpu.memory_space<vmem>>, %arg11: memref<80xf32, #tpu.memory_space<vmem>>, %arg12: memref<80x128xf32, #tpu.memory_space<vmem>>, %arg13: memref<80x128xf32, #tpu.memory_space<vmem>>, %arg14: memref<80x128xf32, #tpu.memory_space<vmem>>, %arg15: memref<10240x128xf32, #tpu.memory_space<vmem_shared>>, %arg16: memref<!tpu.dma_semaphore, #tpu.memory_space<semaphore_mem>>, %arg17: memref<!tpu.dma_semaphore, #tpu.memory_space<semaphore_mem>>) attributes {dimension_semantics = [#tpu.dimension_semantics<core_parallel>, #tpu.dimension_semantics<subcore_parallel>], iteration_bounds = array<i64: 2, 16>, scalar_prefetch = 0 : i64, scratch_operands = 9 : i64, tpu.core_type = #tpu.core_type<sc_vector_subcore>, window_params = [{transform_indices = #map}, {transform_indices = #map}, {transform_indices = #map1}, {transform_indices = #map1}, {transform_indices = #map1}, {transform_indices = #map}, {transform_indices = #map2}]} {
    %mul3A = arith.constant 2 : i32
    %mul3A_0 = arith.muli %arg1, %mul3A : i32
    %add3A = arith.addi %mul3A_0, %arg0 : i32
    %mul3A_1 = arith.constant 640 : i32
    %mul3A_2 = arith.muli %arg1, %mul3A_1 : i32
    %mul3A_3 = arith.constant 640 : i32
    %mul3A_4 = arith.muli %arg1, %mul3A_3 : i32
    "tpu.region"() ({
      %run_scoped3A = tpu.sem_alloc : memref<!tpu.dma_semaphore, #tpu.memory_space<semaphore_mem>>
      %dma_start3A = arith.constant 0 : i32
      %dma_start3A_15 = tpu.memref_slice %arg15[%mul3A_4, %dma_start3A] : memref<10240x128xf32, #tpu.memory_space<vmem_shared>> -> memref<640x128xf32, #tpu.memory_space<vmem_shared>>
      %dma_start3A_16 = arith.constant 0 : i32
      %dma_start3A_17 = tpu.memref_slice %arg7[%mul3A_2, %dma_start3A_16] : memref<10240x128xf32, #tpu.memory_space<hbm>> -> memref<640x128xf32, #tpu.memory_space<hbm>>
      tpu.enqueue_dma source(%dma_start3A_17 : memref<640x128xf32, #tpu.memory_space<hbm>>) target(%dma_start3A_15 : memref<640x128xf32, #tpu.memory_space<vmem_shared>>) target_semaphore(%run_scoped3A : memref<!tpu.dma_semaphore, #tpu.memory_space<semaphore_mem>>)
      %dma_wait3A = arith.constant 0 : i32
      %dma_wait3A_18 = tpu.memref_slice %arg15[%mul3A_4, %dma_wait3A] : memref<10240x128xf32, #tpu.memory_space<vmem_shared>> -> memref<640x128xf32, #tpu.memory_space<vmem_shared>>
      %dma_wait3A_19 = arith.constant 0 : i32
      %dma_wait3A_20 = tpu.memref_slice %arg7[%mul3A_2, %dma_wait3A_19] : memref<10240x128xf32, #tpu.memory_space<hbm>> -> memref<640x128xf32, #tpu.memory_space<hbm>>
      tpu.wait_dma2 semaphore(%run_scoped3A : memref<!tpu.dma_semaphore, #tpu.memory_space<semaphore_mem>>) src(%dma_wait3A_20 : memref<640x128xf32, #tpu.memory_space<hbm>>) dst(%dma_wait3A_18 : memref<640x128xf32, #tpu.memory_space<vmem_shared>>)
      tpu.yield
    }) : () -> ()
    %barrier3A = arith.constant 0 : index
    tpu.barrier barrier_id(%barrier3A)
    %scan3A = arith.constant 0 : i32
    %scan3A_5 = arith.constant 0 : i32
    %scan3A_6 = arith.constant 125 : i32
    %scan3A_7 = arith.addi %scan3A_5, %scan3A_6 : i32
    %scan3A_8 = arith.constant 1 : i32
    scf.for %scan3A_15 = %scan3A_5 to %scan3A_7 step %scan3A_8  : i32 {
      %mul3A_16 = arith.constant 10000 : i32
      %mul3A_17 = arith.muli %add3A, %mul3A_16 : i32
      %mul3A_18 = arith.constant 80 : i32
      %mul3A_19 = arith.muli %scan3A_15, %mul3A_18 : i32
      %add3A_20 = arith.addi %mul3A_17, %mul3A_19 : i32
      "tpu.region"() ({
        %run_scoped3A = tpu.sem_alloc : memref<!tpu.dma_semaphore, #tpu.memory_space<semaphore_mem>>
        %dma_start3A_37 = tpu.memref_slice %arg4[%add3A_20] : memref<320000xi32, #tpu.memory_space<hbm>> -> memref<80xi32, #tpu.memory_space<hbm>>
        %dma_start3A_38 = tpu.memref_slice %arg4[%add3A_20] : memref<320000xi32, #tpu.memory_space<hbm>> -> memref<80xi32, #tpu.memory_space<hbm>>
        tpu.enqueue_dma source(%dma_start3A_38 : memref<80xi32, #tpu.memory_space<hbm>>) target(%arg9 : memref<80xi32, #tpu.memory_space<vmem>>) target_semaphore(%run_scoped3A : memref<!tpu.dma_semaphore, #tpu.memory_space<semaphore_mem>>)
        %dma_wait3A_39 = tpu.memref_slice %arg4[%add3A_20] : memref<320000xi32, #tpu.memory_space<hbm>> -> memref<80xi32, #tpu.memory_space<hbm>>
        %dma_wait3A_40 = tpu.memref_slice %arg4[%add3A_20] : memref<320000xi32, #tpu.memory_space<hbm>> -> memref<80xi32, #tpu.memory_space<hbm>>
        tpu.wait_dma2 semaphore(%run_scoped3A : memref<!tpu.dma_semaphore, #tpu.memory_space<semaphore_mem>>) src(%dma_wait3A_40 : memref<80xi32, #tpu.memory_space<hbm>>) dst(%arg9 : memref<80xi32, #tpu.memory_space<vmem>>)
        tpu.yield
      }) : () -> ()
      "tpu.region"() ({
        %run_scoped3A = tpu.sem_alloc : memref<!tpu.dma_semaphore, #tpu.memory_space<semaphore_mem>>
        %dma_start3A_37 = tpu.memref_slice %arg5[%add3A_20] : memref<320000xi32, #tpu.memory_space<hbm>> -> memref<80xi32, #tpu.memory_space<hbm>>
        %dma_start3A_38 = tpu.memref_slice %arg5[%add3A_20] : memref<320000xi32, #tpu.memory_space<hbm>> -> memref<80xi32, #tpu.memory_space<hbm>>
        tpu.enqueue_dma source(%dma_start3A_38 : memref<80xi32, #tpu.memory_space<hbm>>) target(%arg10 : memref<80xi32, #tpu.memory_space<vmem>>) target_semaphore(%run_scoped3A : memref<!tpu.dma_semaphore, #tpu.memory_space<semaphore_mem>>)
        %dma_wait3A_39 = tpu.memref_slice %arg5[%add3A_20] : memref<320000xi32, #tpu.memory_space<hbm>> -> memref<80xi32, #tpu.memory_space<hbm>>
        %dma_wait3A_40 = tpu.memref_slice %arg5[%add3A_20] : memref<320000xi32, #tpu.memory_space<hbm>> -> memref<80xi32, #tpu.memory_space<hbm>>
        tpu.wait_dma2 semaphore(%run_scoped3A : memref<!tpu.dma_semaphore, #tpu.memory_space<semaphore_mem>>) src(%dma_wait3A_40 : memref<80xi32, #tpu.memory_space<hbm>>) dst(%arg10 : memref<80xi32, #tpu.memory_space<vmem>>)
        tpu.yield
      }) : () -> ()
      "tpu.region"() ({
        %run_scoped3A = tpu.sem_alloc : memref<!tpu.dma_semaphore, #tpu.memory_space<semaphore_mem>>
        %dma_start3A_37 = tpu.memref_slice %arg6[%add3A_20] : memref<320000xf32, #tpu.memory_space<hbm>> -> memref<80xf32, #tpu.memory_space<hbm>>
        %dma_start3A_38 = tpu.memref_slice %arg6[%add3A_20] : memref<320000xf32, #tpu.memory_space<hbm>> -> memref<80xf32, #tpu.memory_space<hbm>>
        tpu.enqueue_dma source(%dma_start3A_38 : memref<80xf32, #tpu.memory_space<hbm>>) target(%arg11 : memref<80xf32, #tpu.memory_space<vmem>>) target_semaphore(%run_scoped3A : memref<!tpu.dma_semaphore, #tpu.memory_space<semaphore_mem>>)
        %dma_wait3A_39 = tpu.memref_slice %arg6[%add3A_20] : memref<320000xf32, #tpu.memory_space<hbm>> -> memref<80xf32, #tpu.memory_space<hbm>>
        %dma_wait3A_40 = tpu.memref_slice %arg6[%add3A_20] : memref<320000xf32, #tpu.memory_space<hbm>> -> memref<80xf32, #tpu.memory_space<hbm>>
        tpu.wait_dma2 semaphore(%run_scoped3A : memref<!tpu.dma_semaphore, #tpu.memory_space<semaphore_mem>>) src(%dma_wait3A_40 : memref<80xf32, #tpu.memory_space<hbm>>) dst(%arg11 : memref<80xf32, #tpu.memory_space<vmem>>)
        tpu.yield
      }) : () -> ()
      %dma_start3A = arith.constant 0 : i32
      %dma_start3A_21 = arith.constant 0 : i32
      %dma_start3A_22 = tpu.memref_slice %arg3[%dma_start3A, %dma_start3A_21] : memref<10000x128xf32, #tpu.memory_space<hbm>> -> memref<10000x128xf32, #tpu.memory_space<hbm>>
      tpu.enqueue_indirect_dma source(%dma_start3A_22 : memref<10000x128xf32, #tpu.memory_space<hbm>>) target(%arg13 : memref<80x128xf32, #tpu.memory_space<vmem>>) offsets(%arg9 : memref<80xi32, #tpu.memory_space<vmem>>) semaphore(%arg16 : memref<!tpu.dma_semaphore, #tpu.memory_space<semaphore_mem>>)
      %dma_start3A_23 = arith.constant 0 : i32
      %dma_start3A_24 = arith.constant 0 : i32
      %dma_start3A_25 = tpu.memref_slice %arg2[%dma_start3A_23, %dma_start3A_24] : memref<10000x128xf32, #tpu.memory_space<hbm>> -> memref<10000x128xf32, #tpu.memory_space<hbm>>
      tpu.enqueue_indirect_dma source(%dma_start3A_25 : memref<10000x128xf32, #tpu.memory_space<hbm>>) target(%arg12 : memref<80x128xf32, #tpu.memory_space<vmem>>) offsets(%arg10 : memref<80xi32, #tpu.memory_space<vmem>>) semaphore(%arg17 : memref<!tpu.dma_semaphore, #tpu.memory_space<semaphore_mem>>)
      %dma_wait3A = arith.constant 0 : i32
      %dma_wait3A_26 = arith.constant 0 : i32
      %dma_wait3A_27 = tpu.memref_slice %arg3[%dma_wait3A, %dma_wait3A_26] : memref<10000x128xf32, #tpu.memory_space<hbm>> -> memref<10000x128xf32, #tpu.memory_space<hbm>>
      tpu.wait_indirect_dma semaphore(%arg16 : memref<!tpu.dma_semaphore, #tpu.memory_space<semaphore_mem>>) src(%dma_wait3A_27 : memref<10000x128xf32, #tpu.memory_space<hbm>>) dst(%arg13 : memref<80x128xf32, #tpu.memory_space<vmem>>)
      %dma_wait3A_28 = arith.constant 0 : i32
      %dma_wait3A_29 = arith.constant 0 : i32
      %dma_wait3A_30 = tpu.memref_slice %arg2[%dma_wait3A_28, %dma_wait3A_29] : memref<10000x128xf32, #tpu.memory_space<hbm>> -> memref<10000x128xf32, #tpu.memory_space<hbm>>
      tpu.wait_indirect_dma semaphore(%arg17 : memref<!tpu.dma_semaphore, #tpu.memory_space<semaphore_mem>>) src(%dma_wait3A_30 : memref<10000x128xf32, #tpu.memory_space<hbm>>) dst(%arg12 : memref<80x128xf32, #tpu.memory_space<vmem>>)
      %scan3A_31 = arith.constant 0 : i32
      %scan3A_32 = arith.constant 0 : i32
      %scan3A_33 = arith.constant 5 : i32
      %scan3A_34 = arith.addi %scan3A_32, %scan3A_33 : i32
      %scan3A_35 = arith.constant 1 : i32
      scf.for %scan3A_37 = %scan3A_32 to %scan3A_34 step %scan3A_35  : i32 {
        %mul3A_38 = arith.constant 16 : i32
        %mul3A_39 = arith.muli %scan3A_37, %mul3A_38 : i32
        %iota3A = tpu.iota {dimensions = array<i32: 0>} : vector<16xi32>
        %add3A_40 = vector.broadcast %mul3A_39 : i32 to vector<16xi32>
        %add3A_41 = arith.addi %add3A_40, %iota3A : vector<16xi32>
        %mul3A_42 = arith.constant 16 : i32
        %mul3A_43 = arith.muli %scan3A_37, %mul3A_42 : i32
        %get3A = arith.index_cast %mul3A_43 : i32 to index
        %get3A_44 = tpu.vector_load %arg11[%get3A] {strides = array<i32>} : memref<80xf32, #tpu.memory_space<vmem>>, vector<16xf32>,
        %broadcast_in_dim3A = arith.constant 32 : i32
        %broadcast_in_dim3A_45 = vector.broadcast %broadcast_in_dim3A : i32 to vector<16xi32>
        %gather3A = tpu.vector_load_idx %arg12[%add3A_41, %broadcast_in_dim3A_45] : memref<80x128xf32, #tpu.memory_space<vmem>>[vector<16xi32>, vector<16xi32>], vector<16xf32>,
        %mul3A_46 = arith.mulf %gather3A, %get3A_44 : vector<16xf32>
        %broadcast_in_dim3A_47 = arith.constant 33 : i32
        %broadcast_in_dim3A_48 = vector.broadcast %broadcast_in_dim3A_47 : i32 to vector<16xi32>
        %gather3A_49 = tpu.vector_load_idx %arg12[%add3A_41, %broadcast_in_dim3A_48] : memref<80x128xf32, #tpu.memory_space<vmem>>[vector<16xi32>, vector<16xi32>], vector<16xf32>,
        %add3A_50 = arith.addf %mul3A_46, %gather3A_49 : vector<16xf32>
        %broadcast_in_dim3A_51 = arith.constant 0 : i32
        %broadcast_in_dim3A_52 = vector.broadcast %broadcast_in_dim3A_51 : i32 to vector<16xi32>
        %gather3A_53 = tpu.vector_load_idx %arg12[%add3A_41, %broadcast_in_dim3A_52] : memref<80x128xf32, #tpu.memory_space<vmem>>[vector<16xi32>, vector<16xi32>], vector<16xf32>,
        %gather3A_54 = tpu.vector_load_idx %arg13[%add3A_41, %broadcast_in_dim3A_52] : memref<80x128xf32, #tpu.memory_space<vmem>>[vector<16xi32>, vector<16xi32>], vector<16xf32>,
        %mul3A_55 = arith.mulf %gather3A_53, %gather3A_54 : vector<16xf32>
        %add3A_56 = arith.addf %add3A_50, %mul3A_55 : vector<16xf32>
        %broadcast_in_dim3A_57 = arith.constant 1 : i32
        %broadcast_in_dim3A_58 = vector.broadcast %broadcast_in_dim3A_57 : i32 to vector<16xi32>
        %gather3A_59 = tpu.vector_load_idx %arg12[%add3A_41, %broadcast_in_dim3A_58] : memref<80x128xf32, #tpu.memory_space<vmem>>[vector<16xi32>, vector<16xi32>], vector<16xf32>,
        %gather3A_60 = tpu.vector_load_idx %arg13[%add3A_41, %broadcast_in_dim3A_58] : memref<80x128xf32, #tpu.memory_space<vmem>>[vector<16xi32>, vector<16xi32>], vector<16xf32>,
        %mul3A_61 = arith.mulf %gather3A_59, %gather3A_60 : vector<16xf32>
        %add3A_62 = arith.addf %add3A_56, %mul3A_61 : vector<16xf32>
        %broadcast_in_dim3A_63 = arith.constant 2 : i32
        %broadcast_in_dim3A_64 = vector.broadcast %broadcast_in_dim3A_63 : i32 to vector<16xi32>
        %gather3A_65 = tpu.vector_load_idx %arg12[%add3A_41, %broadcast_in_dim3A_64] : memref<80x128xf32, #tpu.memory_space<vmem>>[vector<16xi32>, vector<16xi32>], vector<16xf32>,
        %gather3A_66 = tpu.vector_load_idx %arg13[%add3A_41, %broadcast_in_dim3A_64] : memref<80x128xf32, #tpu.memory_space<vmem>>[vector<16xi32>, vector<16xi32>], vector<16xf32>,
        %mul3A_67 = arith.mulf %gather3A_65, %gather3A_66 : vector<16xf32>
        %add3A_68 = arith.addf %add3A_62, %mul3A_67 : vector<16xf32>
        %broadcast_in_dim3A_69 = arith.constant 3 : i32
        %broadcast_in_dim3A_70 = vector.broadcast %broadcast_in_dim3A_69 : i32 to vector<16xi32>
        %gather3A_71 = tpu.vector_load_idx %arg12[%add3A_41, %broadcast_in_dim3A_70] : memref<80x128xf32, #tpu.memory_space<vmem>>[vector<16xi32>, vector<16xi32>], vector<16xf32>,
        %gather3A_72 = tpu.vector_load_idx %arg13[%add3A_41, %broadcast_in_dim3A_70] : memref<80x128xf32, #tpu.memory_space<vmem>>[vector<16xi32>, vector<16xi32>], vector<16xf32>,
        %mul3A_73 = arith.mulf %gather3A_71, %gather3A_72 : vector<16xf32>
        %add3A_74 = arith.addf %add3A_68, %mul3A_73 : vector<16xf32>
        %broadcast_in_dim3A_75 = arith.constant 4 : i32
        %broadcast_in_dim3A_76 = vector.broadcast %broadcast_in_dim3A_75 : i32 to vector<16xi32>
        %gather3A_77 = tpu.vector_load_idx %arg12[%add3A_41, %broadcast_in_dim3A_76] : memref<80x128xf32, #tpu.memory_space<vmem>>[vector<16xi32>, vector<16xi32>], vector<16xf32>,
        %gather3A_78 = tpu.vector_load_idx %arg13[%add3A_41, %broadcast_in_dim3A_76] : memref<80x128xf32, #tpu.memory_space<vmem>>[vector<16xi32>, vector<16xi32>], vector<16xf32>,
        %mul3A_79 = arith.mulf %gather3A_77, %gather3A_78 : vector<16xf32>
        %add3A_80 = arith.addf %add3A_74, %mul3A_79 : vector<16xf32>
        %broadcast_in_dim3A_81 = arith.constant 5 : i32
        %broadcast_in_dim3A_82 = vector.broadcast %broadcast_in_dim3A_81 : i32 to vector<16xi32>
        %gather3A_83 = tpu.vector_load_idx %arg12[%add3A_41, %broadcast_in_dim3A_82] : memref<80x128xf32, #tpu.memory_space<vmem>>[vector<16xi32>, vector<16xi32>], vector<16xf32>,
        %gather3A_84 = tpu.vector_load_idx %arg13[%add3A_41, %broadcast_in_dim3A_82] : memref<80x128xf32, #tpu.memory_space<vmem>>[vector<16xi32>, vector<16xi32>], vector<16xf32>,
        %mul3A_85 = arith.mulf %gather3A_83, %gather3A_84 : vector<16xf32>
        %add3A_86 = arith.addf %add3A_80, %mul3A_85 : vector<16xf32>
        %broadcast_in_dim3A_87 = arith.constant 6 : i32
        %broadcast_in_dim3A_88 = vector.broadcast %broadcast_in_dim3A_87 : i32 to vector<16xi32>
        %gather3A_89 = tpu.vector_load_idx %arg12[%add3A_41, %broadcast_in_dim3A_88] : memref<80x128xf32, #tpu.memory_space<vmem>>[vector<16xi32>, vector<16xi32>], vector<16xf32>,
        %gather3A_90 = tpu.vector_load_idx %arg13[%add3A_41, %broadcast_in_dim3A_88] : memref<80x128xf32, #tpu.memory_space<vmem>>[vector<16xi32>, vector<16xi32>], vector<16xf32>,
        %mul3A_91 = arith.mulf %gather3A_89, %gather3A_90 : vector<16xf32>
        %add3A_92 = arith.addf %add3A_86, %mul3A_91 : vector<16xf32>
        %broadcast_in_dim3A_93 = arith.constant 7 : i32
        %broadcast_in_dim3A_94 = vector.broadcast %broadcast_in_dim3A_93 : i32 to vector<16xi32>
        %gather3A_95 = tpu.vector_load_idx %arg12[%add3A_41, %broadcast_in_dim3A_94] : memref<80x128xf32, #tpu.memory_space<vmem>>[vector<16xi32>, vector<16xi32>], vector<16xf32>,
        %gather3A_96 = tpu.vector_load_idx %arg13[%add3A_41, %broadcast_in_dim3A_94] : memref<80x128xf32, #tpu.memory_space<vmem>>[vector<16xi32>, vector<16xi32>], vector<16xf32>,
        %mul3A_97 = arith.mulf %gather3A_95, %gather3A_96 : vector<16xf32>
        %add3A_98 = arith.addf %add3A_92, %mul3A_97 : vector<16xf32>
        %broadcast_in_dim3A_99 = arith.constant 8 : i32
        %broadcast_in_dim3A_100 = vector.broadcast %broadcast_in_dim3A_99 : i32 to vector<16xi32>
        %gather3A_101 = tpu.vector_load_idx %arg12[%add3A_41, %broadcast_in_dim3A_100] : memref<80x128xf32, #tpu.memory_space<vmem>>[vector<16xi32>, vector<16xi32>], vector<16xf32>,
        %gather3A_102 = tpu.vector_load_idx %arg13[%add3A_41, %broadcast_in_dim3A_100] : memref<80x128xf32, #tpu.memory_space<vmem>>[vector<16xi32>, vector<16xi32>], vector<16xf32>,
        %mul3A_103 = arith.mulf %gather3A_101, %gather3A_102 : vector<16xf32>
        %add3A_104 = arith.addf %add3A_98, %mul3A_103 : vector<16xf32>
        %broadcast_in_dim3A_105 = arith.constant 9 : i32
        %broadcast_in_dim3A_106 = vector.broadcast %broadcast_in_dim3A_105 : i32 to vector<16xi32>
        %gather3A_107 = tpu.vector_load_idx %arg12[%add3A_41, %broadcast_in_dim3A_106] : memref<80x128xf32, #tpu.memory_space<vmem>>[vector<16xi32>, vector<16xi32>], vector<16xf32>,
        %gather3A_108 = tpu.vector_load_idx %arg13[%add3A_41, %broadcast_in_dim3A_106] : memref<80x128xf32, #tpu.memory_space<vmem>>[vector<16xi32>, vector<16xi32>], vector<16xf32>,
        %mul3A_109 = arith.mulf %gather3A_107, %gather3A_108 : vector<16xf32>
        %add3A_110 = arith.addf %add3A_104, %mul3A_109 : vector<16xf32>
        %broadcast_in_dim3A_111 = arith.constant 10 : i32
        %broadcast_in_dim3A_112 = vector.broadcast %broadcast_in_dim3A_111 : i32 to vector<16xi32>
        %gather3A_113 = tpu.vector_load_idx %arg12[%add3A_41, %broadcast_in_dim3A_112] : memref<80x128xf32, #tpu.memory_space<vmem>>[vector<16xi32>, vector<16xi32>], vector<16xf32>,
        %gather3A_114 = tpu.vector_load_idx %arg13[%add3A_41, %broadcast_in_dim3A_112] : memref<80x128xf32, #tpu.memory_space<vmem>>[vector<16xi32>, vector<16xi32>], vector<16xf32>,
        %mul3A_115 = arith.mulf %gather3A_113, %gather3A_114 : vector<16xf32>
        %add3A_116 = arith.addf %add3A_110, %mul3A_115 : vector<16xf32>
        %broadcast_in_dim3A_117 = arith.constant 11 : i32
        %broadcast_in_dim3A_118 = vector.broadcast %broadcast_in_dim3A_117 : i32 to vector<16xi32>
        %gather3A_119 = tpu.vector_load_idx %arg12[%add3A_41, %broadcast_in_dim3A_118] : memref<80x128xf32, #tpu.memory_space<vmem>>[vector<16xi32>, vector<16xi32>], vector<16xf32>,
        %gather3A_120 = tpu.vector_load_idx %arg13[%add3A_41, %broadcast_in_dim3A_118] : memref<80x128xf32, #tpu.memory_space<vmem>>[vector<16xi32>, vector<16xi32>], vector<16xf32>,
        %mul3A_121 = arith.mulf %gather3A_119, %gather3A_120 : vector<16xf32>
        %add3A_122 = arith.addf %add3A_116, %mul3A_121 : vector<16xf32>
        %broadcast_in_dim3A_123 = arith.constant 12 : i32
        %broadcast_in_dim3A_124 = vector.broadcast %broadcast_in_dim3A_123 : i32 to vector<16xi32>
        %gather3A_125 = tpu.vector_load_idx %arg12[%add3A_41, %broadcast_in_dim3A_124] : memref<80x128xf32, #tpu.memory_space<vmem>>[vector<16xi32>, vector<16xi32>], vector<16xf32>,
        %gather3A_126 = tpu.vector_load_idx %arg13[%add3A_41, %broadcast_in_dim3A_124] : memref<80x128xf32, #tpu.memory_space<vmem>>[vector<16xi32>, vector<16xi32>], vector<16xf32>,
        %mul3A_127 = arith.mulf %gather3A_125, %gather3A_126 : vector<16xf32>
        %add3A_128 = arith.addf %add3A_122, %mul3A_127 : vector<16xf32>
        %broadcast_in_dim3A_129 = arith.constant 13 : i32
        %broadcast_in_dim3A_130 = vector.broadcast %broadcast_in_dim3A_129 : i32 to vector<16xi32>
        %gather3A_131 = tpu.vector_load_idx %arg12[%add3A_41, %broadcast_in_dim3A_130] : memref<80x128xf32, #tpu.memory_space<vmem>>[vector<16xi32>, vector<16xi32>], vector<16xf32>,
        %gather3A_132 = tpu.vector_load_idx %arg13[%add3A_41, %broadcast_in_dim3A_130] : memref<80x128xf32, #tpu.memory_space<vmem>>[vector<16xi32>, vector<16xi32>], vector<16xf32>,
        %mul3A_133 = arith.mulf %gather3A_131, %gather3A_132 : vector<16xf32>
        %add3A_134 = arith.addf %add3A_128, %mul3A_133 : vector<16xf32>
        %broadcast_in_dim3A_135 = arith.constant 14 : i32
        %broadcast_in_dim3A_136 = vector.broadcast %broadcast_in_dim3A_135 : i32 to vector<16xi32>
        %gather3A_137 = tpu.vector_load_idx %arg12[%add3A_41, %broadcast_in_dim3A_136] : memref<80x128xf32, #tpu.memory_space<vmem>>[vector<16xi32>, vector<16xi32>], vector<16xf32>,
        %gather3A_138 = tpu.vector_load_idx %arg13[%add3A_41, %broadcast_in_dim3A_136] : memref<80x128xf32, #tpu.memory_space<vmem>>[vector<16xi32>, vector<16xi32>], vector<16xf32>,
        %mul3A_139 = arith.mulf %gather3A_137, %gather3A_138 : vector<16xf32>
        %add3A_140 = arith.addf %add3A_134, %mul3A_139 : vector<16xf32>
        %broadcast_in_dim3A_141 = arith.constant 15 : i32
        %broadcast_in_dim3A_142 = vector.broadcast %broadcast_in_dim3A_141 : i32 to vector<16xi32>
        %gather3A_143 = tpu.vector_load_idx %arg12[%add3A_41, %broadcast_in_dim3A_142] : memref<80x128xf32, #tpu.memory_space<vmem>>[vector<16xi32>, vector<16xi32>], vector<16xf32>,
        %gather3A_144 = tpu.vector_load_idx %arg13[%add3A_41, %broadcast_in_dim3A_142] : memref<80x128xf32, #tpu.memory_space<vmem>>[vector<16xi32>, vector<16xi32>], vector<16xf32>,
        %mul3A_145 = arith.mulf %gather3A_143, %gather3A_144 : vector<16xf32>
        %add3A_146 = arith.addf %add3A_140, %mul3A_145 : vector<16xf32>
        %broadcast_in_dim3A_147 = arith.constant 16 : i32
        %broadcast_in_dim3A_148 = vector.broadcast %broadcast_in_dim3A_147 : i32 to vector<16xi32>
        %gather3A_149 = tpu.vector_load_idx %arg12[%add3A_41, %broadcast_in_dim3A_148] : memref<80x128xf32, #tpu.memory_space<vmem>>[vector<16xi32>, vector<16xi32>], vector<16xf32>,
        %gather3A_150 = tpu.vector_load_idx %arg13[%add3A_41, %broadcast_in_dim3A_148] : memref<80x128xf32, #tpu.memory_space<vmem>>[vector<16xi32>, vector<16xi32>], vector<16xf32>,
        %mul3A_151 = arith.mulf %gather3A_149, %gather3A_150 : vector<16xf32>
        %add3A_152 = arith.addf %add3A_146, %mul3A_151 : vector<16xf32>
        %broadcast_in_dim3A_153 = arith.constant 17 : i32
        %broadcast_in_dim3A_154 = vector.broadcast %broadcast_in_dim3A_153 : i32 to vector<16xi32>
        %gather3A_155 = tpu.vector_load_idx %arg12[%add3A_41, %broadcast_in_dim3A_154] : memref<80x128xf32, #tpu.memory_space<vmem>>[vector<16xi32>, vector<16xi32>], vector<16xf32>,
        %gather3A_156 = tpu.vector_load_idx %arg13[%add3A_41, %broadcast_in_dim3A_154] : memref<80x128xf32, #tpu.memory_space<vmem>>[vector<16xi32>, vector<16xi32>], vector<16xf32>,
        %mul3A_157 = arith.mulf %gather3A_155, %gather3A_156 : vector<16xf32>
        %add3A_158 = arith.addf %add3A_152, %mul3A_157 : vector<16xf32>
        %broadcast_in_dim3A_159 = arith.constant 18 : i32
        %broadcast_in_dim3A_160 = vector.broadcast %broadcast_in_dim3A_159 : i32 to vector<16xi32>
        %gather3A_161 = tpu.vector_load_idx %arg12[%add3A_41, %broadcast_in_dim3A_160] : memref<80x128xf32, #tpu.memory_space<vmem>>[vector<16xi32>, vector<16xi32>], vector<16xf32>,
        %gather3A_162 = tpu.vector_load_idx %arg13[%add3A_41, %broadcast_in_dim3A_160] : memref<80x128xf32, #tpu.memory_space<vmem>>[vector<16xi32>, vector<16xi32>], vector<16xf32>,
        %mul3A_163 = arith.mulf %gather3A_161, %gather3A_162 : vector<16xf32>
        %add3A_164 = arith.addf %add3A_158, %mul3A_163 : vector<16xf32>
        %broadcast_in_dim3A_165 = arith.constant 19 : i32
        %broadcast_in_dim3A_166 = vector.broadcast %broadcast_in_dim3A_165 : i32 to vector<16xi32>
        %gather3A_167 = tpu.vector_load_idx %arg12[%add3A_41, %broadcast_in_dim3A_166] : memref<80x128xf32, #tpu.memory_space<vmem>>[vector<16xi32>, vector<16xi32>], vector<16xf32>,
        %gather3A_168 = tpu.vector_load_idx %arg13[%add3A_41, %broadcast_in_dim3A_166] : memref<80x128xf32, #tpu.memory_space<vmem>>[vector<16xi32>, vector<16xi32>], vector<16xf32>,
        %mul3A_169 = arith.mulf %gather3A_167, %gather3A_168 : vector<16xf32>
        %add3A_170 = arith.addf %add3A_164, %mul3A_169 : vector<16xf32>
        %broadcast_in_dim3A_171 = arith.constant 20 : i32
        %broadcast_in_dim3A_172 = vector.broadcast %broadcast_in_dim3A_171 : i32 to vector<16xi32>
        %gather3A_173 = tpu.vector_load_idx %arg12[%add3A_41, %broadcast_in_dim3A_172] : memref<80x128xf32, #tpu.memory_space<vmem>>[vector<16xi32>, vector<16xi32>], vector<16xf32>,
        %gather3A_174 = tpu.vector_load_idx %arg13[%add3A_41, %broadcast_in_dim3A_172] : memref<80x128xf32, #tpu.memory_space<vmem>>[vector<16xi32>, vector<16xi32>], vector<16xf32>,
        %mul3A_175 = arith.mulf %gather3A_173, %gather3A_174 : vector<16xf32>
        %add3A_176 = arith.addf %add3A_170, %mul3A_175 : vector<16xf32>
        %broadcast_in_dim3A_177 = arith.constant 21 : i32
        %broadcast_in_dim3A_178 = vector.broadcast %broadcast_in_dim3A_177 : i32 to vector<16xi32>
        %gather3A_179 = tpu.vector_load_idx %arg12[%add3A_41, %broadcast_in_dim3A_178] : memref<80x128xf32, #tpu.memory_space<vmem>>[vector<16xi32>, vector<16xi32>], vector<16xf32>,
        %gather3A_180 = tpu.vector_load_idx %arg13[%add3A_41, %broadcast_in_dim3A_178] : memref<80x128xf32, #tpu.memory_space<vmem>>[vector<16xi32>, vector<16xi32>], vector<16xf32>,
        %mul3A_181 = arith.mulf %gather3A_179, %gather3A_180 : vector<16xf32>
        %add3A_182 = arith.addf %add3A_176, %mul3A_181 : vector<16xf32>
        %broadcast_in_dim3A_183 = arith.constant 22 : i32
        %broadcast_in_dim3A_184 = vector.broadcast %broadcast_in_dim3A_183 : i32 to vector<16xi32>
        %gather3A_185 = tpu.vector_load_idx %arg12[%add3A_41, %broadcast_in_dim3A_184] : memref<80x128xf32, #tpu.memory_space<vmem>>[vector<16xi32>, vector<16xi32>], vector<16xf32>,
        %gather3A_186 = tpu.vector_load_idx %arg13[%add3A_41, %broadcast_in_dim3A_184] : memref<80x128xf32, #tpu.memory_space<vmem>>[vector<16xi32>, vector<16xi32>], vector<16xf32>,
        %mul3A_187 = arith.mulf %gather3A_185, %gather3A_186 : vector<16xf32>
        %add3A_188 = arith.addf %add3A_182, %mul3A_187 : vector<16xf32>
        %broadcast_in_dim3A_189 = arith.constant 23 : i32
        %broadcast_in_dim3A_190 = vector.broadcast %broadcast_in_dim3A_189 : i32 to vector<16xi32>
        %gather3A_191 = tpu.vector_load_idx %arg12[%add3A_41, %broadcast_in_dim3A_190] : memref<80x128xf32, #tpu.memory_space<vmem>>[vector<16xi32>, vector<16xi32>], vector<16xf32>,
        %gather3A_192 = tpu.vector_load_idx %arg13[%add3A_41, %broadcast_in_dim3A_190] : memref<80x128xf32, #tpu.memory_space<vmem>>[vector<16xi32>, vector<16xi32>], vector<16xf32>,
        %mul3A_193 = arith.mulf %gather3A_191, %gather3A_192 : vector<16xf32>
        %add3A_194 = arith.addf %add3A_188, %mul3A_193 : vector<16xf32>
        %broadcast_in_dim3A_195 = arith.constant 24 : i32
        %broadcast_in_dim3A_196 = vector.broadcast %broadcast_in_dim3A_195 : i32 to vector<16xi32>
        %gather3A_197 = tpu.vector_load_idx %arg12[%add3A_41, %broadcast_in_dim3A_196] : memref<80x128xf32, #tpu.memory_space<vmem>>[vector<16xi32>, vector<16xi32>], vector<16xf32>,
        %gather3A_198 = tpu.vector_load_idx %arg13[%add3A_41, %broadcast_in_dim3A_196] : memref<80x128xf32, #tpu.memory_space<vmem>>[vector<16xi32>, vector<16xi32>], vector<16xf32>,
        %mul3A_199 = arith.mulf %gather3A_197, %gather3A_198 : vector<16xf32>
        %add3A_200 = arith.addf %add3A_194, %mul3A_199 : vector<16xf32>
        %broadcast_in_dim3A_201 = arith.constant 25 : i32
        %broadcast_in_dim3A_202 = vector.broadcast %broadcast_in_dim3A_201 : i32 to vector<16xi32>
        %gather3A_203 = tpu.vector_load_idx %arg12[%add3A_41, %broadcast_in_dim3A_202] : memref<80x128xf32, #tpu.memory_space<vmem>>[vector<16xi32>, vector<16xi32>], vector<16xf32>,
        %gather3A_204 = tpu.vector_load_idx %arg13[%add3A_41, %broadcast_in_dim3A_202] : memref<80x128xf32, #tpu.memory_space<vmem>>[vector<16xi32>, vector<16xi32>], vector<16xf32>,
        %mul3A_205 = arith.mulf %gather3A_203, %gather3A_204 : vector<16xf32>
        %add3A_206 = arith.addf %add3A_200, %mul3A_205 : vector<16xf32>
        %broadcast_in_dim3A_207 = arith.constant 26 : i32
        %broadcast_in_dim3A_208 = vector.broadcast %broadcast_in_dim3A_207 : i32 to vector<16xi32>
        %gather3A_209 = tpu.vector_load_idx %arg12[%add3A_41, %broadcast_in_dim3A_208] : memref<80x128xf32, #tpu.memory_space<vmem>>[vector<16xi32>, vector<16xi32>], vector<16xf32>,
        %gather3A_210 = tpu.vector_load_idx %arg13[%add3A_41, %broadcast_in_dim3A_208] : memref<80x128xf32, #tpu.memory_space<vmem>>[vector<16xi32>, vector<16xi32>], vector<16xf32>,
        %mul3A_211 = arith.mulf %gather3A_209, %gather3A_210 : vector<16xf32>
        %add3A_212 = arith.addf %add3A_206, %mul3A_211 : vector<16xf32>
        %broadcast_in_dim3A_213 = arith.constant 27 : i32
        %broadcast_in_dim3A_214 = vector.broadcast %broadcast_in_dim3A_213 : i32 to vector<16xi32>
        %gather3A_215 = tpu.vector_load_idx %arg12[%add3A_41, %broadcast_in_dim3A_214] : memref<80x128xf32, #tpu.memory_space<vmem>>[vector<16xi32>, vector<16xi32>], vector<16xf32>,
        %gather3A_216 = tpu.vector_load_idx %arg13[%add3A_41, %broadcast_in_dim3A_214] : memref<80x128xf32, #tpu.memory_space<vmem>>[vector<16xi32>, vector<16xi32>], vector<16xf32>,
        %mul3A_217 = arith.mulf %gather3A_215, %gather3A_216 : vector<16xf32>
        %add3A_218 = arith.addf %add3A_212, %mul3A_217 : vector<16xf32>
        %broadcast_in_dim3A_219 = arith.constant 28 : i32
        %broadcast_in_dim3A_220 = vector.broadcast %broadcast_in_dim3A_219 : i32 to vector<16xi32>
        %gather3A_221 = tpu.vector_load_idx %arg12[%add3A_41, %broadcast_in_dim3A_220] : memref<80x128xf32, #tpu.memory_space<vmem>>[vector<16xi32>, vector<16xi32>], vector<16xf32>,
        %gather3A_222 = tpu.vector_load_idx %arg13[%add3A_41, %broadcast_in_dim3A_220] : memref<80x128xf32, #tpu.memory_space<vmem>>[vector<16xi32>, vector<16xi32>], vector<16xf32>,
        %mul3A_223 = arith.mulf %gather3A_221, %gather3A_222 : vector<16xf32>
        %add3A_224 = arith.addf %add3A_218, %mul3A_223 : vector<16xf32>
        %broadcast_in_dim3A_225 = arith.constant 29 : i32
        %broadcast_in_dim3A_226 = vector.broadcast %broadcast_in_dim3A_225 : i32 to vector<16xi32>
        %gather3A_227 = tpu.vector_load_idx %arg12[%add3A_41, %broadcast_in_dim3A_226] : memref<80x128xf32, #tpu.memory_space<vmem>>[vector<16xi32>, vector<16xi32>], vector<16xf32>,
        %gather3A_228 = tpu.vector_load_idx %arg13[%add3A_41, %broadcast_in_dim3A_226] : memref<80x128xf32, #tpu.memory_space<vmem>>[vector<16xi32>, vector<16xi32>], vector<16xf32>,
        %mul3A_229 = arith.mulf %gather3A_227, %gather3A_228 : vector<16xf32>
        %add3A_230 = arith.addf %add3A_224, %mul3A_229 : vector<16xf32>
        %broadcast_in_dim3A_231 = arith.constant 30 : i32
        %broadcast_in_dim3A_232 = vector.broadcast %broadcast_in_dim3A_231 : i32 to vector<16xi32>
        %gather3A_233 = tpu.vector_load_idx %arg12[%add3A_41, %broadcast_in_dim3A_232] : memref<80x128xf32, #tpu.memory_space<vmem>>[vector<16xi32>, vector<16xi32>], vector<16xf32>,
        %gather3A_234 = tpu.vector_load_idx %arg13[%add3A_41, %broadcast_in_dim3A_232] : memref<80x128xf32, #tpu.memory_space<vmem>>[vector<16xi32>, vector<16xi32>], vector<16xf32>,
        %mul3A_235 = arith.mulf %gather3A_233, %gather3A_234 : vector<16xf32>
        %add3A_236 = arith.addf %add3A_230, %mul3A_235 : vector<16xf32>
        %broadcast_in_dim3A_237 = arith.constant 31 : i32
        %broadcast_in_dim3A_238 = vector.broadcast %broadcast_in_dim3A_237 : i32 to vector<16xi32>
        %gather3A_239 = tpu.vector_load_idx %arg12[%add3A_41, %broadcast_in_dim3A_238] : memref<80x128xf32, #tpu.memory_space<vmem>>[vector<16xi32>, vector<16xi32>], vector<16xf32>,
        %gather3A_240 = tpu.vector_load_idx %arg13[%add3A_41, %broadcast_in_dim3A_238] : memref<80x128xf32, #tpu.memory_space<vmem>>[vector<16xi32>, vector<16xi32>], vector<16xf32>,
        %mul3A_241 = arith.mulf %gather3A_239, %gather3A_240 : vector<16xf32>
        %add3A_242 = arith.addf %add3A_236, %mul3A_241 : vector<16xf32>
        %exp3A = math.exp %add3A_242 : vector<16xf32>
        %broadcast_in_dim3A_243 = arith.constant 32 : i32
        %broadcast_in_dim3A_244 = vector.broadcast %broadcast_in_dim3A_243 : i32 to vector<16xi32>
        %gather3A_245 = tpu.vector_load_idx %arg13[%add3A_41, %broadcast_in_dim3A_244] : memref<80x128xf32, #tpu.memory_space<vmem>>[vector<16xi32>, vector<16xi32>], vector<16xf32>,
        %broadcast_in_dim3A_246 = arith.constant 0 : i32
        %broadcast_in_dim3A_247 = vector.broadcast %broadcast_in_dim3A_246 : i32 to vector<16xi32>
        %mul3A_248 = arith.mulf %gather3A_245, %exp3A : vector<16xf32>
        tpu.vector_store_idx %arg14[%add3A_41, %broadcast_in_dim3A_247], %mul3A_248 : memref<80x128xf32, #tpu.memory_space<vmem>>[vector<16xi32>, vector<16xi32>], vector<16xf32>,
        %broadcast_in_dim3A_249 = arith.constant 33 : i32
        %broadcast_in_dim3A_250 = vector.broadcast %broadcast_in_dim3A_249 : i32 to vector<16xi32>
        %gather3A_251 = tpu.vector_load_idx %arg13[%add3A_41, %broadcast_in_dim3A_250] : memref<80x128xf32, #tpu.memory_space<vmem>>[vector<16xi32>, vector<16xi32>], vector<16xf32>,
        %broadcast_in_dim3A_252 = arith.constant 1 : i32
        %broadcast_in_dim3A_253 = vector.broadcast %broadcast_in_dim3A_252 : i32 to vector<16xi32>
        %mul3A_254 = arith.mulf %gather3A_251, %exp3A : vector<16xf32>
        tpu.vector_store_idx %arg14[%add3A_41, %broadcast_in_dim3A_253], %mul3A_254 : memref<80x128xf32, #tpu.memory_space<vmem>>[vector<16xi32>, vector<16xi32>], vector<16xf32>,
        %broadcast_in_dim3A_255 = arith.constant 34 : i32
        %broadcast_in_dim3A_256 = vector.broadcast %broadcast_in_dim3A_255 : i32 to vector<16xi32>
        %gather3A_257 = tpu.vector_load_idx %arg13[%add3A_41, %broadcast_in_dim3A_256] : memref<80x128xf32, #tpu.memory_space<vmem>>[vector<16xi32>, vector<16xi32>], vector<16xf32>,
        %broadcast_in_dim3A_258 = arith.constant 2 : i32
        %broadcast_in_dim3A_259 = vector.broadcast %broadcast_in_dim3A_258 : i32 to vector<16xi32>
        %mul3A_260 = arith.mulf %gather3A_257, %exp3A : vector<16xf32>
        tpu.vector_store_idx %arg14[%add3A_41, %broadcast_in_dim3A_259], %mul3A_260 : memref<80x128xf32, #tpu.memory_space<vmem>>[vector<16xi32>, vector<16xi32>], vector<16xf32>,
        %broadcast_in_dim3A_261 = arith.constant 35 : i32
        %broadcast_in_dim3A_262 = vector.broadcast %broadcast_in_dim3A_261 : i32 to vector<16xi32>
        %gather3A_263 = tpu.vector_load_idx %arg13[%add3A_41, %broadcast_in_dim3A_262] : memref<80x128xf32, #tpu.memory_space<vmem>>[vector<16xi32>, vector<16xi32>], vector<16xf32>,
        %broadcast_in_dim3A_264 = arith.constant 3 : i32
        %broadcast_in_dim3A_265 = vector.broadcast %broadcast_in_dim3A_264 : i32 to vector<16xi32>
        %mul3A_266 = arith.mulf %gather3A_263, %exp3A : vector<16xf32>
        tpu.vector_store_idx %arg14[%add3A_41, %broadcast_in_dim3A_265], %mul3A_266 : memref<80x128xf32, #tpu.memory_space<vmem>>[vector<16xi32>, vector<16xi32>], vector<16xf32>,
        %broadcast_in_dim3A_267 = arith.constant 36 : i32
        %broadcast_in_dim3A_268 = vector.broadcast %broadcast_in_dim3A_267 : i32 to vector<16xi32>
        %gather3A_269 = tpu.vector_load_idx %arg13[%add3A_41, %broadcast_in_dim3A_268] : memref<80x128xf32, #tpu.memory_space<vmem>>[vector<16xi32>, vector<16xi32>], vector<16xf32>,
        %broadcast_in_dim3A_270 = arith.constant 4 : i32
        %broadcast_in_dim3A_271 = vector.broadcast %broadcast_in_dim3A_270 : i32 to vector<16xi32>
        %mul3A_272 = arith.mulf %gather3A_269, %exp3A : vector<16xf32>
        tpu.vector_store_idx %arg14[%add3A_41, %broadcast_in_dim3A_271], %mul3A_272 : memref<80x128xf32, #tpu.memory_space<vmem>>[vector<16xi32>, vector<16xi32>], vector<16xf32>,
        %broadcast_in_dim3A_273 = arith.constant 37 : i32
        %broadcast_in_dim3A_274 = vector.broadcast %broadcast_in_dim3A_273 : i32 to vector<16xi32>
        %gather3A_275 = tpu.vector_load_idx %arg13[%add3A_41, %broadcast_in_dim3A_274] : memref<80x128xf32, #tpu.memory_space<vmem>>[vector<16xi32>, vector<16xi32>], vector<16xf32>,
        %broadcast_in_dim3A_276 = arith.constant 5 : i32
        %broadcast_in_dim3A_277 = vector.broadcast %broadcast_in_dim3A_276 : i32 to vector<16xi32>
        %mul3A_278 = arith.mulf %gather3A_275, %exp3A : vector<16xf32>
        tpu.vector_store_idx %arg14[%add3A_41, %broadcast_in_dim3A_277], %mul3A_278 : memref<80x128xf32, #tpu.memory_space<vmem>>[vector<16xi32>, vector<16xi32>], vector<16xf32>,
        %broadcast_in_dim3A_279 = arith.constant 38 : i32
        %broadcast_in_dim3A_280 = vector.broadcast %broadcast_in_dim3A_279 : i32 to vector<16xi32>
        %gather3A_281 = tpu.vector_load_idx %arg13[%add3A_41, %broadcast_in_dim3A_280] : memref<80x128xf32, #tpu.memory_space<vmem>>[vector<16xi32>, vector<16xi32>], vector<16xf32>,
        %broadcast_in_dim3A_282 = arith.constant 6 : i32
        %broadcast_in_dim3A_283 = vector.broadcast %broadcast_in_dim3A_282 : i32 to vector<16xi32>
        %mul3A_284 = arith.mulf %gather3A_281, %exp3A : vector<16xf32>
        tpu.vector_store_idx %arg14[%add3A_41, %broadcast_in_dim3A_283], %mul3A_284 : memref<80x128xf32, #tpu.memory_space<vmem>>[vector<16xi32>, vector<16xi32>], vector<16xf32>,
        %broadcast_in_dim3A_285 = arith.constant 39 : i32
        %broadcast_in_dim3A_286 = vector.broadcast %broadcast_in_dim3A_285 : i32 to vector<16xi32>
        %gather3A_287 = tpu.vector_load_idx %arg13[%add3A_41, %broadcast_in_dim3A_286] : memref<80x128xf32, #tpu.memory_space<vmem>>[vector<16xi32>, vector<16xi32>], vector<16xf32>,
        %broadcast_in_dim3A_288 = arith.constant 7 : i32
        %broadcast_in_dim3A_289 = vector.broadcast %broadcast_in_dim3A_288 : i32 to vector<16xi32>
        %mul3A_290 = arith.mulf %gather3A_287, %exp3A : vector<16xf32>
        tpu.vector_store_idx %arg14[%add3A_41, %broadcast_in_dim3A_289], %mul3A_290 : memref<80x128xf32, #tpu.memory_space<vmem>>[vector<16xi32>, vector<16xi32>], vector<16xf32>,
        %broadcast_in_dim3A_291 = arith.constant 40 : i32
        %broadcast_in_dim3A_292 = vector.broadcast %broadcast_in_dim3A_291 : i32 to vector<16xi32>
        %gather3A_293 = tpu.vector_load_idx %arg13[%add3A_41, %broadcast_in_dim3A_292] : memref<80x128xf32, #tpu.memory_space<vmem>>[vector<16xi32>, vector<16xi32>], vector<16xf32>,
        %broadcast_in_dim3A_294 = arith.constant 8 : i32
        %broadcast_in_dim3A_295 = vector.broadcast %broadcast_in_dim3A_294 : i32 to vector<16xi32>
        %mul3A_296 = arith.mulf %gather3A_293, %exp3A : vector<16xf32>
        tpu.vector_store_idx %arg14[%add3A_41, %broadcast_in_dim3A_295], %mul3A_296 : memref<80x128xf32, #tpu.memory_space<vmem>>[vector<16xi32>, vector<16xi32>], vector<16xf32>,
        %broadcast_in_dim3A_297 = arith.constant 41 : i32
        %broadcast_in_dim3A_298 = vector.broadcast %broadcast_in_dim3A_297 : i32 to vector<16xi32>
        %gather3A_299 = tpu.vector_load_idx %arg13[%add3A_41, %broadcast_in_dim3A_298] : memref<80x128xf32, #tpu.memory_space<vmem>>[vector<16xi32>, vector<16xi32>], vector<16xf32>,
        %broadcast_in_dim3A_300 = arith.constant 9 : i32
        %broadcast_in_dim3A_301 = vector.broadcast %broadcast_in_dim3A_300 : i32 to vector<16xi32>
        %mul3A_302 = arith.mulf %gather3A_299, %exp3A : vector<16xf32>
        tpu.vector_store_idx %arg14[%add3A_41, %broadcast_in_dim3A_301], %mul3A_302 : memref<80x128xf32, #tpu.memory_space<vmem>>[vector<16xi32>, vector<16xi32>], vector<16xf32>,
        %broadcast_in_dim3A_303 = arith.constant 42 : i32
        %broadcast_in_dim3A_304 = vector.broadcast %broadcast_in_dim3A_303 : i32 to vector<16xi32>
        %gather3A_305 = tpu.vector_load_idx %arg13[%add3A_41, %broadcast_in_dim3A_304] : memref<80x128xf32, #tpu.memory_space<vmem>>[vector<16xi32>, vector<16xi32>], vector<16xf32>,
        %broadcast_in_dim3A_306 = arith.constant 10 : i32
        %broadcast_in_dim3A_307 = vector.broadcast %broadcast_in_dim3A_306 : i32 to vector<16xi32>
        %mul3A_308 = arith.mulf %gather3A_305, %exp3A : vector<16xf32>
        tpu.vector_store_idx %arg14[%add3A_41, %broadcast_in_dim3A_307], %mul3A_308 : memref<80x128xf32, #tpu.memory_space<vmem>>[vector<16xi32>, vector<16xi32>], vector<16xf32>,
        %broadcast_in_dim3A_309 = arith.constant 43 : i32
        %broadcast_in_dim3A_310 = vector.broadcast %broadcast_in_dim3A_309 : i32 to vector<16xi32>
        %gather3A_311 = tpu.vector_load_idx %arg13[%add3A_41, %broadcast_in_dim3A_310] : memref<80x128xf32, #tpu.memory_space<vmem>>[vector<16xi32>, vector<16xi32>], vector<16xf32>,
        %broadcast_in_dim3A_312 = arith.constant 11 : i32
        %broadcast_in_dim3A_313 = vector.broadcast %broadcast_in_dim3A_312 : i32 to vector<16xi32>
        %mul3A_314 = arith.mulf %gather3A_311, %exp3A : vector<16xf32>
        tpu.vector_store_idx %arg14[%add3A_41, %broadcast_in_dim3A_313], %mul3A_314 : memref<80x128xf32, #tpu.memory_space<vmem>>[vector<16xi32>, vector<16xi32>], vector<16xf32>,
        %broadcast_in_dim3A_315 = arith.constant 44 : i32
        %broadcast_in_dim3A_316 = vector.broadcast %broadcast_in_dim3A_315 : i32 to vector<16xi32>
        %gather3A_317 = tpu.vector_load_idx %arg13[%add3A_41, %broadcast_in_dim3A_316] : memref<80x128xf32, #tpu.memory_space<vmem>>[vector<16xi32>, vector<16xi32>], vector<16xf32>,
        %broadcast_in_dim3A_318 = arith.constant 12 : i32
        %broadcast_in_dim3A_319 = vector.broadcast %broadcast_in_dim3A_318 : i32 to vector<16xi32>
        %mul3A_320 = arith.mulf %gather3A_317, %exp3A : vector<16xf32>
        tpu.vector_store_idx %arg14[%add3A_41, %broadcast_in_dim3A_319], %mul3A_320 : memref<80x128xf32, #tpu.memory_space<vmem>>[vector<16xi32>, vector<16xi32>], vector<16xf32>,
        %broadcast_in_dim3A_321 = arith.constant 45 : i32
        %broadcast_in_dim3A_322 = vector.broadcast %broadcast_in_dim3A_321 : i32 to vector<16xi32>
        %gather3A_323 = tpu.vector_load_idx %arg13[%add3A_41, %broadcast_in_dim3A_322] : memref<80x128xf32, #tpu.memory_space<vmem>>[vector<16xi32>, vector<16xi32>], vector<16xf32>,
        %broadcast_in_dim3A_324 = arith.constant 13 : i32
        %broadcast_in_dim3A_325 = vector.broadcast %broadcast_in_dim3A_324 : i32 to vector<16xi32>
        %mul3A_326 = arith.mulf %gather3A_323, %exp3A : vector<16xf32>
        tpu.vector_store_idx %arg14[%add3A_41, %broadcast_in_dim3A_325], %mul3A_326 : memref<80x128xf32, #tpu.memory_space<vmem>>[vector<16xi32>, vector<16xi32>], vector<16xf32>,
        %broadcast_in_dim3A_327 = arith.constant 46 : i32
        %broadcast_in_dim3A_328 = vector.broadcast %broadcast_in_dim3A_327 : i32 to vector<16xi32>
        %gather3A_329 = tpu.vector_load_idx %arg13[%add3A_41, %broadcast_in_dim3A_328] : memref<80x128xf32, #tpu.memory_space<vmem>>[vector<16xi32>, vector<16xi32>], vector<16xf32>,
        %broadcast_in_dim3A_330 = arith.constant 14 : i32
        %broadcast_in_dim3A_331 = vector.broadcast %broadcast_in_dim3A_330 : i32 to vector<16xi32>
        %mul3A_332 = arith.mulf %gather3A_329, %exp3A : vector<16xf32>
        tpu.vector_store_idx %arg14[%add3A_41, %broadcast_in_dim3A_331], %mul3A_332 : memref<80x128xf32, #tpu.memory_space<vmem>>[vector<16xi32>, vector<16xi32>], vector<16xf32>,
        %broadcast_in_dim3A_333 = arith.constant 47 : i32
        %broadcast_in_dim3A_334 = vector.broadcast %broadcast_in_dim3A_333 : i32 to vector<16xi32>
        %gather3A_335 = tpu.vector_load_idx %arg13[%add3A_41, %broadcast_in_dim3A_334] : memref<80x128xf32, #tpu.memory_space<vmem>>[vector<16xi32>, vector<16xi32>], vector<16xf32>,
        %broadcast_in_dim3A_336 = arith.constant 15 : i32
        %broadcast_in_dim3A_337 = vector.broadcast %broadcast_in_dim3A_336 : i32 to vector<16xi32>
        %mul3A_338 = arith.mulf %gather3A_335, %exp3A : vector<16xf32>
        tpu.vector_store_idx %arg14[%add3A_41, %broadcast_in_dim3A_337], %mul3A_338 : memref<80x128xf32, #tpu.memory_space<vmem>>[vector<16xi32>, vector<16xi32>], vector<16xf32>,
        %broadcast_in_dim3A_339 = arith.constant 48 : i32
        %broadcast_in_dim3A_340 = vector.broadcast %broadcast_in_dim3A_339 : i32 to vector<16xi32>
        %gather3A_341 = tpu.vector_load_idx %arg13[%add3A_41, %broadcast_in_dim3A_340] : memref<80x128xf32, #tpu.memory_space<vmem>>[vector<16xi32>, vector<16xi32>], vector<16xf32>,
        %broadcast_in_dim3A_342 = arith.constant 16 : i32
        %broadcast_in_dim3A_343 = vector.broadcast %broadcast_in_dim3A_342 : i32 to vector<16xi32>
        %mul3A_344 = arith.mulf %gather3A_341, %exp3A : vector<16xf32>
        tpu.vector_store_idx %arg14[%add3A_41, %broadcast_in_dim3A_343], %mul3A_344 : memref<80x128xf32, #tpu.memory_space<vmem>>[vector<16xi32>, vector<16xi32>], vector<16xf32>,
        %broadcast_in_dim3A_345 = arith.constant 49 : i32
        %broadcast_in_dim3A_346 = vector.broadcast %broadcast_in_dim3A_345 : i32 to vector<16xi32>
        %gather3A_347 = tpu.vector_load_idx %arg13[%add3A_41, %broadcast_in_dim3A_346] : memref<80x128xf32, #tpu.memory_space<vmem>>[vector<16xi32>, vector<16xi32>], vector<16xf32>,
        %broadcast_in_dim3A_348 = arith.constant 17 : i32
        %broadcast_in_dim3A_349 = vector.broadcast %broadcast_in_dim3A_348 : i32 to vector<16xi32>
        %mul3A_350 = arith.mulf %gather3A_347, %exp3A : vector<16xf32>
        tpu.vector_store_idx %arg14[%add3A_41, %broadcast_in_dim3A_349], %mul3A_350 : memref<80x128xf32, #tpu.memory_space<vmem>>[vector<16xi32>, vector<16xi32>], vector<16xf32>,
        %broadcast_in_dim3A_351 = arith.constant 50 : i32
        %broadcast_in_dim3A_352 = vector.broadcast %broadcast_in_dim3A_351 : i32 to vector<16xi32>
        %gather3A_353 = tpu.vector_load_idx %arg13[%add3A_41, %broadcast_in_dim3A_352] : memref<80x128xf32, #tpu.memory_space<vmem>>[vector<16xi32>, vector<16xi32>], vector<16xf32>,
        %broadcast_in_dim3A_354 = arith.constant 18 : i32
        %broadcast_in_dim3A_355 = vector.broadcast %broadcast_in_dim3A_354 : i32 to vector<16xi32>
        %mul3A_356 = arith.mulf %gather3A_353, %exp3A : vector<16xf32>
        tpu.vector_store_idx %arg14[%add3A_41, %broadcast_in_dim3A_355], %mul3A_356 : memref<80x128xf32, #tpu.memory_space<vmem>>[vector<16xi32>, vector<16xi32>], vector<16xf32>,
        %broadcast_in_dim3A_357 = arith.constant 51 : i32
        %broadcast_in_dim3A_358 = vector.broadcast %broadcast_in_dim3A_357 : i32 to vector<16xi32>
        %gather3A_359 = tpu.vector_load_idx %arg13[%add3A_41, %broadcast_in_dim3A_358] : memref<80x128xf32, #tpu.memory_space<vmem>>[vector<16xi32>, vector<16xi32>], vector<16xf32>,
        %broadcast_in_dim3A_360 = arith.constant 19 : i32
        %broadcast_in_dim3A_361 = vector.broadcast %broadcast_in_dim3A_360 : i32 to vector<16xi32>
        %mul3A_362 = arith.mulf %gather3A_359, %exp3A : vector<16xf32>
        tpu.vector_store_idx %arg14[%add3A_41, %broadcast_in_dim3A_361], %mul3A_362 : memref<80x128xf32, #tpu.memory_space<vmem>>[vector<16xi32>, vector<16xi32>], vector<16xf32>,
        %broadcast_in_dim3A_363 = arith.constant 52 : i32
        %broadcast_in_dim3A_364 = vector.broadcast %broadcast_in_dim3A_363 : i32 to vector<16xi32>
        %gather3A_365 = tpu.vector_load_idx %arg13[%add3A_41, %broadcast_in_dim3A_364] : memref<80x128xf32, #tpu.memory_space<vmem>>[vector<16xi32>, vector<16xi32>], vector<16xf32>,
        %broadcast_in_dim3A_366 = arith.constant 20 : i32
        %broadcast_in_dim3A_367 = vector.broadcast %broadcast_in_dim3A_366 : i32 to vector<16xi32>
        %mul3A_368 = arith.mulf %gather3A_365, %exp3A : vector<16xf32>
        tpu.vector_store_idx %arg14[%add3A_41, %broadcast_in_dim3A_367], %mul3A_368 : memref<80x128xf32, #tpu.memory_space<vmem>>[vector<16xi32>, vector<16xi32>], vector<16xf32>,
        %broadcast_in_dim3A_369 = arith.constant 53 : i32
        %broadcast_in_dim3A_370 = vector.broadcast %broadcast_in_dim3A_369 : i32 to vector<16xi32>
        %gather3A_371 = tpu.vector_load_idx %arg13[%add3A_41, %broadcast_in_dim3A_370] : memref<80x128xf32, #tpu.memory_space<vmem>>[vector<16xi32>, vector<16xi32>], vector<16xf32>,
        %broadcast_in_dim3A_372 = arith.constant 21 : i32
        %broadcast_in_dim3A_373 = vector.broadcast %broadcast_in_dim3A_372 : i32 to vector<16xi32>
        %mul3A_374 = arith.mulf %gather3A_371, %exp3A : vector<16xf32>
        tpu.vector_store_idx %arg14[%add3A_41, %broadcast_in_dim3A_373], %mul3A_374 : memref<80x128xf32, #tpu.memory_space<vmem>>[vector<16xi32>, vector<16xi32>], vector<16xf32>,
        %broadcast_in_dim3A_375 = arith.constant 54 : i32
        %broadcast_in_dim3A_376 = vector.broadcast %broadcast_in_dim3A_375 : i32 to vector<16xi32>
        %gather3A_377 = tpu.vector_load_idx %arg13[%add3A_41, %broadcast_in_dim3A_376] : memref<80x128xf32, #tpu.memory_space<vmem>>[vector<16xi32>, vector<16xi32>], vector<16xf32>,
        %broadcast_in_dim3A_378 = arith.constant 22 : i32
        %broadcast_in_dim3A_379 = vector.broadcast %broadcast_in_dim3A_378 : i32 to vector<16xi32>
        %mul3A_380 = arith.mulf %gather3A_377, %exp3A : vector<16xf32>
        tpu.vector_store_idx %arg14[%add3A_41, %broadcast_in_dim3A_379], %mul3A_380 : memref<80x128xf32, #tpu.memory_space<vmem>>[vector<16xi32>, vector<16xi32>], vector<16xf32>,
        %broadcast_in_dim3A_381 = arith.constant 55 : i32
        %broadcast_in_dim3A_382 = vector.broadcast %broadcast_in_dim3A_381 : i32 to vector<16xi32>
        %gather3A_383 = tpu.vector_load_idx %arg13[%add3A_41, %broadcast_in_dim3A_382] : memref<80x128xf32, #tpu.memory_space<vmem>>[vector<16xi32>, vector<16xi32>], vector<16xf32>,
        %broadcast_in_dim3A_384 = arith.constant 23 : i32
        %broadcast_in_dim3A_385 = vector.broadcast %broadcast_in_dim3A_384 : i32 to vector<16xi32>
        %mul3A_386 = arith.mulf %gather3A_383, %exp3A : vector<16xf32>
        tpu.vector_store_idx %arg14[%add3A_41, %broadcast_in_dim3A_385], %mul3A_386 : memref<80x128xf32, #tpu.memory_space<vmem>>[vector<16xi32>, vector<16xi32>], vector<16xf32>,
        %broadcast_in_dim3A_387 = arith.constant 56 : i32
        %broadcast_in_dim3A_388 = vector.broadcast %broadcast_in_dim3A_387 : i32 to vector<16xi32>
        %gather3A_389 = tpu.vector_load_idx %arg13[%add3A_41, %broadcast_in_dim3A_388] : memref<80x128xf32, #tpu.memory_space<vmem>>[vector<16xi32>, vector<16xi32>], vector<16xf32>,
        %broadcast_in_dim3A_390 = arith.constant 24 : i32
        %broadcast_in_dim3A_391 = vector.broadcast %broadcast_in_dim3A_390 : i32 to vector<16xi32>
        %mul3A_392 = arith.mulf %gather3A_389, %exp3A : vector<16xf32>
        tpu.vector_store_idx %arg14[%add3A_41, %broadcast_in_dim3A_391], %mul3A_392 : memref<80x128xf32, #tpu.memory_space<vmem>>[vector<16xi32>, vector<16xi32>], vector<16xf32>,
        %broadcast_in_dim3A_393 = arith.constant 57 : i32
        %broadcast_in_dim3A_394 = vector.broadcast %broadcast_in_dim3A_393 : i32 to vector<16xi32>
        %gather3A_395 = tpu.vector_load_idx %arg13[%add3A_41, %broadcast_in_dim3A_394] : memref<80x128xf32, #tpu.memory_space<vmem>>[vector<16xi32>, vector<16xi32>], vector<16xf32>,
        %broadcast_in_dim3A_396 = arith.constant 25 : i32
        %broadcast_in_dim3A_397 = vector.broadcast %broadcast_in_dim3A_396 : i32 to vector<16xi32>
        %mul3A_398 = arith.mulf %gather3A_395, %exp3A : vector<16xf32>
        tpu.vector_store_idx %arg14[%add3A_41, %broadcast_in_dim3A_397], %mul3A_398 : memref<80x128xf32, #tpu.memory_space<vmem>>[vector<16xi32>, vector<16xi32>], vector<16xf32>,
        %broadcast_in_dim3A_399 = arith.constant 58 : i32
        %broadcast_in_dim3A_400 = vector.broadcast %broadcast_in_dim3A_399 : i32 to vector<16xi32>
        %gather3A_401 = tpu.vector_load_idx %arg13[%add3A_41, %broadcast_in_dim3A_400] : memref<80x128xf32, #tpu.memory_space<vmem>>[vector<16xi32>, vector<16xi32>], vector<16xf32>,
        %broadcast_in_dim3A_402 = arith.constant 26 : i32
        %broadcast_in_dim3A_403 = vector.broadcast %broadcast_in_dim3A_402 : i32 to vector<16xi32>
        %mul3A_404 = arith.mulf %gather3A_401, %exp3A : vector<16xf32>
        tpu.vector_store_idx %arg14[%add3A_41, %broadcast_in_dim3A_403], %mul3A_404 : memref<80x128xf32, #tpu.memory_space<vmem>>[vector<16xi32>, vector<16xi32>], vector<16xf32>,
        %broadcast_in_dim3A_405 = arith.constant 59 : i32
        %broadcast_in_dim3A_406 = vector.broadcast %broadcast_in_dim3A_405 : i32 to vector<16xi32>
        %gather3A_407 = tpu.vector_load_idx %arg13[%add3A_41, %broadcast_in_dim3A_406] : memref<80x128xf32, #tpu.memory_space<vmem>>[vector<16xi32>, vector<16xi32>], vector<16xf32>,
        %broadcast_in_dim3A_408 = arith.constant 27 : i32
        %broadcast_in_dim3A_409 = vector.broadcast %broadcast_in_dim3A_408 : i32 to vector<16xi32>
        %mul3A_410 = arith.mulf %gather3A_407, %exp3A : vector<16xf32>
        tpu.vector_store_idx %arg14[%add3A_41, %broadcast_in_dim3A_409], %mul3A_410 : memref<80x128xf32, #tpu.memory_space<vmem>>[vector<16xi32>, vector<16xi32>], vector<16xf32>,
        %broadcast_in_dim3A_411 = arith.constant 60 : i32
        %broadcast_in_dim3A_412 = vector.broadcast %broadcast_in_dim3A_411 : i32 to vector<16xi32>
        %gather3A_413 = tpu.vector_load_idx %arg13[%add3A_41, %broadcast_in_dim3A_412] : memref<80x128xf32, #tpu.memory_space<vmem>>[vector<16xi32>, vector<16xi32>], vector<16xf32>,
        %broadcast_in_dim3A_414 = arith.constant 28 : i32
        %broadcast_in_dim3A_415 = vector.broadcast %broadcast_in_dim3A_414 : i32 to vector<16xi32>
        %mul3A_416 = arith.mulf %gather3A_413, %exp3A : vector<16xf32>
        tpu.vector_store_idx %arg14[%add3A_41, %broadcast_in_dim3A_415], %mul3A_416 : memref<80x128xf32, #tpu.memory_space<vmem>>[vector<16xi32>, vector<16xi32>], vector<16xf32>,
        %broadcast_in_dim3A_417 = arith.constant 61 : i32
        %broadcast_in_dim3A_418 = vector.broadcast %broadcast_in_dim3A_417 : i32 to vector<16xi32>
        %gather3A_419 = tpu.vector_load_idx %arg13[%add3A_41, %broadcast_in_dim3A_418] : memref<80x128xf32, #tpu.memory_space<vmem>>[vector<16xi32>, vector<16xi32>], vector<16xf32>,
        %broadcast_in_dim3A_420 = arith.constant 29 : i32
        %broadcast_in_dim3A_421 = vector.broadcast %broadcast_in_dim3A_420 : i32 to vector<16xi32>
        %mul3A_422 = arith.mulf %gather3A_419, %exp3A : vector<16xf32>
        tpu.vector_store_idx %arg14[%add3A_41, %broadcast_in_dim3A_421], %mul3A_422 : memref<80x128xf32, #tpu.memory_space<vmem>>[vector<16xi32>, vector<16xi32>], vector<16xf32>,
        %broadcast_in_dim3A_423 = arith.constant 62 : i32
        %broadcast_in_dim3A_424 = vector.broadcast %broadcast_in_dim3A_423 : i32 to vector<16xi32>
        %gather3A_425 = tpu.vector_load_idx %arg13[%add3A_41, %broadcast_in_dim3A_424] : memref<80x128xf32, #tpu.memory_space<vmem>>[vector<16xi32>, vector<16xi32>], vector<16xf32>,
        %broadcast_in_dim3A_426 = arith.constant 30 : i32
        %broadcast_in_dim3A_427 = vector.broadcast %broadcast_in_dim3A_426 : i32 to vector<16xi32>
        %mul3A_428 = arith.mulf %gather3A_425, %exp3A : vector<16xf32>
        tpu.vector_store_idx %arg14[%add3A_41, %broadcast_in_dim3A_427], %mul3A_428 : memref<80x128xf32, #tpu.memory_space<vmem>>[vector<16xi32>, vector<16xi32>], vector<16xf32>,
        %broadcast_in_dim3A_429 = arith.constant 63 : i32
        %broadcast_in_dim3A_430 = vector.broadcast %broadcast_in_dim3A_429 : i32 to vector<16xi32>
        %gather3A_431 = tpu.vector_load_idx %arg13[%add3A_41, %broadcast_in_dim3A_430] : memref<80x128xf32, #tpu.memory_space<vmem>>[vector<16xi32>, vector<16xi32>], vector<16xf32>,
        %broadcast_in_dim3A_432 = arith.constant 31 : i32
        %broadcast_in_dim3A_433 = vector.broadcast %broadcast_in_dim3A_432 : i32 to vector<16xi32>
        %mul3A_434 = arith.mulf %gather3A_431, %exp3A : vector<16xf32>
        tpu.vector_store_idx %arg14[%add3A_41, %broadcast_in_dim3A_433], %mul3A_434 : memref<80x128xf32, #tpu.memory_space<vmem>>[vector<16xi32>, vector<16xi32>], vector<16xf32>,
        %broadcast_in_dim3A_435 = arith.constant 32 : i32
        %broadcast_in_dim3A_436 = vector.broadcast %broadcast_in_dim3A_435 : i32 to vector<16xi32>
        tpu.vector_store_idx %arg14[%add3A_41, %broadcast_in_dim3A_436], %exp3A : memref<80x128xf32, #tpu.memory_space<vmem>>[vector<16xi32>, vector<16xi32>], vector<16xf32>,
        %broadcast_in_dim3A_437 = arith.constant 33 : i32
        %broadcast_in_dim3A_438 = vector.broadcast %broadcast_in_dim3A_437 : i32 to vector<16xi32>
        %mul3A_439 = arith.mulf %exp3A, %get3A_44 : vector<16xf32>
        tpu.vector_store_idx %arg14[%add3A_41, %broadcast_in_dim3A_438], %mul3A_439 : memref<80x128xf32, #tpu.memory_space<vmem>>[vector<16xi32>, vector<16xi32>], vector<16xf32>,
      }
      %scan3A_36 = arith.constant 5 : i32
      "tpu.region"() ({
        %run_scoped3A = tpu.sem_alloc : memref<!tpu.dma_semaphore, #tpu.memory_space<semaphore_mem>>
        %dma_start3A_37 = arith.constant 0 : i32
        %dma_start3A_38 = arith.constant 0 : i32
        %dma_start3A_39 = tpu.memref_slice %arg15[%dma_start3A_37, %dma_start3A_38] : memref<10240x128xf32, #tpu.memory_space<vmem_shared>> -> memref<10240x128xf32, #tpu.memory_space<vmem_shared>>
        tpu.enqueue_indirect_dma source(%arg14 : memref<80x128xf32, #tpu.memory_space<vmem>>) target(%dma_start3A_39 : memref<10240x128xf32, #tpu.memory_space<vmem_shared>>) offsets(%arg10 : memref<80xi32, #tpu.memory_space<vmem>>) semaphore(%run_scoped3A : memref<!tpu.dma_semaphore, #tpu.memory_space<semaphore_mem>>) {add = true}
        %dma_wait3A_40 = arith.constant 0 : i32
        %dma_wait3A_41 = arith.constant 0 : i32
        %dma_wait3A_42 = tpu.memref_slice %arg15[%dma_wait3A_40, %dma_wait3A_41] : memref<10240x128xf32, #tpu.memory_space<vmem_shared>> -> memref<10240x128xf32, #tpu.memory_space<vmem_shared>>
        tpu.wait_indirect_dma semaphore(%run_scoped3A : memref<!tpu.dma_semaphore, #tpu.memory_space<semaphore_mem>>) src(%arg14 : memref<80x128xf32, #tpu.memory_space<vmem>>) dst(%dma_wait3A_42 : memref<10240x128xf32, #tpu.memory_space<vmem_shared>>)
        tpu.yield
      }) : () -> ()
    }
    %scan3A_9 = arith.constant 125 : i32
    %barrier3A_10 = arith.constant 0 : index
    tpu.barrier barrier_id(%barrier3A_10)
    %mul3A_11 = arith.constant 640 : i32
    %mul3A_12 = arith.muli %arg1, %mul3A_11 : i32
    %mul3A_13 = arith.constant 640 : i32
    %mul3A_14 = arith.muli %arg1, %mul3A_13 : i32
    "tpu.region"() ({
      %run_scoped3A = tpu.sem_alloc : memref<!tpu.dma_semaphore, #tpu.memory_space<semaphore_mem>>
      %dma_start3A = arith.constant 0 : i32
      %dma_start3A_15 = tpu.memref_slice %arg8[%arg0, %mul3A_14, %dma_start3A] : memref<2x10240x128xf32, #tpu.memory_space<hbm>> -> memref<1x640x128xf32, #tpu.memory_space<hbm>>
      %dma_start3A_16 = tpu.memref_squeeze %dma_start3A_15 : memref<1x640x128xf32, #tpu.memory_space<hbm>> -> memref<640x128xf32, #tpu.memory_space<hbm>>
      %dma_start3A_17 = arith.constant 0 : i32
      %dma_start3A_18 = tpu.memref_slice %arg15[%mul3A_12, %dma_start3A_17] : memref<10240x128xf32, #tpu.memory_space<vmem_shared>> -> memref<640x128xf32, #tpu.memory_space<vmem_shared>>
      tpu.enqueue_dma source(%dma_start3A_18 : memref<640x128xf32, #tpu.memory_space<vmem_shared>>) target(%dma_start3A_16 : memref<640x128xf32, #tpu.memory_space<hbm>>) target_semaphore(%run_scoped3A : memref<!tpu.dma_semaphore, #tpu.memory_space<semaphore_mem>>)
      %dma_wait3A = arith.constant 0 : i32
      %dma_wait3A_19 = tpu.memref_slice %arg8[%arg0, %mul3A_14, %dma_wait3A] : memref<2x10240x128xf32, #tpu.memory_space<hbm>> -> memref<1x640x128xf32, #tpu.memory_space<hbm>>
      %dma_wait3A_20 = tpu.memref_squeeze %dma_wait3A_19 : memref<1x640x128xf32, #tpu.memory_space<hbm>> -> memref<640x128xf32, #tpu.memory_space<hbm>>
      %dma_wait3A_21 = arith.constant 0 : i32
      %dma_wait3A_22 = tpu.memref_slice %arg15[%mul3A_12, %dma_wait3A_21] : memref<10240x128xf32, #tpu.memory_space<vmem_shared>> -> memref<640x128xf32, #tpu.memory_space<vmem_shared>>
      tpu.wait_dma2 semaphore(%run_scoped3A : memref<!tpu.dma_semaphore, #tpu.memory_space<semaphore_mem>>) src(%dma_wait3A_22 : memref<640x128xf32, #tpu.memory_space<vmem_shared>>) dst(%dma_wait3A_20 : memref<640x128xf32, #tpu.memory_space<hbm>>)
      tpu.yield
    }) : () -> ()
    return
  }
}

#map = affine_map<(d0, d1) -> (0, 0)>
#map1 = affine_map<(d0, d1) -> (0)>
#map2 = affine_map<(d0, d1) -> (0, 0, 0)>
module attributes {stable_mosaic.version = 14 : i64} {
  func.func @_edge_pass_body(%arg0: i32, %arg1: i32, %arg2: memref<10000x128xf32, #tpu.memory_space<hbm>>, %arg3: memref<10000x128xf32, #tpu.memory_space<hbm>>, %arg4: memref<320000xi32, #tpu.memory_space<hbm>>, %arg5: memref<320000xi32, #tpu.memory_space<hbm>>, %arg6: memref<320000xf32, #tpu.memory_space<hbm>>, %arg7: memref<10240x128xf32, #tpu.memory_space<hbm>>, %arg8: memref<2x10240x128xf32, #tpu.memory_space<hbm>>, %arg9: memref<80xi32, #tpu.memory_space<vmem>>, %arg10: memref<80xi32, #tpu.memory_space<vmem>>, %arg11: memref<80xf32, #tpu.memory_space<vmem>>, %arg12: memref<80x128xf32, #tpu.memory_space<vmem>>, %arg13: memref<80x128xf32, #tpu.memory_space<vmem>>, %arg14: memref<80x128xf32, #tpu.memory_space<vmem>>, %arg15: memref<10240x128xf32, #tpu.memory_space<vmem_shared>>, %arg16: memref<!tpu.dma_semaphore, #tpu.memory_space<semaphore_mem>>, %arg17: memref<!tpu.dma_semaphore, #tpu.memory_space<semaphore_mem>>) attributes {dimension_semantics = [#tpu.dimension_semantics<core_parallel>, #tpu.dimension_semantics<subcore_parallel>], iteration_bounds = array<i64: 2, 16>, scalar_prefetch = 0 : i64, scratch_operands = 9 : i64, tpu.core_type = #tpu.core_type<sc_vector_subcore>, window_params = [{transform_indices = #map}, {transform_indices = #map}, {transform_indices = #map1}, {transform_indices = #map1}, {transform_indices = #map1}, {transform_indices = #map}, {transform_indices = #map2}]} {
    %mul3A = arith.constant 2 : i32
    %mul3A_0 = arith.muli %arg1, %mul3A : i32
    %add3A = arith.addi %mul3A_0, %arg0 : i32
    %mul3A_1 = arith.constant 640 : i32
    %mul3A_2 = arith.muli %arg1, %mul3A_1 : i32
    %mul3A_3 = arith.constant 640 : i32
    %mul3A_4 = arith.muli %arg1, %mul3A_3 : i32
    "tpu.region"() ({
      %run_scoped3A = tpu.sem_alloc : memref<!tpu.dma_semaphore, #tpu.memory_space<semaphore_mem>>
      %dma_start3A = arith.constant 0 : i32
      %dma_start3A_15 = tpu.memref_slice %arg15[%mul3A_4, %dma_start3A] : memref<10240x128xf32, #tpu.memory_space<vmem_shared>> -> memref<640x128xf32, #tpu.memory_space<vmem_shared>>
      %dma_start3A_16 = arith.constant 0 : i32
      %dma_start3A_17 = tpu.memref_slice %arg7[%mul3A_2, %dma_start3A_16] : memref<10240x128xf32, #tpu.memory_space<hbm>> -> memref<640x128xf32, #tpu.memory_space<hbm>>
      tpu.enqueue_dma source(%dma_start3A_17 : memref<640x128xf32, #tpu.memory_space<hbm>>) target(%dma_start3A_15 : memref<640x128xf32, #tpu.memory_space<vmem_shared>>) target_semaphore(%run_scoped3A : memref<!tpu.dma_semaphore, #tpu.memory_space<semaphore_mem>>)
      %dma_wait3A = arith.constant 0 : i32
      %dma_wait3A_18 = tpu.memref_slice %arg15[%mul3A_4, %dma_wait3A] : memref<10240x128xf32, #tpu.memory_space<vmem_shared>> -> memref<640x128xf32, #tpu.memory_space<vmem_shared>>
      %dma_wait3A_19 = arith.constant 0 : i32
      %dma_wait3A_20 = tpu.memref_slice %arg7[%mul3A_2, %dma_wait3A_19] : memref<10240x128xf32, #tpu.memory_space<hbm>> -> memref<640x128xf32, #tpu.memory_space<hbm>>
      tpu.wait_dma2 semaphore(%run_scoped3A : memref<!tpu.dma_semaphore, #tpu.memory_space<semaphore_mem>>) src(%dma_wait3A_20 : memref<640x128xf32, #tpu.memory_space<hbm>>) dst(%dma_wait3A_18 : memref<640x128xf32, #tpu.memory_space<vmem_shared>>)
      tpu.yield
    }) : () -> ()
    %barrier3A = arith.constant 0 : index
    tpu.barrier barrier_id(%barrier3A)
    %scan3A = arith.constant 0 : i32
    %scan3A_5 = arith.constant 0 : i32
    %scan3A_6 = arith.constant 125 : i32
    %scan3A_7 = arith.addi %scan3A_5, %scan3A_6 : i32
    %scan3A_8 = arith.constant 1 : i32
    scf.for %scan3A_15 = %scan3A_5 to %scan3A_7 step %scan3A_8  : i32 {
      %mul3A_16 = arith.constant 10000 : i32
      %mul3A_17 = arith.muli %add3A, %mul3A_16 : i32
      %mul3A_18 = arith.constant 80 : i32
      %mul3A_19 = arith.muli %scan3A_15, %mul3A_18 : i32
      %add3A_20 = arith.addi %mul3A_17, %mul3A_19 : i32
      "tpu.region"() ({
        %run_scoped3A = tpu.sem_alloc : memref<!tpu.dma_semaphore, #tpu.memory_space<semaphore_mem>>
        %dma_start3A_37 = tpu.memref_slice %arg4[%add3A_20] : memref<320000xi32, #tpu.memory_space<hbm>> -> memref<80xi32, #tpu.memory_space<hbm>>
        %dma_start3A_38 = tpu.memref_slice %arg4[%add3A_20] : memref<320000xi32, #tpu.memory_space<hbm>> -> memref<80xi32, #tpu.memory_space<hbm>>
        tpu.enqueue_dma source(%dma_start3A_38 : memref<80xi32, #tpu.memory_space<hbm>>) target(%arg9 : memref<80xi32, #tpu.memory_space<vmem>>) target_semaphore(%run_scoped3A : memref<!tpu.dma_semaphore, #tpu.memory_space<semaphore_mem>>)
        %dma_wait3A_39 = tpu.memref_slice %arg4[%add3A_20] : memref<320000xi32, #tpu.memory_space<hbm>> -> memref<80xi32, #tpu.memory_space<hbm>>
        %dma_wait3A_40 = tpu.memref_slice %arg4[%add3A_20] : memref<320000xi32, #tpu.memory_space<hbm>> -> memref<80xi32, #tpu.memory_space<hbm>>
        tpu.wait_dma2 semaphore(%run_scoped3A : memref<!tpu.dma_semaphore, #tpu.memory_space<semaphore_mem>>) src(%dma_wait3A_40 : memref<80xi32, #tpu.memory_space<hbm>>) dst(%arg9 : memref<80xi32, #tpu.memory_space<vmem>>)
        tpu.yield
      }) : () -> ()
      "tpu.region"() ({
        %run_scoped3A = tpu.sem_alloc : memref<!tpu.dma_semaphore, #tpu.memory_space<semaphore_mem>>
        %dma_start3A_37 = tpu.memref_slice %arg5[%add3A_20] : memref<320000xi32, #tpu.memory_space<hbm>> -> memref<80xi32, #tpu.memory_space<hbm>>
        %dma_start3A_38 = tpu.memref_slice %arg5[%add3A_20] : memref<320000xi32, #tpu.memory_space<hbm>> -> memref<80xi32, #tpu.memory_space<hbm>>
        tpu.enqueue_dma source(%dma_start3A_38 : memref<80xi32, #tpu.memory_space<hbm>>) target(%arg10 : memref<80xi32, #tpu.memory_space<vmem>>) target_semaphore(%run_scoped3A : memref<!tpu.dma_semaphore, #tpu.memory_space<semaphore_mem>>)
        %dma_wait3A_39 = tpu.memref_slice %arg5[%add3A_20] : memref<320000xi32, #tpu.memory_space<hbm>> -> memref<80xi32, #tpu.memory_space<hbm>>
        %dma_wait3A_40 = tpu.memref_slice %arg5[%add3A_20] : memref<320000xi32, #tpu.memory_space<hbm>> -> memref<80xi32, #tpu.memory_space<hbm>>
        tpu.wait_dma2 semaphore(%run_scoped3A : memref<!tpu.dma_semaphore, #tpu.memory_space<semaphore_mem>>) src(%dma_wait3A_40 : memref<80xi32, #tpu.memory_space<hbm>>) dst(%arg10 : memref<80xi32, #tpu.memory_space<vmem>>)
        tpu.yield
      }) : () -> ()
      "tpu.region"() ({
        %run_scoped3A = tpu.sem_alloc : memref<!tpu.dma_semaphore, #tpu.memory_space<semaphore_mem>>
        %dma_start3A_37 = tpu.memref_slice %arg6[%add3A_20] : memref<320000xf32, #tpu.memory_space<hbm>> -> memref<80xf32, #tpu.memory_space<hbm>>
        %dma_start3A_38 = tpu.memref_slice %arg6[%add3A_20] : memref<320000xf32, #tpu.memory_space<hbm>> -> memref<80xf32, #tpu.memory_space<hbm>>
        tpu.enqueue_dma source(%dma_start3A_38 : memref<80xf32, #tpu.memory_space<hbm>>) target(%arg11 : memref<80xf32, #tpu.memory_space<vmem>>) target_semaphore(%run_scoped3A : memref<!tpu.dma_semaphore, #tpu.memory_space<semaphore_mem>>)
        %dma_wait3A_39 = tpu.memref_slice %arg6[%add3A_20] : memref<320000xf32, #tpu.memory_space<hbm>> -> memref<80xf32, #tpu.memory_space<hbm>>
        %dma_wait3A_40 = tpu.memref_slice %arg6[%add3A_20] : memref<320000xf32, #tpu.memory_space<hbm>> -> memref<80xf32, #tpu.memory_space<hbm>>
        tpu.wait_dma2 semaphore(%run_scoped3A : memref<!tpu.dma_semaphore, #tpu.memory_space<semaphore_mem>>) src(%dma_wait3A_40 : memref<80xf32, #tpu.memory_space<hbm>>) dst(%arg11 : memref<80xf32, #tpu.memory_space<vmem>>)
        tpu.yield
      }) : () -> ()
      %dma_start3A = arith.constant 0 : i32
      %dma_start3A_21 = arith.constant 0 : i32
      %dma_start3A_22 = tpu.memref_slice %arg3[%dma_start3A, %dma_start3A_21] : memref<10000x128xf32, #tpu.memory_space<hbm>> -> memref<10000x128xf32, #tpu.memory_space<hbm>>
      tpu.enqueue_indirect_dma source(%dma_start3A_22 : memref<10000x128xf32, #tpu.memory_space<hbm>>) target(%arg13 : memref<80x128xf32, #tpu.memory_space<vmem>>) offsets(%arg9 : memref<80xi32, #tpu.memory_space<vmem>>) semaphore(%arg16 : memref<!tpu.dma_semaphore, #tpu.memory_space<semaphore_mem>>)
      %dma_start3A_23 = arith.constant 0 : i32
      %dma_start3A_24 = arith.constant 0 : i32
      %dma_start3A_25 = tpu.memref_slice %arg2[%dma_start3A_23, %dma_start3A_24] : memref<10000x128xf32, #tpu.memory_space<hbm>> -> memref<10000x128xf32, #tpu.memory_space<hbm>>
      tpu.enqueue_indirect_dma source(%dma_start3A_25 : memref<10000x128xf32, #tpu.memory_space<hbm>>) target(%arg12 : memref<80x128xf32, #tpu.memory_space<vmem>>) offsets(%arg10 : memref<80xi32, #tpu.memory_space<vmem>>) semaphore(%arg17 : memref<!tpu.dma_semaphore, #tpu.memory_space<semaphore_mem>>)
      %dma_wait3A = arith.constant 0 : i32
      %dma_wait3A_26 = arith.constant 0 : i32
      %dma_wait3A_27 = tpu.memref_slice %arg3[%dma_wait3A, %dma_wait3A_26] : memref<10000x128xf32, #tpu.memory_space<hbm>> -> memref<10000x128xf32, #tpu.memory_space<hbm>>
      tpu.wait_indirect_dma semaphore(%arg16 : memref<!tpu.dma_semaphore, #tpu.memory_space<semaphore_mem>>) src(%dma_wait3A_27 : memref<10000x128xf32, #tpu.memory_space<hbm>>) dst(%arg13 : memref<80x128xf32, #tpu.memory_space<vmem>>)
      %dma_wait3A_28 = arith.constant 0 : i32
      %dma_wait3A_29 = arith.constant 0 : i32
      %dma_wait3A_30 = tpu.memref_slice %arg2[%dma_wait3A_28, %dma_wait3A_29] : memref<10000x128xf32, #tpu.memory_space<hbm>> -> memref<10000x128xf32, #tpu.memory_space<hbm>>
      tpu.wait_indirect_dma semaphore(%arg17 : memref<!tpu.dma_semaphore, #tpu.memory_space<semaphore_mem>>) src(%dma_wait3A_30 : memref<10000x128xf32, #tpu.memory_space<hbm>>) dst(%arg12 : memref<80x128xf32, #tpu.memory_space<vmem>>)
      %scan3A_31 = arith.constant 0 : i32
      %scan3A_32 = arith.constant 0 : i32
      %scan3A_33 = arith.constant 5 : i32
      %scan3A_34 = arith.addi %scan3A_32, %scan3A_33 : i32
      %scan3A_35 = arith.constant 1 : i32
      scf.for %scan3A_37 = %scan3A_32 to %scan3A_34 step %scan3A_35  : i32 {
        %mul3A_38 = arith.constant 16 : i32
        %mul3A_39 = arith.muli %scan3A_37, %mul3A_38 : i32
        %iota3A = tpu.iota {dimensions = array<i32: 0>} : vector<16xi32>
        %add3A_40 = vector.broadcast %mul3A_39 : i32 to vector<16xi32>
        %add3A_41 = arith.addi %add3A_40, %iota3A : vector<16xi32>
        %mul3A_42 = arith.constant 16 : i32
        %mul3A_43 = arith.muli %scan3A_37, %mul3A_42 : i32
        %get3A = arith.index_cast %mul3A_43 : i32 to index
        %get3A_44 = tpu.vector_load %arg11[%get3A] {strides = array<i32>} : memref<80xf32, #tpu.memory_space<vmem>>, vector<16xf32>,
        %broadcast_in_dim3A = arith.constant 64 : i32
        %broadcast_in_dim3A_45 = vector.broadcast %broadcast_in_dim3A : i32 to vector<16xi32>
        %gather3A = tpu.vector_load_idx %arg12[%add3A_41, %broadcast_in_dim3A_45] : memref<80x128xf32, #tpu.memory_space<vmem>>[vector<16xi32>, vector<16xi32>], vector<16xf32>,
        %mul3A_46 = arith.mulf %gather3A, %get3A_44 : vector<16xf32>
        %broadcast_in_dim3A_47 = arith.constant 65 : i32
        %broadcast_in_dim3A_48 = vector.broadcast %broadcast_in_dim3A_47 : i32 to vector<16xi32>
        %gather3A_49 = tpu.vector_load_idx %arg12[%add3A_41, %broadcast_in_dim3A_48] : memref<80x128xf32, #tpu.memory_space<vmem>>[vector<16xi32>, vector<16xi32>], vector<16xf32>,
        %add3A_50 = arith.addf %mul3A_46, %gather3A_49 : vector<16xf32>
        %broadcast_in_dim3A_51 = arith.constant 0 : i32
        %broadcast_in_dim3A_52 = vector.broadcast %broadcast_in_dim3A_51 : i32 to vector<16xi32>
        %gather3A_53 = tpu.vector_load_idx %arg12[%add3A_41, %broadcast_in_dim3A_52] : memref<80x128xf32, #tpu.memory_space<vmem>>[vector<16xi32>, vector<16xi32>], vector<16xf32>,
        %gather3A_54 = tpu.vector_load_idx %arg13[%add3A_41, %broadcast_in_dim3A_52] : memref<80x128xf32, #tpu.memory_space<vmem>>[vector<16xi32>, vector<16xi32>], vector<16xf32>,
        %mul3A_55 = arith.mulf %gather3A_53, %gather3A_54 : vector<16xf32>
        %add3A_56 = arith.addf %add3A_50, %mul3A_55 : vector<16xf32>
        %broadcast_in_dim3A_57 = arith.constant 1 : i32
        %broadcast_in_dim3A_58 = vector.broadcast %broadcast_in_dim3A_57 : i32 to vector<16xi32>
        %gather3A_59 = tpu.vector_load_idx %arg12[%add3A_41, %broadcast_in_dim3A_58] : memref<80x128xf32, #tpu.memory_space<vmem>>[vector<16xi32>, vector<16xi32>], vector<16xf32>,
        %gather3A_60 = tpu.vector_load_idx %arg13[%add3A_41, %broadcast_in_dim3A_58] : memref<80x128xf32, #tpu.memory_space<vmem>>[vector<16xi32>, vector<16xi32>], vector<16xf32>,
        %mul3A_61 = arith.mulf %gather3A_59, %gather3A_60 : vector<16xf32>
        %add3A_62 = arith.addf %add3A_56, %mul3A_61 : vector<16xf32>
        %broadcast_in_dim3A_63 = arith.constant 2 : i32
        %broadcast_in_dim3A_64 = vector.broadcast %broadcast_in_dim3A_63 : i32 to vector<16xi32>
        %gather3A_65 = tpu.vector_load_idx %arg12[%add3A_41, %broadcast_in_dim3A_64] : memref<80x128xf32, #tpu.memory_space<vmem>>[vector<16xi32>, vector<16xi32>], vector<16xf32>,
        %gather3A_66 = tpu.vector_load_idx %arg13[%add3A_41, %broadcast_in_dim3A_64] : memref<80x128xf32, #tpu.memory_space<vmem>>[vector<16xi32>, vector<16xi32>], vector<16xf32>,
        %mul3A_67 = arith.mulf %gather3A_65, %gather3A_66 : vector<16xf32>
        %add3A_68 = arith.addf %add3A_62, %mul3A_67 : vector<16xf32>
        %broadcast_in_dim3A_69 = arith.constant 3 : i32
        %broadcast_in_dim3A_70 = vector.broadcast %broadcast_in_dim3A_69 : i32 to vector<16xi32>
        %gather3A_71 = tpu.vector_load_idx %arg12[%add3A_41, %broadcast_in_dim3A_70] : memref<80x128xf32, #tpu.memory_space<vmem>>[vector<16xi32>, vector<16xi32>], vector<16xf32>,
        %gather3A_72 = tpu.vector_load_idx %arg13[%add3A_41, %broadcast_in_dim3A_70] : memref<80x128xf32, #tpu.memory_space<vmem>>[vector<16xi32>, vector<16xi32>], vector<16xf32>,
        %mul3A_73 = arith.mulf %gather3A_71, %gather3A_72 : vector<16xf32>
        %add3A_74 = arith.addf %add3A_68, %mul3A_73 : vector<16xf32>
        %broadcast_in_dim3A_75 = arith.constant 4 : i32
        %broadcast_in_dim3A_76 = vector.broadcast %broadcast_in_dim3A_75 : i32 to vector<16xi32>
        %gather3A_77 = tpu.vector_load_idx %arg12[%add3A_41, %broadcast_in_dim3A_76] : memref<80x128xf32, #tpu.memory_space<vmem>>[vector<16xi32>, vector<16xi32>], vector<16xf32>,
        %gather3A_78 = tpu.vector_load_idx %arg13[%add3A_41, %broadcast_in_dim3A_76] : memref<80x128xf32, #tpu.memory_space<vmem>>[vector<16xi32>, vector<16xi32>], vector<16xf32>,
        %mul3A_79 = arith.mulf %gather3A_77, %gather3A_78 : vector<16xf32>
        %add3A_80 = arith.addf %add3A_74, %mul3A_79 : vector<16xf32>
        %broadcast_in_dim3A_81 = arith.constant 5 : i32
        %broadcast_in_dim3A_82 = vector.broadcast %broadcast_in_dim3A_81 : i32 to vector<16xi32>
        %gather3A_83 = tpu.vector_load_idx %arg12[%add3A_41, %broadcast_in_dim3A_82] : memref<80x128xf32, #tpu.memory_space<vmem>>[vector<16xi32>, vector<16xi32>], vector<16xf32>,
        %gather3A_84 = tpu.vector_load_idx %arg13[%add3A_41, %broadcast_in_dim3A_82] : memref<80x128xf32, #tpu.memory_space<vmem>>[vector<16xi32>, vector<16xi32>], vector<16xf32>,
        %mul3A_85 = arith.mulf %gather3A_83, %gather3A_84 : vector<16xf32>
        %add3A_86 = arith.addf %add3A_80, %mul3A_85 : vector<16xf32>
        %broadcast_in_dim3A_87 = arith.constant 6 : i32
        %broadcast_in_dim3A_88 = vector.broadcast %broadcast_in_dim3A_87 : i32 to vector<16xi32>
        %gather3A_89 = tpu.vector_load_idx %arg12[%add3A_41, %broadcast_in_dim3A_88] : memref<80x128xf32, #tpu.memory_space<vmem>>[vector<16xi32>, vector<16xi32>], vector<16xf32>,
        %gather3A_90 = tpu.vector_load_idx %arg13[%add3A_41, %broadcast_in_dim3A_88] : memref<80x128xf32, #tpu.memory_space<vmem>>[vector<16xi32>, vector<16xi32>], vector<16xf32>,
        %mul3A_91 = arith.mulf %gather3A_89, %gather3A_90 : vector<16xf32>
        %add3A_92 = arith.addf %add3A_86, %mul3A_91 : vector<16xf32>
        %broadcast_in_dim3A_93 = arith.constant 7 : i32
        %broadcast_in_dim3A_94 = vector.broadcast %broadcast_in_dim3A_93 : i32 to vector<16xi32>
        %gather3A_95 = tpu.vector_load_idx %arg12[%add3A_41, %broadcast_in_dim3A_94] : memref<80x128xf32, #tpu.memory_space<vmem>>[vector<16xi32>, vector<16xi32>], vector<16xf32>,
        %gather3A_96 = tpu.vector_load_idx %arg13[%add3A_41, %broadcast_in_dim3A_94] : memref<80x128xf32, #tpu.memory_space<vmem>>[vector<16xi32>, vector<16xi32>], vector<16xf32>,
        %mul3A_97 = arith.mulf %gather3A_95, %gather3A_96 : vector<16xf32>
        %add3A_98 = arith.addf %add3A_92, %mul3A_97 : vector<16xf32>
        %broadcast_in_dim3A_99 = arith.constant 8 : i32
        %broadcast_in_dim3A_100 = vector.broadcast %broadcast_in_dim3A_99 : i32 to vector<16xi32>
        %gather3A_101 = tpu.vector_load_idx %arg12[%add3A_41, %broadcast_in_dim3A_100] : memref<80x128xf32, #tpu.memory_space<vmem>>[vector<16xi32>, vector<16xi32>], vector<16xf32>,
        %gather3A_102 = tpu.vector_load_idx %arg13[%add3A_41, %broadcast_in_dim3A_100] : memref<80x128xf32, #tpu.memory_space<vmem>>[vector<16xi32>, vector<16xi32>], vector<16xf32>,
        %mul3A_103 = arith.mulf %gather3A_101, %gather3A_102 : vector<16xf32>
        %add3A_104 = arith.addf %add3A_98, %mul3A_103 : vector<16xf32>
        %broadcast_in_dim3A_105 = arith.constant 9 : i32
        %broadcast_in_dim3A_106 = vector.broadcast %broadcast_in_dim3A_105 : i32 to vector<16xi32>
        %gather3A_107 = tpu.vector_load_idx %arg12[%add3A_41, %broadcast_in_dim3A_106] : memref<80x128xf32, #tpu.memory_space<vmem>>[vector<16xi32>, vector<16xi32>], vector<16xf32>,
        %gather3A_108 = tpu.vector_load_idx %arg13[%add3A_41, %broadcast_in_dim3A_106] : memref<80x128xf32, #tpu.memory_space<vmem>>[vector<16xi32>, vector<16xi32>], vector<16xf32>,
        %mul3A_109 = arith.mulf %gather3A_107, %gather3A_108 : vector<16xf32>
        %add3A_110 = arith.addf %add3A_104, %mul3A_109 : vector<16xf32>
        %broadcast_in_dim3A_111 = arith.constant 10 : i32
        %broadcast_in_dim3A_112 = vector.broadcast %broadcast_in_dim3A_111 : i32 to vector<16xi32>
        %gather3A_113 = tpu.vector_load_idx %arg12[%add3A_41, %broadcast_in_dim3A_112] : memref<80x128xf32, #tpu.memory_space<vmem>>[vector<16xi32>, vector<16xi32>], vector<16xf32>,
        %gather3A_114 = tpu.vector_load_idx %arg13[%add3A_41, %broadcast_in_dim3A_112] : memref<80x128xf32, #tpu.memory_space<vmem>>[vector<16xi32>, vector<16xi32>], vector<16xf32>,
        %mul3A_115 = arith.mulf %gather3A_113, %gather3A_114 : vector<16xf32>
        %add3A_116 = arith.addf %add3A_110, %mul3A_115 : vector<16xf32>
        %broadcast_in_dim3A_117 = arith.constant 11 : i32
        %broadcast_in_dim3A_118 = vector.broadcast %broadcast_in_dim3A_117 : i32 to vector<16xi32>
        %gather3A_119 = tpu.vector_load_idx %arg12[%add3A_41, %broadcast_in_dim3A_118] : memref<80x128xf32, #tpu.memory_space<vmem>>[vector<16xi32>, vector<16xi32>], vector<16xf32>,
        %gather3A_120 = tpu.vector_load_idx %arg13[%add3A_41, %broadcast_in_dim3A_118] : memref<80x128xf32, #tpu.memory_space<vmem>>[vector<16xi32>, vector<16xi32>], vector<16xf32>,
        %mul3A_121 = arith.mulf %gather3A_119, %gather3A_120 : vector<16xf32>
        %add3A_122 = arith.addf %add3A_116, %mul3A_121 : vector<16xf32>
        %broadcast_in_dim3A_123 = arith.constant 12 : i32
        %broadcast_in_dim3A_124 = vector.broadcast %broadcast_in_dim3A_123 : i32 to vector<16xi32>
        %gather3A_125 = tpu.vector_load_idx %arg12[%add3A_41, %broadcast_in_dim3A_124] : memref<80x128xf32, #tpu.memory_space<vmem>>[vector<16xi32>, vector<16xi32>], vector<16xf32>,
        %gather3A_126 = tpu.vector_load_idx %arg13[%add3A_41, %broadcast_in_dim3A_124] : memref<80x128xf32, #tpu.memory_space<vmem>>[vector<16xi32>, vector<16xi32>], vector<16xf32>,
        %mul3A_127 = arith.mulf %gather3A_125, %gather3A_126 : vector<16xf32>
        %add3A_128 = arith.addf %add3A_122, %mul3A_127 : vector<16xf32>
        %broadcast_in_dim3A_129 = arith.constant 13 : i32
        %broadcast_in_dim3A_130 = vector.broadcast %broadcast_in_dim3A_129 : i32 to vector<16xi32>
        %gather3A_131 = tpu.vector_load_idx %arg12[%add3A_41, %broadcast_in_dim3A_130] : memref<80x128xf32, #tpu.memory_space<vmem>>[vector<16xi32>, vector<16xi32>], vector<16xf32>,
        %gather3A_132 = tpu.vector_load_idx %arg13[%add3A_41, %broadcast_in_dim3A_130] : memref<80x128xf32, #tpu.memory_space<vmem>>[vector<16xi32>, vector<16xi32>], vector<16xf32>,
        %mul3A_133 = arith.mulf %gather3A_131, %gather3A_132 : vector<16xf32>
        %add3A_134 = arith.addf %add3A_128, %mul3A_133 : vector<16xf32>
        %broadcast_in_dim3A_135 = arith.constant 14 : i32
        %broadcast_in_dim3A_136 = vector.broadcast %broadcast_in_dim3A_135 : i32 to vector<16xi32>
        %gather3A_137 = tpu.vector_load_idx %arg12[%add3A_41, %broadcast_in_dim3A_136] : memref<80x128xf32, #tpu.memory_space<vmem>>[vector<16xi32>, vector<16xi32>], vector<16xf32>,
        %gather3A_138 = tpu.vector_load_idx %arg13[%add3A_41, %broadcast_in_dim3A_136] : memref<80x128xf32, #tpu.memory_space<vmem>>[vector<16xi32>, vector<16xi32>], vector<16xf32>,
        %mul3A_139 = arith.mulf %gather3A_137, %gather3A_138 : vector<16xf32>
        %add3A_140 = arith.addf %add3A_134, %mul3A_139 : vector<16xf32>
        %broadcast_in_dim3A_141 = arith.constant 15 : i32
        %broadcast_in_dim3A_142 = vector.broadcast %broadcast_in_dim3A_141 : i32 to vector<16xi32>
        %gather3A_143 = tpu.vector_load_idx %arg12[%add3A_41, %broadcast_in_dim3A_142] : memref<80x128xf32, #tpu.memory_space<vmem>>[vector<16xi32>, vector<16xi32>], vector<16xf32>,
        %gather3A_144 = tpu.vector_load_idx %arg13[%add3A_41, %broadcast_in_dim3A_142] : memref<80x128xf32, #tpu.memory_space<vmem>>[vector<16xi32>, vector<16xi32>], vector<16xf32>,
        %mul3A_145 = arith.mulf %gather3A_143, %gather3A_144 : vector<16xf32>
        %add3A_146 = arith.addf %add3A_140, %mul3A_145 : vector<16xf32>
        %broadcast_in_dim3A_147 = arith.constant 16 : i32
        %broadcast_in_dim3A_148 = vector.broadcast %broadcast_in_dim3A_147 : i32 to vector<16xi32>
        %gather3A_149 = tpu.vector_load_idx %arg12[%add3A_41, %broadcast_in_dim3A_148] : memref<80x128xf32, #tpu.memory_space<vmem>>[vector<16xi32>, vector<16xi32>], vector<16xf32>,
        %gather3A_150 = tpu.vector_load_idx %arg13[%add3A_41, %broadcast_in_dim3A_148] : memref<80x128xf32, #tpu.memory_space<vmem>>[vector<16xi32>, vector<16xi32>], vector<16xf32>,
        %mul3A_151 = arith.mulf %gather3A_149, %gather3A_150 : vector<16xf32>
        %add3A_152 = arith.addf %add3A_146, %mul3A_151 : vector<16xf32>
        %broadcast_in_dim3A_153 = arith.constant 17 : i32
        %broadcast_in_dim3A_154 = vector.broadcast %broadcast_in_dim3A_153 : i32 to vector<16xi32>
        %gather3A_155 = tpu.vector_load_idx %arg12[%add3A_41, %broadcast_in_dim3A_154] : memref<80x128xf32, #tpu.memory_space<vmem>>[vector<16xi32>, vector<16xi32>], vector<16xf32>,
        %gather3A_156 = tpu.vector_load_idx %arg13[%add3A_41, %broadcast_in_dim3A_154] : memref<80x128xf32, #tpu.memory_space<vmem>>[vector<16xi32>, vector<16xi32>], vector<16xf32>,
        %mul3A_157 = arith.mulf %gather3A_155, %gather3A_156 : vector<16xf32>
        %add3A_158 = arith.addf %add3A_152, %mul3A_157 : vector<16xf32>
        %broadcast_in_dim3A_159 = arith.constant 18 : i32
        %broadcast_in_dim3A_160 = vector.broadcast %broadcast_in_dim3A_159 : i32 to vector<16xi32>
        %gather3A_161 = tpu.vector_load_idx %arg12[%add3A_41, %broadcast_in_dim3A_160] : memref<80x128xf32, #tpu.memory_space<vmem>>[vector<16xi32>, vector<16xi32>], vector<16xf32>,
        %gather3A_162 = tpu.vector_load_idx %arg13[%add3A_41, %broadcast_in_dim3A_160] : memref<80x128xf32, #tpu.memory_space<vmem>>[vector<16xi32>, vector<16xi32>], vector<16xf32>,
        %mul3A_163 = arith.mulf %gather3A_161, %gather3A_162 : vector<16xf32>
        %add3A_164 = arith.addf %add3A_158, %mul3A_163 : vector<16xf32>
        %broadcast_in_dim3A_165 = arith.constant 19 : i32
        %broadcast_in_dim3A_166 = vector.broadcast %broadcast_in_dim3A_165 : i32 to vector<16xi32>
        %gather3A_167 = tpu.vector_load_idx %arg12[%add3A_41, %broadcast_in_dim3A_166] : memref<80x128xf32, #tpu.memory_space<vmem>>[vector<16xi32>, vector<16xi32>], vector<16xf32>,
        %gather3A_168 = tpu.vector_load_idx %arg13[%add3A_41, %broadcast_in_dim3A_166] : memref<80x128xf32, #tpu.memory_space<vmem>>[vector<16xi32>, vector<16xi32>], vector<16xf32>,
        %mul3A_169 = arith.mulf %gather3A_167, %gather3A_168 : vector<16xf32>
        %add3A_170 = arith.addf %add3A_164, %mul3A_169 : vector<16xf32>
        %broadcast_in_dim3A_171 = arith.constant 20 : i32
        %broadcast_in_dim3A_172 = vector.broadcast %broadcast_in_dim3A_171 : i32 to vector<16xi32>
        %gather3A_173 = tpu.vector_load_idx %arg12[%add3A_41, %broadcast_in_dim3A_172] : memref<80x128xf32, #tpu.memory_space<vmem>>[vector<16xi32>, vector<16xi32>], vector<16xf32>,
        %gather3A_174 = tpu.vector_load_idx %arg13[%add3A_41, %broadcast_in_dim3A_172] : memref<80x128xf32, #tpu.memory_space<vmem>>[vector<16xi32>, vector<16xi32>], vector<16xf32>,
        %mul3A_175 = arith.mulf %gather3A_173, %gather3A_174 : vector<16xf32>
        %add3A_176 = arith.addf %add3A_170, %mul3A_175 : vector<16xf32>
        %broadcast_in_dim3A_177 = arith.constant 21 : i32
        %broadcast_in_dim3A_178 = vector.broadcast %broadcast_in_dim3A_177 : i32 to vector<16xi32>
        %gather3A_179 = tpu.vector_load_idx %arg12[%add3A_41, %broadcast_in_dim3A_178] : memref<80x128xf32, #tpu.memory_space<vmem>>[vector<16xi32>, vector<16xi32>], vector<16xf32>,
        %gather3A_180 = tpu.vector_load_idx %arg13[%add3A_41, %broadcast_in_dim3A_178] : memref<80x128xf32, #tpu.memory_space<vmem>>[vector<16xi32>, vector<16xi32>], vector<16xf32>,
        %mul3A_181 = arith.mulf %gather3A_179, %gather3A_180 : vector<16xf32>
        %add3A_182 = arith.addf %add3A_176, %mul3A_181 : vector<16xf32>
        %broadcast_in_dim3A_183 = arith.constant 22 : i32
        %broadcast_in_dim3A_184 = vector.broadcast %broadcast_in_dim3A_183 : i32 to vector<16xi32>
        %gather3A_185 = tpu.vector_load_idx %arg12[%add3A_41, %broadcast_in_dim3A_184] : memref<80x128xf32, #tpu.memory_space<vmem>>[vector<16xi32>, vector<16xi32>], vector<16xf32>,
        %gather3A_186 = tpu.vector_load_idx %arg13[%add3A_41, %broadcast_in_dim3A_184] : memref<80x128xf32, #tpu.memory_space<vmem>>[vector<16xi32>, vector<16xi32>], vector<16xf32>,
        %mul3A_187 = arith.mulf %gather3A_185, %gather3A_186 : vector<16xf32>
        %add3A_188 = arith.addf %add3A_182, %mul3A_187 : vector<16xf32>
        %broadcast_in_dim3A_189 = arith.constant 23 : i32
        %broadcast_in_dim3A_190 = vector.broadcast %broadcast_in_dim3A_189 : i32 to vector<16xi32>
        %gather3A_191 = tpu.vector_load_idx %arg12[%add3A_41, %broadcast_in_dim3A_190] : memref<80x128xf32, #tpu.memory_space<vmem>>[vector<16xi32>, vector<16xi32>], vector<16xf32>,
        %gather3A_192 = tpu.vector_load_idx %arg13[%add3A_41, %broadcast_in_dim3A_190] : memref<80x128xf32, #tpu.memory_space<vmem>>[vector<16xi32>, vector<16xi32>], vector<16xf32>,
        %mul3A_193 = arith.mulf %gather3A_191, %gather3A_192 : vector<16xf32>
        %add3A_194 = arith.addf %add3A_188, %mul3A_193 : vector<16xf32>
        %broadcast_in_dim3A_195 = arith.constant 24 : i32
        %broadcast_in_dim3A_196 = vector.broadcast %broadcast_in_dim3A_195 : i32 to vector<16xi32>
        %gather3A_197 = tpu.vector_load_idx %arg12[%add3A_41, %broadcast_in_dim3A_196] : memref<80x128xf32, #tpu.memory_space<vmem>>[vector<16xi32>, vector<16xi32>], vector<16xf32>,
        %gather3A_198 = tpu.vector_load_idx %arg13[%add3A_41, %broadcast_in_dim3A_196] : memref<80x128xf32, #tpu.memory_space<vmem>>[vector<16xi32>, vector<16xi32>], vector<16xf32>,
        %mul3A_199 = arith.mulf %gather3A_197, %gather3A_198 : vector<16xf32>
        %add3A_200 = arith.addf %add3A_194, %mul3A_199 : vector<16xf32>
        %broadcast_in_dim3A_201 = arith.constant 25 : i32
        %broadcast_in_dim3A_202 = vector.broadcast %broadcast_in_dim3A_201 : i32 to vector<16xi32>
        %gather3A_203 = tpu.vector_load_idx %arg12[%add3A_41, %broadcast_in_dim3A_202] : memref<80x128xf32, #tpu.memory_space<vmem>>[vector<16xi32>, vector<16xi32>], vector<16xf32>,
        %gather3A_204 = tpu.vector_load_idx %arg13[%add3A_41, %broadcast_in_dim3A_202] : memref<80x128xf32, #tpu.memory_space<vmem>>[vector<16xi32>, vector<16xi32>], vector<16xf32>,
        %mul3A_205 = arith.mulf %gather3A_203, %gather3A_204 : vector<16xf32>
        %add3A_206 = arith.addf %add3A_200, %mul3A_205 : vector<16xf32>
        %broadcast_in_dim3A_207 = arith.constant 26 : i32
        %broadcast_in_dim3A_208 = vector.broadcast %broadcast_in_dim3A_207 : i32 to vector<16xi32>
        %gather3A_209 = tpu.vector_load_idx %arg12[%add3A_41, %broadcast_in_dim3A_208] : memref<80x128xf32, #tpu.memory_space<vmem>>[vector<16xi32>, vector<16xi32>], vector<16xf32>,
        %gather3A_210 = tpu.vector_load_idx %arg13[%add3A_41, %broadcast_in_dim3A_208] : memref<80x128xf32, #tpu.memory_space<vmem>>[vector<16xi32>, vector<16xi32>], vector<16xf32>,
        %mul3A_211 = arith.mulf %gather3A_209, %gather3A_210 : vector<16xf32>
        %add3A_212 = arith.addf %add3A_206, %mul3A_211 : vector<16xf32>
        %broadcast_in_dim3A_213 = arith.constant 27 : i32
        %broadcast_in_dim3A_214 = vector.broadcast %broadcast_in_dim3A_213 : i32 to vector<16xi32>
        %gather3A_215 = tpu.vector_load_idx %arg12[%add3A_41, %broadcast_in_dim3A_214] : memref<80x128xf32, #tpu.memory_space<vmem>>[vector<16xi32>, vector<16xi32>], vector<16xf32>,
        %gather3A_216 = tpu.vector_load_idx %arg13[%add3A_41, %broadcast_in_dim3A_214] : memref<80x128xf32, #tpu.memory_space<vmem>>[vector<16xi32>, vector<16xi32>], vector<16xf32>,
        %mul3A_217 = arith.mulf %gather3A_215, %gather3A_216 : vector<16xf32>
        %add3A_218 = arith.addf %add3A_212, %mul3A_217 : vector<16xf32>
        %broadcast_in_dim3A_219 = arith.constant 28 : i32
        %broadcast_in_dim3A_220 = vector.broadcast %broadcast_in_dim3A_219 : i32 to vector<16xi32>
        %gather3A_221 = tpu.vector_load_idx %arg12[%add3A_41, %broadcast_in_dim3A_220] : memref<80x128xf32, #tpu.memory_space<vmem>>[vector<16xi32>, vector<16xi32>], vector<16xf32>,
        %gather3A_222 = tpu.vector_load_idx %arg13[%add3A_41, %broadcast_in_dim3A_220] : memref<80x128xf32, #tpu.memory_space<vmem>>[vector<16xi32>, vector<16xi32>], vector<16xf32>,
        %mul3A_223 = arith.mulf %gather3A_221, %gather3A_222 : vector<16xf32>
        %add3A_224 = arith.addf %add3A_218, %mul3A_223 : vector<16xf32>
        %broadcast_in_dim3A_225 = arith.constant 29 : i32
        %broadcast_in_dim3A_226 = vector.broadcast %broadcast_in_dim3A_225 : i32 to vector<16xi32>
        %gather3A_227 = tpu.vector_load_idx %arg12[%add3A_41, %broadcast_in_dim3A_226] : memref<80x128xf32, #tpu.memory_space<vmem>>[vector<16xi32>, vector<16xi32>], vector<16xf32>,
        %gather3A_228 = tpu.vector_load_idx %arg13[%add3A_41, %broadcast_in_dim3A_226] : memref<80x128xf32, #tpu.memory_space<vmem>>[vector<16xi32>, vector<16xi32>], vector<16xf32>,
        %mul3A_229 = arith.mulf %gather3A_227, %gather3A_228 : vector<16xf32>
        %add3A_230 = arith.addf %add3A_224, %mul3A_229 : vector<16xf32>
        %broadcast_in_dim3A_231 = arith.constant 30 : i32
        %broadcast_in_dim3A_232 = vector.broadcast %broadcast_in_dim3A_231 : i32 to vector<16xi32>
        %gather3A_233 = tpu.vector_load_idx %arg12[%add3A_41, %broadcast_in_dim3A_232] : memref<80x128xf32, #tpu.memory_space<vmem>>[vector<16xi32>, vector<16xi32>], vector<16xf32>,
        %gather3A_234 = tpu.vector_load_idx %arg13[%add3A_41, %broadcast_in_dim3A_232] : memref<80x128xf32, #tpu.memory_space<vmem>>[vector<16xi32>, vector<16xi32>], vector<16xf32>,
        %mul3A_235 = arith.mulf %gather3A_233, %gather3A_234 : vector<16xf32>
        %add3A_236 = arith.addf %add3A_230, %mul3A_235 : vector<16xf32>
        %broadcast_in_dim3A_237 = arith.constant 31 : i32
        %broadcast_in_dim3A_238 = vector.broadcast %broadcast_in_dim3A_237 : i32 to vector<16xi32>
        %gather3A_239 = tpu.vector_load_idx %arg12[%add3A_41, %broadcast_in_dim3A_238] : memref<80x128xf32, #tpu.memory_space<vmem>>[vector<16xi32>, vector<16xi32>], vector<16xf32>,
        %gather3A_240 = tpu.vector_load_idx %arg13[%add3A_41, %broadcast_in_dim3A_238] : memref<80x128xf32, #tpu.memory_space<vmem>>[vector<16xi32>, vector<16xi32>], vector<16xf32>,
        %mul3A_241 = arith.mulf %gather3A_239, %gather3A_240 : vector<16xf32>
        %add3A_242 = arith.addf %add3A_236, %mul3A_241 : vector<16xf32>
        %broadcast_in_dim3A_243 = arith.constant 32 : i32
        %broadcast_in_dim3A_244 = vector.broadcast %broadcast_in_dim3A_243 : i32 to vector<16xi32>
        %gather3A_245 = tpu.vector_load_idx %arg12[%add3A_41, %broadcast_in_dim3A_244] : memref<80x128xf32, #tpu.memory_space<vmem>>[vector<16xi32>, vector<16xi32>], vector<16xf32>,
        %gather3A_246 = tpu.vector_load_idx %arg13[%add3A_41, %broadcast_in_dim3A_244] : memref<80x128xf32, #tpu.memory_space<vmem>>[vector<16xi32>, vector<16xi32>], vector<16xf32>,
        %mul3A_247 = arith.mulf %gather3A_245, %gather3A_246 : vector<16xf32>
        %add3A_248 = arith.addf %add3A_242, %mul3A_247 : vector<16xf32>
        %broadcast_in_dim3A_249 = arith.constant 33 : i32
        %broadcast_in_dim3A_250 = vector.broadcast %broadcast_in_dim3A_249 : i32 to vector<16xi32>
        %gather3A_251 = tpu.vector_load_idx %arg12[%add3A_41, %broadcast_in_dim3A_250] : memref<80x128xf32, #tpu.memory_space<vmem>>[vector<16xi32>, vector<16xi32>], vector<16xf32>,
        %gather3A_252 = tpu.vector_load_idx %arg13[%add3A_41, %broadcast_in_dim3A_250] : memref<80x128xf32, #tpu.memory_space<vmem>>[vector<16xi32>, vector<16xi32>], vector<16xf32>,
        %mul3A_253 = arith.mulf %gather3A_251, %gather3A_252 : vector<16xf32>
        %add3A_254 = arith.addf %add3A_248, %mul3A_253 : vector<16xf32>
        %broadcast_in_dim3A_255 = arith.constant 34 : i32
        %broadcast_in_dim3A_256 = vector.broadcast %broadcast_in_dim3A_255 : i32 to vector<16xi32>
        %gather3A_257 = tpu.vector_load_idx %arg12[%add3A_41, %broadcast_in_dim3A_256] : memref<80x128xf32, #tpu.memory_space<vmem>>[vector<16xi32>, vector<16xi32>], vector<16xf32>,
        %gather3A_258 = tpu.vector_load_idx %arg13[%add3A_41, %broadcast_in_dim3A_256] : memref<80x128xf32, #tpu.memory_space<vmem>>[vector<16xi32>, vector<16xi32>], vector<16xf32>,
        %mul3A_259 = arith.mulf %gather3A_257, %gather3A_258 : vector<16xf32>
        %add3A_260 = arith.addf %add3A_254, %mul3A_259 : vector<16xf32>
        %broadcast_in_dim3A_261 = arith.constant 35 : i32
        %broadcast_in_dim3A_262 = vector.broadcast %broadcast_in_dim3A_261 : i32 to vector<16xi32>
        %gather3A_263 = tpu.vector_load_idx %arg12[%add3A_41, %broadcast_in_dim3A_262] : memref<80x128xf32, #tpu.memory_space<vmem>>[vector<16xi32>, vector<16xi32>], vector<16xf32>,
        %gather3A_264 = tpu.vector_load_idx %arg13[%add3A_41, %broadcast_in_dim3A_262] : memref<80x128xf32, #tpu.memory_space<vmem>>[vector<16xi32>, vector<16xi32>], vector<16xf32>,
        %mul3A_265 = arith.mulf %gather3A_263, %gather3A_264 : vector<16xf32>
        %add3A_266 = arith.addf %add3A_260, %mul3A_265 : vector<16xf32>
        %broadcast_in_dim3A_267 = arith.constant 36 : i32
        %broadcast_in_dim3A_268 = vector.broadcast %broadcast_in_dim3A_267 : i32 to vector<16xi32>
        %gather3A_269 = tpu.vector_load_idx %arg12[%add3A_41, %broadcast_in_dim3A_268] : memref<80x128xf32, #tpu.memory_space<vmem>>[vector<16xi32>, vector<16xi32>], vector<16xf32>,
        %gather3A_270 = tpu.vector_load_idx %arg13[%add3A_41, %broadcast_in_dim3A_268] : memref<80x128xf32, #tpu.memory_space<vmem>>[vector<16xi32>, vector<16xi32>], vector<16xf32>,
        %mul3A_271 = arith.mulf %gather3A_269, %gather3A_270 : vector<16xf32>
        %add3A_272 = arith.addf %add3A_266, %mul3A_271 : vector<16xf32>
        %broadcast_in_dim3A_273 = arith.constant 37 : i32
        %broadcast_in_dim3A_274 = vector.broadcast %broadcast_in_dim3A_273 : i32 to vector<16xi32>
        %gather3A_275 = tpu.vector_load_idx %arg12[%add3A_41, %broadcast_in_dim3A_274] : memref<80x128xf32, #tpu.memory_space<vmem>>[vector<16xi32>, vector<16xi32>], vector<16xf32>,
        %gather3A_276 = tpu.vector_load_idx %arg13[%add3A_41, %broadcast_in_dim3A_274] : memref<80x128xf32, #tpu.memory_space<vmem>>[vector<16xi32>, vector<16xi32>], vector<16xf32>,
        %mul3A_277 = arith.mulf %gather3A_275, %gather3A_276 : vector<16xf32>
        %add3A_278 = arith.addf %add3A_272, %mul3A_277 : vector<16xf32>
        %broadcast_in_dim3A_279 = arith.constant 38 : i32
        %broadcast_in_dim3A_280 = vector.broadcast %broadcast_in_dim3A_279 : i32 to vector<16xi32>
        %gather3A_281 = tpu.vector_load_idx %arg12[%add3A_41, %broadcast_in_dim3A_280] : memref<80x128xf32, #tpu.memory_space<vmem>>[vector<16xi32>, vector<16xi32>], vector<16xf32>,
        %gather3A_282 = tpu.vector_load_idx %arg13[%add3A_41, %broadcast_in_dim3A_280] : memref<80x128xf32, #tpu.memory_space<vmem>>[vector<16xi32>, vector<16xi32>], vector<16xf32>,
        %mul3A_283 = arith.mulf %gather3A_281, %gather3A_282 : vector<16xf32>
        %add3A_284 = arith.addf %add3A_278, %mul3A_283 : vector<16xf32>
        %broadcast_in_dim3A_285 = arith.constant 39 : i32
        %broadcast_in_dim3A_286 = vector.broadcast %broadcast_in_dim3A_285 : i32 to vector<16xi32>
        %gather3A_287 = tpu.vector_load_idx %arg12[%add3A_41, %broadcast_in_dim3A_286] : memref<80x128xf32, #tpu.memory_space<vmem>>[vector<16xi32>, vector<16xi32>], vector<16xf32>,
        %gather3A_288 = tpu.vector_load_idx %arg13[%add3A_41, %broadcast_in_dim3A_286] : memref<80x128xf32, #tpu.memory_space<vmem>>[vector<16xi32>, vector<16xi32>], vector<16xf32>,
        %mul3A_289 = arith.mulf %gather3A_287, %gather3A_288 : vector<16xf32>
        %add3A_290 = arith.addf %add3A_284, %mul3A_289 : vector<16xf32>
        %broadcast_in_dim3A_291 = arith.constant 40 : i32
        %broadcast_in_dim3A_292 = vector.broadcast %broadcast_in_dim3A_291 : i32 to vector<16xi32>
        %gather3A_293 = tpu.vector_load_idx %arg12[%add3A_41, %broadcast_in_dim3A_292] : memref<80x128xf32, #tpu.memory_space<vmem>>[vector<16xi32>, vector<16xi32>], vector<16xf32>,
        %gather3A_294 = tpu.vector_load_idx %arg13[%add3A_41, %broadcast_in_dim3A_292] : memref<80x128xf32, #tpu.memory_space<vmem>>[vector<16xi32>, vector<16xi32>], vector<16xf32>,
        %mul3A_295 = arith.mulf %gather3A_293, %gather3A_294 : vector<16xf32>
        %add3A_296 = arith.addf %add3A_290, %mul3A_295 : vector<16xf32>
        %broadcast_in_dim3A_297 = arith.constant 41 : i32
        %broadcast_in_dim3A_298 = vector.broadcast %broadcast_in_dim3A_297 : i32 to vector<16xi32>
        %gather3A_299 = tpu.vector_load_idx %arg12[%add3A_41, %broadcast_in_dim3A_298] : memref<80x128xf32, #tpu.memory_space<vmem>>[vector<16xi32>, vector<16xi32>], vector<16xf32>,
        %gather3A_300 = tpu.vector_load_idx %arg13[%add3A_41, %broadcast_in_dim3A_298] : memref<80x128xf32, #tpu.memory_space<vmem>>[vector<16xi32>, vector<16xi32>], vector<16xf32>,
        %mul3A_301 = arith.mulf %gather3A_299, %gather3A_300 : vector<16xf32>
        %add3A_302 = arith.addf %add3A_296, %mul3A_301 : vector<16xf32>
        %broadcast_in_dim3A_303 = arith.constant 42 : i32
        %broadcast_in_dim3A_304 = vector.broadcast %broadcast_in_dim3A_303 : i32 to vector<16xi32>
        %gather3A_305 = tpu.vector_load_idx %arg12[%add3A_41, %broadcast_in_dim3A_304] : memref<80x128xf32, #tpu.memory_space<vmem>>[vector<16xi32>, vector<16xi32>], vector<16xf32>,
        %gather3A_306 = tpu.vector_load_idx %arg13[%add3A_41, %broadcast_in_dim3A_304] : memref<80x128xf32, #tpu.memory_space<vmem>>[vector<16xi32>, vector<16xi32>], vector<16xf32>,
        %mul3A_307 = arith.mulf %gather3A_305, %gather3A_306 : vector<16xf32>
        %add3A_308 = arith.addf %add3A_302, %mul3A_307 : vector<16xf32>
        %broadcast_in_dim3A_309 = arith.constant 43 : i32
        %broadcast_in_dim3A_310 = vector.broadcast %broadcast_in_dim3A_309 : i32 to vector<16xi32>
        %gather3A_311 = tpu.vector_load_idx %arg12[%add3A_41, %broadcast_in_dim3A_310] : memref<80x128xf32, #tpu.memory_space<vmem>>[vector<16xi32>, vector<16xi32>], vector<16xf32>,
        %gather3A_312 = tpu.vector_load_idx %arg13[%add3A_41, %broadcast_in_dim3A_310] : memref<80x128xf32, #tpu.memory_space<vmem>>[vector<16xi32>, vector<16xi32>], vector<16xf32>,
        %mul3A_313 = arith.mulf %gather3A_311, %gather3A_312 : vector<16xf32>
        %add3A_314 = arith.addf %add3A_308, %mul3A_313 : vector<16xf32>
        %broadcast_in_dim3A_315 = arith.constant 44 : i32
        %broadcast_in_dim3A_316 = vector.broadcast %broadcast_in_dim3A_315 : i32 to vector<16xi32>
        %gather3A_317 = tpu.vector_load_idx %arg12[%add3A_41, %broadcast_in_dim3A_316] : memref<80x128xf32, #tpu.memory_space<vmem>>[vector<16xi32>, vector<16xi32>], vector<16xf32>,
        %gather3A_318 = tpu.vector_load_idx %arg13[%add3A_41, %broadcast_in_dim3A_316] : memref<80x128xf32, #tpu.memory_space<vmem>>[vector<16xi32>, vector<16xi32>], vector<16xf32>,
        %mul3A_319 = arith.mulf %gather3A_317, %gather3A_318 : vector<16xf32>
        %add3A_320 = arith.addf %add3A_314, %mul3A_319 : vector<16xf32>
        %broadcast_in_dim3A_321 = arith.constant 45 : i32
        %broadcast_in_dim3A_322 = vector.broadcast %broadcast_in_dim3A_321 : i32 to vector<16xi32>
        %gather3A_323 = tpu.vector_load_idx %arg12[%add3A_41, %broadcast_in_dim3A_322] : memref<80x128xf32, #tpu.memory_space<vmem>>[vector<16xi32>, vector<16xi32>], vector<16xf32>,
        %gather3A_324 = tpu.vector_load_idx %arg13[%add3A_41, %broadcast_in_dim3A_322] : memref<80x128xf32, #tpu.memory_space<vmem>>[vector<16xi32>, vector<16xi32>], vector<16xf32>,
        %mul3A_325 = arith.mulf %gather3A_323, %gather3A_324 : vector<16xf32>
        %add3A_326 = arith.addf %add3A_320, %mul3A_325 : vector<16xf32>
        %broadcast_in_dim3A_327 = arith.constant 46 : i32
        %broadcast_in_dim3A_328 = vector.broadcast %broadcast_in_dim3A_327 : i32 to vector<16xi32>
        %gather3A_329 = tpu.vector_load_idx %arg12[%add3A_41, %broadcast_in_dim3A_328] : memref<80x128xf32, #tpu.memory_space<vmem>>[vector<16xi32>, vector<16xi32>], vector<16xf32>,
        %gather3A_330 = tpu.vector_load_idx %arg13[%add3A_41, %broadcast_in_dim3A_328] : memref<80x128xf32, #tpu.memory_space<vmem>>[vector<16xi32>, vector<16xi32>], vector<16xf32>,
        %mul3A_331 = arith.mulf %gather3A_329, %gather3A_330 : vector<16xf32>
        %add3A_332 = arith.addf %add3A_326, %mul3A_331 : vector<16xf32>
        %broadcast_in_dim3A_333 = arith.constant 47 : i32
        %broadcast_in_dim3A_334 = vector.broadcast %broadcast_in_dim3A_333 : i32 to vector<16xi32>
        %gather3A_335 = tpu.vector_load_idx %arg12[%add3A_41, %broadcast_in_dim3A_334] : memref<80x128xf32, #tpu.memory_space<vmem>>[vector<16xi32>, vector<16xi32>], vector<16xf32>,
        %gather3A_336 = tpu.vector_load_idx %arg13[%add3A_41, %broadcast_in_dim3A_334] : memref<80x128xf32, #tpu.memory_space<vmem>>[vector<16xi32>, vector<16xi32>], vector<16xf32>,
        %mul3A_337 = arith.mulf %gather3A_335, %gather3A_336 : vector<16xf32>
        %add3A_338 = arith.addf %add3A_332, %mul3A_337 : vector<16xf32>
        %broadcast_in_dim3A_339 = arith.constant 48 : i32
        %broadcast_in_dim3A_340 = vector.broadcast %broadcast_in_dim3A_339 : i32 to vector<16xi32>
        %gather3A_341 = tpu.vector_load_idx %arg12[%add3A_41, %broadcast_in_dim3A_340] : memref<80x128xf32, #tpu.memory_space<vmem>>[vector<16xi32>, vector<16xi32>], vector<16xf32>,
        %gather3A_342 = tpu.vector_load_idx %arg13[%add3A_41, %broadcast_in_dim3A_340] : memref<80x128xf32, #tpu.memory_space<vmem>>[vector<16xi32>, vector<16xi32>], vector<16xf32>,
        %mul3A_343 = arith.mulf %gather3A_341, %gather3A_342 : vector<16xf32>
        %add3A_344 = arith.addf %add3A_338, %mul3A_343 : vector<16xf32>
        %broadcast_in_dim3A_345 = arith.constant 49 : i32
        %broadcast_in_dim3A_346 = vector.broadcast %broadcast_in_dim3A_345 : i32 to vector<16xi32>
        %gather3A_347 = tpu.vector_load_idx %arg12[%add3A_41, %broadcast_in_dim3A_346] : memref<80x128xf32, #tpu.memory_space<vmem>>[vector<16xi32>, vector<16xi32>], vector<16xf32>,
        %gather3A_348 = tpu.vector_load_idx %arg13[%add3A_41, %broadcast_in_dim3A_346] : memref<80x128xf32, #tpu.memory_space<vmem>>[vector<16xi32>, vector<16xi32>], vector<16xf32>,
        %mul3A_349 = arith.mulf %gather3A_347, %gather3A_348 : vector<16xf32>
        %add3A_350 = arith.addf %add3A_344, %mul3A_349 : vector<16xf32>
        %broadcast_in_dim3A_351 = arith.constant 50 : i32
        %broadcast_in_dim3A_352 = vector.broadcast %broadcast_in_dim3A_351 : i32 to vector<16xi32>
        %gather3A_353 = tpu.vector_load_idx %arg12[%add3A_41, %broadcast_in_dim3A_352] : memref<80x128xf32, #tpu.memory_space<vmem>>[vector<16xi32>, vector<16xi32>], vector<16xf32>,
        %gather3A_354 = tpu.vector_load_idx %arg13[%add3A_41, %broadcast_in_dim3A_352] : memref<80x128xf32, #tpu.memory_space<vmem>>[vector<16xi32>, vector<16xi32>], vector<16xf32>,
        %mul3A_355 = arith.mulf %gather3A_353, %gather3A_354 : vector<16xf32>
        %add3A_356 = arith.addf %add3A_350, %mul3A_355 : vector<16xf32>
        %broadcast_in_dim3A_357 = arith.constant 51 : i32
        %broadcast_in_dim3A_358 = vector.broadcast %broadcast_in_dim3A_357 : i32 to vector<16xi32>
        %gather3A_359 = tpu.vector_load_idx %arg12[%add3A_41, %broadcast_in_dim3A_358] : memref<80x128xf32, #tpu.memory_space<vmem>>[vector<16xi32>, vector<16xi32>], vector<16xf32>,
        %gather3A_360 = tpu.vector_load_idx %arg13[%add3A_41, %broadcast_in_dim3A_358] : memref<80x128xf32, #tpu.memory_space<vmem>>[vector<16xi32>, vector<16xi32>], vector<16xf32>,
        %mul3A_361 = arith.mulf %gather3A_359, %gather3A_360 : vector<16xf32>
        %add3A_362 = arith.addf %add3A_356, %mul3A_361 : vector<16xf32>
        %broadcast_in_dim3A_363 = arith.constant 52 : i32
        %broadcast_in_dim3A_364 = vector.broadcast %broadcast_in_dim3A_363 : i32 to vector<16xi32>
        %gather3A_365 = tpu.vector_load_idx %arg12[%add3A_41, %broadcast_in_dim3A_364] : memref<80x128xf32, #tpu.memory_space<vmem>>[vector<16xi32>, vector<16xi32>], vector<16xf32>,
        %gather3A_366 = tpu.vector_load_idx %arg13[%add3A_41, %broadcast_in_dim3A_364] : memref<80x128xf32, #tpu.memory_space<vmem>>[vector<16xi32>, vector<16xi32>], vector<16xf32>,
        %mul3A_367 = arith.mulf %gather3A_365, %gather3A_366 : vector<16xf32>
        %add3A_368 = arith.addf %add3A_362, %mul3A_367 : vector<16xf32>
        %broadcast_in_dim3A_369 = arith.constant 53 : i32
        %broadcast_in_dim3A_370 = vector.broadcast %broadcast_in_dim3A_369 : i32 to vector<16xi32>
        %gather3A_371 = tpu.vector_load_idx %arg12[%add3A_41, %broadcast_in_dim3A_370] : memref<80x128xf32, #tpu.memory_space<vmem>>[vector<16xi32>, vector<16xi32>], vector<16xf32>,
        %gather3A_372 = tpu.vector_load_idx %arg13[%add3A_41, %broadcast_in_dim3A_370] : memref<80x128xf32, #tpu.memory_space<vmem>>[vector<16xi32>, vector<16xi32>], vector<16xf32>,
        %mul3A_373 = arith.mulf %gather3A_371, %gather3A_372 : vector<16xf32>
        %add3A_374 = arith.addf %add3A_368, %mul3A_373 : vector<16xf32>
        %broadcast_in_dim3A_375 = arith.constant 54 : i32
        %broadcast_in_dim3A_376 = vector.broadcast %broadcast_in_dim3A_375 : i32 to vector<16xi32>
        %gather3A_377 = tpu.vector_load_idx %arg12[%add3A_41, %broadcast_in_dim3A_376] : memref<80x128xf32, #tpu.memory_space<vmem>>[vector<16xi32>, vector<16xi32>], vector<16xf32>,
        %gather3A_378 = tpu.vector_load_idx %arg13[%add3A_41, %broadcast_in_dim3A_376] : memref<80x128xf32, #tpu.memory_space<vmem>>[vector<16xi32>, vector<16xi32>], vector<16xf32>,
        %mul3A_379 = arith.mulf %gather3A_377, %gather3A_378 : vector<16xf32>
        %add3A_380 = arith.addf %add3A_374, %mul3A_379 : vector<16xf32>
        %broadcast_in_dim3A_381 = arith.constant 55 : i32
        %broadcast_in_dim3A_382 = vector.broadcast %broadcast_in_dim3A_381 : i32 to vector<16xi32>
        %gather3A_383 = tpu.vector_load_idx %arg12[%add3A_41, %broadcast_in_dim3A_382] : memref<80x128xf32, #tpu.memory_space<vmem>>[vector<16xi32>, vector<16xi32>], vector<16xf32>,
        %gather3A_384 = tpu.vector_load_idx %arg13[%add3A_41, %broadcast_in_dim3A_382] : memref<80x128xf32, #tpu.memory_space<vmem>>[vector<16xi32>, vector<16xi32>], vector<16xf32>,
        %mul3A_385 = arith.mulf %gather3A_383, %gather3A_384 : vector<16xf32>
        %add3A_386 = arith.addf %add3A_380, %mul3A_385 : vector<16xf32>
        %broadcast_in_dim3A_387 = arith.constant 56 : i32
        %broadcast_in_dim3A_388 = vector.broadcast %broadcast_in_dim3A_387 : i32 to vector<16xi32>
        %gather3A_389 = tpu.vector_load_idx %arg12[%add3A_41, %broadcast_in_dim3A_388] : memref<80x128xf32, #tpu.memory_space<vmem>>[vector<16xi32>, vector<16xi32>], vector<16xf32>,
        %gather3A_390 = tpu.vector_load_idx %arg13[%add3A_41, %broadcast_in_dim3A_388] : memref<80x128xf32, #tpu.memory_space<vmem>>[vector<16xi32>, vector<16xi32>], vector<16xf32>,
        %mul3A_391 = arith.mulf %gather3A_389, %gather3A_390 : vector<16xf32>
        %add3A_392 = arith.addf %add3A_386, %mul3A_391 : vector<16xf32>
        %broadcast_in_dim3A_393 = arith.constant 57 : i32
        %broadcast_in_dim3A_394 = vector.broadcast %broadcast_in_dim3A_393 : i32 to vector<16xi32>
        %gather3A_395 = tpu.vector_load_idx %arg12[%add3A_41, %broadcast_in_dim3A_394] : memref<80x128xf32, #tpu.memory_space<vmem>>[vector<16xi32>, vector<16xi32>], vector<16xf32>,
        %gather3A_396 = tpu.vector_load_idx %arg13[%add3A_41, %broadcast_in_dim3A_394] : memref<80x128xf32, #tpu.memory_space<vmem>>[vector<16xi32>, vector<16xi32>], vector<16xf32>,
        %mul3A_397 = arith.mulf %gather3A_395, %gather3A_396 : vector<16xf32>
        %add3A_398 = arith.addf %add3A_392, %mul3A_397 : vector<16xf32>
        %broadcast_in_dim3A_399 = arith.constant 58 : i32
        %broadcast_in_dim3A_400 = vector.broadcast %broadcast_in_dim3A_399 : i32 to vector<16xi32>
        %gather3A_401 = tpu.vector_load_idx %arg12[%add3A_41, %broadcast_in_dim3A_400] : memref<80x128xf32, #tpu.memory_space<vmem>>[vector<16xi32>, vector<16xi32>], vector<16xf32>,
        %gather3A_402 = tpu.vector_load_idx %arg13[%add3A_41, %broadcast_in_dim3A_400] : memref<80x128xf32, #tpu.memory_space<vmem>>[vector<16xi32>, vector<16xi32>], vector<16xf32>,
        %mul3A_403 = arith.mulf %gather3A_401, %gather3A_402 : vector<16xf32>
        %add3A_404 = arith.addf %add3A_398, %mul3A_403 : vector<16xf32>
        %broadcast_in_dim3A_405 = arith.constant 59 : i32
        %broadcast_in_dim3A_406 = vector.broadcast %broadcast_in_dim3A_405 : i32 to vector<16xi32>
        %gather3A_407 = tpu.vector_load_idx %arg12[%add3A_41, %broadcast_in_dim3A_406] : memref<80x128xf32, #tpu.memory_space<vmem>>[vector<16xi32>, vector<16xi32>], vector<16xf32>,
        %gather3A_408 = tpu.vector_load_idx %arg13[%add3A_41, %broadcast_in_dim3A_406] : memref<80x128xf32, #tpu.memory_space<vmem>>[vector<16xi32>, vector<16xi32>], vector<16xf32>,
        %mul3A_409 = arith.mulf %gather3A_407, %gather3A_408 : vector<16xf32>
        %add3A_410 = arith.addf %add3A_404, %mul3A_409 : vector<16xf32>
        %broadcast_in_dim3A_411 = arith.constant 60 : i32
        %broadcast_in_dim3A_412 = vector.broadcast %broadcast_in_dim3A_411 : i32 to vector<16xi32>
        %gather3A_413 = tpu.vector_load_idx %arg12[%add3A_41, %broadcast_in_dim3A_412] : memref<80x128xf32, #tpu.memory_space<vmem>>[vector<16xi32>, vector<16xi32>], vector<16xf32>,
        %gather3A_414 = tpu.vector_load_idx %arg13[%add3A_41, %broadcast_in_dim3A_412] : memref<80x128xf32, #tpu.memory_space<vmem>>[vector<16xi32>, vector<16xi32>], vector<16xf32>,
        %mul3A_415 = arith.mulf %gather3A_413, %gather3A_414 : vector<16xf32>
        %add3A_416 = arith.addf %add3A_410, %mul3A_415 : vector<16xf32>
        %broadcast_in_dim3A_417 = arith.constant 61 : i32
        %broadcast_in_dim3A_418 = vector.broadcast %broadcast_in_dim3A_417 : i32 to vector<16xi32>
        %gather3A_419 = tpu.vector_load_idx %arg12[%add3A_41, %broadcast_in_dim3A_418] : memref<80x128xf32, #tpu.memory_space<vmem>>[vector<16xi32>, vector<16xi32>], vector<16xf32>,
        %gather3A_420 = tpu.vector_load_idx %arg13[%add3A_41, %broadcast_in_dim3A_418] : memref<80x128xf32, #tpu.memory_space<vmem>>[vector<16xi32>, vector<16xi32>], vector<16xf32>,
        %mul3A_421 = arith.mulf %gather3A_419, %gather3A_420 : vector<16xf32>
        %add3A_422 = arith.addf %add3A_416, %mul3A_421 : vector<16xf32>
        %broadcast_in_dim3A_423 = arith.constant 62 : i32
        %broadcast_in_dim3A_424 = vector.broadcast %broadcast_in_dim3A_423 : i32 to vector<16xi32>
        %gather3A_425 = tpu.vector_load_idx %arg12[%add3A_41, %broadcast_in_dim3A_424] : memref<80x128xf32, #tpu.memory_space<vmem>>[vector<16xi32>, vector<16xi32>], vector<16xf32>,
        %gather3A_426 = tpu.vector_load_idx %arg13[%add3A_41, %broadcast_in_dim3A_424] : memref<80x128xf32, #tpu.memory_space<vmem>>[vector<16xi32>, vector<16xi32>], vector<16xf32>,
        %mul3A_427 = arith.mulf %gather3A_425, %gather3A_426 : vector<16xf32>
        %add3A_428 = arith.addf %add3A_422, %mul3A_427 : vector<16xf32>
        %broadcast_in_dim3A_429 = arith.constant 63 : i32
        %broadcast_in_dim3A_430 = vector.broadcast %broadcast_in_dim3A_429 : i32 to vector<16xi32>
        %gather3A_431 = tpu.vector_load_idx %arg12[%add3A_41, %broadcast_in_dim3A_430] : memref<80x128xf32, #tpu.memory_space<vmem>>[vector<16xi32>, vector<16xi32>], vector<16xf32>,
        %gather3A_432 = tpu.vector_load_idx %arg13[%add3A_41, %broadcast_in_dim3A_430] : memref<80x128xf32, #tpu.memory_space<vmem>>[vector<16xi32>, vector<16xi32>], vector<16xf32>,
        %mul3A_433 = arith.mulf %gather3A_431, %gather3A_432 : vector<16xf32>
        %add3A_434 = arith.addf %add3A_428, %mul3A_433 : vector<16xf32>
        %exp3A = math.exp %add3A_434 : vector<16xf32>
        %broadcast_in_dim3A_435 = arith.constant 64 : i32
        %broadcast_in_dim3A_436 = vector.broadcast %broadcast_in_dim3A_435 : i32 to vector<16xi32>
        %gather3A_437 = tpu.vector_load_idx %arg13[%add3A_41, %broadcast_in_dim3A_436] : memref<80x128xf32, #tpu.memory_space<vmem>>[vector<16xi32>, vector<16xi32>], vector<16xf32>,
        %broadcast_in_dim3A_438 = arith.constant 0 : i32
        %broadcast_in_dim3A_439 = vector.broadcast %broadcast_in_dim3A_438 : i32 to vector<16xi32>
        %mul3A_440 = arith.mulf %gather3A_437, %exp3A : vector<16xf32>
        tpu.vector_store_idx %arg14[%add3A_41, %broadcast_in_dim3A_439], %mul3A_440 : memref<80x128xf32, #tpu.memory_space<vmem>>[vector<16xi32>, vector<16xi32>], vector<16xf32>,
        %broadcast_in_dim3A_441 = arith.constant 65 : i32
        %broadcast_in_dim3A_442 = vector.broadcast %broadcast_in_dim3A_441 : i32 to vector<16xi32>
        %gather3A_443 = tpu.vector_load_idx %arg13[%add3A_41, %broadcast_in_dim3A_442] : memref<80x128xf32, #tpu.memory_space<vmem>>[vector<16xi32>, vector<16xi32>], vector<16xf32>,
        %broadcast_in_dim3A_444 = arith.constant 1 : i32
        %broadcast_in_dim3A_445 = vector.broadcast %broadcast_in_dim3A_444 : i32 to vector<16xi32>
        %mul3A_446 = arith.mulf %gather3A_443, %exp3A : vector<16xf32>
        tpu.vector_store_idx %arg14[%add3A_41, %broadcast_in_dim3A_445], %mul3A_446 : memref<80x128xf32, #tpu.memory_space<vmem>>[vector<16xi32>, vector<16xi32>], vector<16xf32>,
        %broadcast_in_dim3A_447 = arith.constant 66 : i32
        %broadcast_in_dim3A_448 = vector.broadcast %broadcast_in_dim3A_447 : i32 to vector<16xi32>
        %gather3A_449 = tpu.vector_load_idx %arg13[%add3A_41, %broadcast_in_dim3A_448] : memref<80x128xf32, #tpu.memory_space<vmem>>[vector<16xi32>, vector<16xi32>], vector<16xf32>,
        %broadcast_in_dim3A_450 = arith.constant 2 : i32
        %broadcast_in_dim3A_451 = vector.broadcast %broadcast_in_dim3A_450 : i32 to vector<16xi32>
        %mul3A_452 = arith.mulf %gather3A_449, %exp3A : vector<16xf32>
        tpu.vector_store_idx %arg14[%add3A_41, %broadcast_in_dim3A_451], %mul3A_452 : memref<80x128xf32, #tpu.memory_space<vmem>>[vector<16xi32>, vector<16xi32>], vector<16xf32>,
        %broadcast_in_dim3A_453 = arith.constant 67 : i32
        %broadcast_in_dim3A_454 = vector.broadcast %broadcast_in_dim3A_453 : i32 to vector<16xi32>
        %gather3A_455 = tpu.vector_load_idx %arg13[%add3A_41, %broadcast_in_dim3A_454] : memref<80x128xf32, #tpu.memory_space<vmem>>[vector<16xi32>, vector<16xi32>], vector<16xf32>,
        %broadcast_in_dim3A_456 = arith.constant 3 : i32
        %broadcast_in_dim3A_457 = vector.broadcast %broadcast_in_dim3A_456 : i32 to vector<16xi32>
        %mul3A_458 = arith.mulf %gather3A_455, %exp3A : vector<16xf32>
        tpu.vector_store_idx %arg14[%add3A_41, %broadcast_in_dim3A_457], %mul3A_458 : memref<80x128xf32, #tpu.memory_space<vmem>>[vector<16xi32>, vector<16xi32>], vector<16xf32>,
        %broadcast_in_dim3A_459 = arith.constant 68 : i32
        %broadcast_in_dim3A_460 = vector.broadcast %broadcast_in_dim3A_459 : i32 to vector<16xi32>
        %gather3A_461 = tpu.vector_load_idx %arg13[%add3A_41, %broadcast_in_dim3A_460] : memref<80x128xf32, #tpu.memory_space<vmem>>[vector<16xi32>, vector<16xi32>], vector<16xf32>,
        %broadcast_in_dim3A_462 = arith.constant 4 : i32
        %broadcast_in_dim3A_463 = vector.broadcast %broadcast_in_dim3A_462 : i32 to vector<16xi32>
        %mul3A_464 = arith.mulf %gather3A_461, %exp3A : vector<16xf32>
        tpu.vector_store_idx %arg14[%add3A_41, %broadcast_in_dim3A_463], %mul3A_464 : memref<80x128xf32, #tpu.memory_space<vmem>>[vector<16xi32>, vector<16xi32>], vector<16xf32>,
        %broadcast_in_dim3A_465 = arith.constant 69 : i32
        %broadcast_in_dim3A_466 = vector.broadcast %broadcast_in_dim3A_465 : i32 to vector<16xi32>
        %gather3A_467 = tpu.vector_load_idx %arg13[%add3A_41, %broadcast_in_dim3A_466] : memref<80x128xf32, #tpu.memory_space<vmem>>[vector<16xi32>, vector<16xi32>], vector<16xf32>,
        %broadcast_in_dim3A_468 = arith.constant 5 : i32
        %broadcast_in_dim3A_469 = vector.broadcast %broadcast_in_dim3A_468 : i32 to vector<16xi32>
        %mul3A_470 = arith.mulf %gather3A_467, %exp3A : vector<16xf32>
        tpu.vector_store_idx %arg14[%add3A_41, %broadcast_in_dim3A_469], %mul3A_470 : memref<80x128xf32, #tpu.memory_space<vmem>>[vector<16xi32>, vector<16xi32>], vector<16xf32>,
        %broadcast_in_dim3A_471 = arith.constant 70 : i32
        %broadcast_in_dim3A_472 = vector.broadcast %broadcast_in_dim3A_471 : i32 to vector<16xi32>
        %gather3A_473 = tpu.vector_load_idx %arg13[%add3A_41, %broadcast_in_dim3A_472] : memref<80x128xf32, #tpu.memory_space<vmem>>[vector<16xi32>, vector<16xi32>], vector<16xf32>,
        %broadcast_in_dim3A_474 = arith.constant 6 : i32
        %broadcast_in_dim3A_475 = vector.broadcast %broadcast_in_dim3A_474 : i32 to vector<16xi32>
        %mul3A_476 = arith.mulf %gather3A_473, %exp3A : vector<16xf32>
        tpu.vector_store_idx %arg14[%add3A_41, %broadcast_in_dim3A_475], %mul3A_476 : memref<80x128xf32, #tpu.memory_space<vmem>>[vector<16xi32>, vector<16xi32>], vector<16xf32>,
        %broadcast_in_dim3A_477 = arith.constant 71 : i32
        %broadcast_in_dim3A_478 = vector.broadcast %broadcast_in_dim3A_477 : i32 to vector<16xi32>
        %gather3A_479 = tpu.vector_load_idx %arg13[%add3A_41, %broadcast_in_dim3A_478] : memref<80x128xf32, #tpu.memory_space<vmem>>[vector<16xi32>, vector<16xi32>], vector<16xf32>,
        %broadcast_in_dim3A_480 = arith.constant 7 : i32
        %broadcast_in_dim3A_481 = vector.broadcast %broadcast_in_dim3A_480 : i32 to vector<16xi32>
        %mul3A_482 = arith.mulf %gather3A_479, %exp3A : vector<16xf32>
        tpu.vector_store_idx %arg14[%add3A_41, %broadcast_in_dim3A_481], %mul3A_482 : memref<80x128xf32, #tpu.memory_space<vmem>>[vector<16xi32>, vector<16xi32>], vector<16xf32>,
        %broadcast_in_dim3A_483 = arith.constant 72 : i32
        %broadcast_in_dim3A_484 = vector.broadcast %broadcast_in_dim3A_483 : i32 to vector<16xi32>
        %gather3A_485 = tpu.vector_load_idx %arg13[%add3A_41, %broadcast_in_dim3A_484] : memref<80x128xf32, #tpu.memory_space<vmem>>[vector<16xi32>, vector<16xi32>], vector<16xf32>,
        %broadcast_in_dim3A_486 = arith.constant 8 : i32
        %broadcast_in_dim3A_487 = vector.broadcast %broadcast_in_dim3A_486 : i32 to vector<16xi32>
        %mul3A_488 = arith.mulf %gather3A_485, %exp3A : vector<16xf32>
        tpu.vector_store_idx %arg14[%add3A_41, %broadcast_in_dim3A_487], %mul3A_488 : memref<80x128xf32, #tpu.memory_space<vmem>>[vector<16xi32>, vector<16xi32>], vector<16xf32>,
        %broadcast_in_dim3A_489 = arith.constant 73 : i32
        %broadcast_in_dim3A_490 = vector.broadcast %broadcast_in_dim3A_489 : i32 to vector<16xi32>
        %gather3A_491 = tpu.vector_load_idx %arg13[%add3A_41, %broadcast_in_dim3A_490] : memref<80x128xf32, #tpu.memory_space<vmem>>[vector<16xi32>, vector<16xi32>], vector<16xf32>,
        %broadcast_in_dim3A_492 = arith.constant 9 : i32
        %broadcast_in_dim3A_493 = vector.broadcast %broadcast_in_dim3A_492 : i32 to vector<16xi32>
        %mul3A_494 = arith.mulf %gather3A_491, %exp3A : vector<16xf32>
        tpu.vector_store_idx %arg14[%add3A_41, %broadcast_in_dim3A_493], %mul3A_494 : memref<80x128xf32, #tpu.memory_space<vmem>>[vector<16xi32>, vector<16xi32>], vector<16xf32>,
        %broadcast_in_dim3A_495 = arith.constant 74 : i32
        %broadcast_in_dim3A_496 = vector.broadcast %broadcast_in_dim3A_495 : i32 to vector<16xi32>
        %gather3A_497 = tpu.vector_load_idx %arg13[%add3A_41, %broadcast_in_dim3A_496] : memref<80x128xf32, #tpu.memory_space<vmem>>[vector<16xi32>, vector<16xi32>], vector<16xf32>,
        %broadcast_in_dim3A_498 = arith.constant 10 : i32
        %broadcast_in_dim3A_499 = vector.broadcast %broadcast_in_dim3A_498 : i32 to vector<16xi32>
        %mul3A_500 = arith.mulf %gather3A_497, %exp3A : vector<16xf32>
        tpu.vector_store_idx %arg14[%add3A_41, %broadcast_in_dim3A_499], %mul3A_500 : memref<80x128xf32, #tpu.memory_space<vmem>>[vector<16xi32>, vector<16xi32>], vector<16xf32>,
        %broadcast_in_dim3A_501 = arith.constant 75 : i32
        %broadcast_in_dim3A_502 = vector.broadcast %broadcast_in_dim3A_501 : i32 to vector<16xi32>
        %gather3A_503 = tpu.vector_load_idx %arg13[%add3A_41, %broadcast_in_dim3A_502] : memref<80x128xf32, #tpu.memory_space<vmem>>[vector<16xi32>, vector<16xi32>], vector<16xf32>,
        %broadcast_in_dim3A_504 = arith.constant 11 : i32
        %broadcast_in_dim3A_505 = vector.broadcast %broadcast_in_dim3A_504 : i32 to vector<16xi32>
        %mul3A_506 = arith.mulf %gather3A_503, %exp3A : vector<16xf32>
        tpu.vector_store_idx %arg14[%add3A_41, %broadcast_in_dim3A_505], %mul3A_506 : memref<80x128xf32, #tpu.memory_space<vmem>>[vector<16xi32>, vector<16xi32>], vector<16xf32>,
        %broadcast_in_dim3A_507 = arith.constant 76 : i32
        %broadcast_in_dim3A_508 = vector.broadcast %broadcast_in_dim3A_507 : i32 to vector<16xi32>
        %gather3A_509 = tpu.vector_load_idx %arg13[%add3A_41, %broadcast_in_dim3A_508] : memref<80x128xf32, #tpu.memory_space<vmem>>[vector<16xi32>, vector<16xi32>], vector<16xf32>,
        %broadcast_in_dim3A_510 = arith.constant 12 : i32
        %broadcast_in_dim3A_511 = vector.broadcast %broadcast_in_dim3A_510 : i32 to vector<16xi32>
        %mul3A_512 = arith.mulf %gather3A_509, %exp3A : vector<16xf32>
        tpu.vector_store_idx %arg14[%add3A_41, %broadcast_in_dim3A_511], %mul3A_512 : memref<80x128xf32, #tpu.memory_space<vmem>>[vector<16xi32>, vector<16xi32>], vector<16xf32>,
        %broadcast_in_dim3A_513 = arith.constant 77 : i32
        %broadcast_in_dim3A_514 = vector.broadcast %broadcast_in_dim3A_513 : i32 to vector<16xi32>
        %gather3A_515 = tpu.vector_load_idx %arg13[%add3A_41, %broadcast_in_dim3A_514] : memref<80x128xf32, #tpu.memory_space<vmem>>[vector<16xi32>, vector<16xi32>], vector<16xf32>,
        %broadcast_in_dim3A_516 = arith.constant 13 : i32
        %broadcast_in_dim3A_517 = vector.broadcast %broadcast_in_dim3A_516 : i32 to vector<16xi32>
        %mul3A_518 = arith.mulf %gather3A_515, %exp3A : vector<16xf32>
        tpu.vector_store_idx %arg14[%add3A_41, %broadcast_in_dim3A_517], %mul3A_518 : memref<80x128xf32, #tpu.memory_space<vmem>>[vector<16xi32>, vector<16xi32>], vector<16xf32>,
        %broadcast_in_dim3A_519 = arith.constant 78 : i32
        %broadcast_in_dim3A_520 = vector.broadcast %broadcast_in_dim3A_519 : i32 to vector<16xi32>
        %gather3A_521 = tpu.vector_load_idx %arg13[%add3A_41, %broadcast_in_dim3A_520] : memref<80x128xf32, #tpu.memory_space<vmem>>[vector<16xi32>, vector<16xi32>], vector<16xf32>,
        %broadcast_in_dim3A_522 = arith.constant 14 : i32
        %broadcast_in_dim3A_523 = vector.broadcast %broadcast_in_dim3A_522 : i32 to vector<16xi32>
        %mul3A_524 = arith.mulf %gather3A_521, %exp3A : vector<16xf32>
        tpu.vector_store_idx %arg14[%add3A_41, %broadcast_in_dim3A_523], %mul3A_524 : memref<80x128xf32, #tpu.memory_space<vmem>>[vector<16xi32>, vector<16xi32>], vector<16xf32>,
        %broadcast_in_dim3A_525 = arith.constant 79 : i32
        %broadcast_in_dim3A_526 = vector.broadcast %broadcast_in_dim3A_525 : i32 to vector<16xi32>
        %gather3A_527 = tpu.vector_load_idx %arg13[%add3A_41, %broadcast_in_dim3A_526] : memref<80x128xf32, #tpu.memory_space<vmem>>[vector<16xi32>, vector<16xi32>], vector<16xf32>,
        %broadcast_in_dim3A_528 = arith.constant 15 : i32
        %broadcast_in_dim3A_529 = vector.broadcast %broadcast_in_dim3A_528 : i32 to vector<16xi32>
        %mul3A_530 = arith.mulf %gather3A_527, %exp3A : vector<16xf32>
        tpu.vector_store_idx %arg14[%add3A_41, %broadcast_in_dim3A_529], %mul3A_530 : memref<80x128xf32, #tpu.memory_space<vmem>>[vector<16xi32>, vector<16xi32>], vector<16xf32>,
        %broadcast_in_dim3A_531 = arith.constant 80 : i32
        %broadcast_in_dim3A_532 = vector.broadcast %broadcast_in_dim3A_531 : i32 to vector<16xi32>
        %gather3A_533 = tpu.vector_load_idx %arg13[%add3A_41, %broadcast_in_dim3A_532] : memref<80x128xf32, #tpu.memory_space<vmem>>[vector<16xi32>, vector<16xi32>], vector<16xf32>,
        %broadcast_in_dim3A_534 = arith.constant 16 : i32
        %broadcast_in_dim3A_535 = vector.broadcast %broadcast_in_dim3A_534 : i32 to vector<16xi32>
        %mul3A_536 = arith.mulf %gather3A_533, %exp3A : vector<16xf32>
        tpu.vector_store_idx %arg14[%add3A_41, %broadcast_in_dim3A_535], %mul3A_536 : memref<80x128xf32, #tpu.memory_space<vmem>>[vector<16xi32>, vector<16xi32>], vector<16xf32>,
        %broadcast_in_dim3A_537 = arith.constant 81 : i32
        %broadcast_in_dim3A_538 = vector.broadcast %broadcast_in_dim3A_537 : i32 to vector<16xi32>
        %gather3A_539 = tpu.vector_load_idx %arg13[%add3A_41, %broadcast_in_dim3A_538] : memref<80x128xf32, #tpu.memory_space<vmem>>[vector<16xi32>, vector<16xi32>], vector<16xf32>,
        %broadcast_in_dim3A_540 = arith.constant 17 : i32
        %broadcast_in_dim3A_541 = vector.broadcast %broadcast_in_dim3A_540 : i32 to vector<16xi32>
        %mul3A_542 = arith.mulf %gather3A_539, %exp3A : vector<16xf32>
        tpu.vector_store_idx %arg14[%add3A_41, %broadcast_in_dim3A_541], %mul3A_542 : memref<80x128xf32, #tpu.memory_space<vmem>>[vector<16xi32>, vector<16xi32>], vector<16xf32>,
        %broadcast_in_dim3A_543 = arith.constant 82 : i32
        %broadcast_in_dim3A_544 = vector.broadcast %broadcast_in_dim3A_543 : i32 to vector<16xi32>
        %gather3A_545 = tpu.vector_load_idx %arg13[%add3A_41, %broadcast_in_dim3A_544] : memref<80x128xf32, #tpu.memory_space<vmem>>[vector<16xi32>, vector<16xi32>], vector<16xf32>,
        %broadcast_in_dim3A_546 = arith.constant 18 : i32
        %broadcast_in_dim3A_547 = vector.broadcast %broadcast_in_dim3A_546 : i32 to vector<16xi32>
        %mul3A_548 = arith.mulf %gather3A_545, %exp3A : vector<16xf32>
        tpu.vector_store_idx %arg14[%add3A_41, %broadcast_in_dim3A_547], %mul3A_548 : memref<80x128xf32, #tpu.memory_space<vmem>>[vector<16xi32>, vector<16xi32>], vector<16xf32>,
        %broadcast_in_dim3A_549 = arith.constant 83 : i32
        %broadcast_in_dim3A_550 = vector.broadcast %broadcast_in_dim3A_549 : i32 to vector<16xi32>
        %gather3A_551 = tpu.vector_load_idx %arg13[%add3A_41, %broadcast_in_dim3A_550] : memref<80x128xf32, #tpu.memory_space<vmem>>[vector<16xi32>, vector<16xi32>], vector<16xf32>,
        %broadcast_in_dim3A_552 = arith.constant 19 : i32
        %broadcast_in_dim3A_553 = vector.broadcast %broadcast_in_dim3A_552 : i32 to vector<16xi32>
        %mul3A_554 = arith.mulf %gather3A_551, %exp3A : vector<16xf32>
        tpu.vector_store_idx %arg14[%add3A_41, %broadcast_in_dim3A_553], %mul3A_554 : memref<80x128xf32, #tpu.memory_space<vmem>>[vector<16xi32>, vector<16xi32>], vector<16xf32>,
        %broadcast_in_dim3A_555 = arith.constant 84 : i32
        %broadcast_in_dim3A_556 = vector.broadcast %broadcast_in_dim3A_555 : i32 to vector<16xi32>
        %gather3A_557 = tpu.vector_load_idx %arg13[%add3A_41, %broadcast_in_dim3A_556] : memref<80x128xf32, #tpu.memory_space<vmem>>[vector<16xi32>, vector<16xi32>], vector<16xf32>,
        %broadcast_in_dim3A_558 = arith.constant 20 : i32
        %broadcast_in_dim3A_559 = vector.broadcast %broadcast_in_dim3A_558 : i32 to vector<16xi32>
        %mul3A_560 = arith.mulf %gather3A_557, %exp3A : vector<16xf32>
        tpu.vector_store_idx %arg14[%add3A_41, %broadcast_in_dim3A_559], %mul3A_560 : memref<80x128xf32, #tpu.memory_space<vmem>>[vector<16xi32>, vector<16xi32>], vector<16xf32>,
        %broadcast_in_dim3A_561 = arith.constant 85 : i32
        %broadcast_in_dim3A_562 = vector.broadcast %broadcast_in_dim3A_561 : i32 to vector<16xi32>
        %gather3A_563 = tpu.vector_load_idx %arg13[%add3A_41, %broadcast_in_dim3A_562] : memref<80x128xf32, #tpu.memory_space<vmem>>[vector<16xi32>, vector<16xi32>], vector<16xf32>,
        %broadcast_in_dim3A_564 = arith.constant 21 : i32
        %broadcast_in_dim3A_565 = vector.broadcast %broadcast_in_dim3A_564 : i32 to vector<16xi32>
        %mul3A_566 = arith.mulf %gather3A_563, %exp3A : vector<16xf32>
        tpu.vector_store_idx %arg14[%add3A_41, %broadcast_in_dim3A_565], %mul3A_566 : memref<80x128xf32, #tpu.memory_space<vmem>>[vector<16xi32>, vector<16xi32>], vector<16xf32>,
        %broadcast_in_dim3A_567 = arith.constant 86 : i32
        %broadcast_in_dim3A_568 = vector.broadcast %broadcast_in_dim3A_567 : i32 to vector<16xi32>
        %gather3A_569 = tpu.vector_load_idx %arg13[%add3A_41, %broadcast_in_dim3A_568] : memref<80x128xf32, #tpu.memory_space<vmem>>[vector<16xi32>, vector<16xi32>], vector<16xf32>,
        %broadcast_in_dim3A_570 = arith.constant 22 : i32
        %broadcast_in_dim3A_571 = vector.broadcast %broadcast_in_dim3A_570 : i32 to vector<16xi32>
        %mul3A_572 = arith.mulf %gather3A_569, %exp3A : vector<16xf32>
        tpu.vector_store_idx %arg14[%add3A_41, %broadcast_in_dim3A_571], %mul3A_572 : memref<80x128xf32, #tpu.memory_space<vmem>>[vector<16xi32>, vector<16xi32>], vector<16xf32>,
        %broadcast_in_dim3A_573 = arith.constant 87 : i32
        %broadcast_in_dim3A_574 = vector.broadcast %broadcast_in_dim3A_573 : i32 to vector<16xi32>
        %gather3A_575 = tpu.vector_load_idx %arg13[%add3A_41, %broadcast_in_dim3A_574] : memref<80x128xf32, #tpu.memory_space<vmem>>[vector<16xi32>, vector<16xi32>], vector<16xf32>,
        %broadcast_in_dim3A_576 = arith.constant 23 : i32
        %broadcast_in_dim3A_577 = vector.broadcast %broadcast_in_dim3A_576 : i32 to vector<16xi32>
        %mul3A_578 = arith.mulf %gather3A_575, %exp3A : vector<16xf32>
        tpu.vector_store_idx %arg14[%add3A_41, %broadcast_in_dim3A_577], %mul3A_578 : memref<80x128xf32, #tpu.memory_space<vmem>>[vector<16xi32>, vector<16xi32>], vector<16xf32>,
        %broadcast_in_dim3A_579 = arith.constant 88 : i32
        %broadcast_in_dim3A_580 = vector.broadcast %broadcast_in_dim3A_579 : i32 to vector<16xi32>
        %gather3A_581 = tpu.vector_load_idx %arg13[%add3A_41, %broadcast_in_dim3A_580] : memref<80x128xf32, #tpu.memory_space<vmem>>[vector<16xi32>, vector<16xi32>], vector<16xf32>,
        %broadcast_in_dim3A_582 = arith.constant 24 : i32
        %broadcast_in_dim3A_583 = vector.broadcast %broadcast_in_dim3A_582 : i32 to vector<16xi32>
        %mul3A_584 = arith.mulf %gather3A_581, %exp3A : vector<16xf32>
        tpu.vector_store_idx %arg14[%add3A_41, %broadcast_in_dim3A_583], %mul3A_584 : memref<80x128xf32, #tpu.memory_space<vmem>>[vector<16xi32>, vector<16xi32>], vector<16xf32>,
        %broadcast_in_dim3A_585 = arith.constant 89 : i32
        %broadcast_in_dim3A_586 = vector.broadcast %broadcast_in_dim3A_585 : i32 to vector<16xi32>
        %gather3A_587 = tpu.vector_load_idx %arg13[%add3A_41, %broadcast_in_dim3A_586] : memref<80x128xf32, #tpu.memory_space<vmem>>[vector<16xi32>, vector<16xi32>], vector<16xf32>,
        %broadcast_in_dim3A_588 = arith.constant 25 : i32
        %broadcast_in_dim3A_589 = vector.broadcast %broadcast_in_dim3A_588 : i32 to vector<16xi32>
        %mul3A_590 = arith.mulf %gather3A_587, %exp3A : vector<16xf32>
        tpu.vector_store_idx %arg14[%add3A_41, %broadcast_in_dim3A_589], %mul3A_590 : memref<80x128xf32, #tpu.memory_space<vmem>>[vector<16xi32>, vector<16xi32>], vector<16xf32>,
        %broadcast_in_dim3A_591 = arith.constant 90 : i32
        %broadcast_in_dim3A_592 = vector.broadcast %broadcast_in_dim3A_591 : i32 to vector<16xi32>
        %gather3A_593 = tpu.vector_load_idx %arg13[%add3A_41, %broadcast_in_dim3A_592] : memref<80x128xf32, #tpu.memory_space<vmem>>[vector<16xi32>, vector<16xi32>], vector<16xf32>,
        %broadcast_in_dim3A_594 = arith.constant 26 : i32
        %broadcast_in_dim3A_595 = vector.broadcast %broadcast_in_dim3A_594 : i32 to vector<16xi32>
        %mul3A_596 = arith.mulf %gather3A_593, %exp3A : vector<16xf32>
        tpu.vector_store_idx %arg14[%add3A_41, %broadcast_in_dim3A_595], %mul3A_596 : memref<80x128xf32, #tpu.memory_space<vmem>>[vector<16xi32>, vector<16xi32>], vector<16xf32>,
        %broadcast_in_dim3A_597 = arith.constant 91 : i32
        %broadcast_in_dim3A_598 = vector.broadcast %broadcast_in_dim3A_597 : i32 to vector<16xi32>
        %gather3A_599 = tpu.vector_load_idx %arg13[%add3A_41, %broadcast_in_dim3A_598] : memref<80x128xf32, #tpu.memory_space<vmem>>[vector<16xi32>, vector<16xi32>], vector<16xf32>,
        %broadcast_in_dim3A_600 = arith.constant 27 : i32
        %broadcast_in_dim3A_601 = vector.broadcast %broadcast_in_dim3A_600 : i32 to vector<16xi32>
        %mul3A_602 = arith.mulf %gather3A_599, %exp3A : vector<16xf32>
        tpu.vector_store_idx %arg14[%add3A_41, %broadcast_in_dim3A_601], %mul3A_602 : memref<80x128xf32, #tpu.memory_space<vmem>>[vector<16xi32>, vector<16xi32>], vector<16xf32>,
        %broadcast_in_dim3A_603 = arith.constant 92 : i32
        %broadcast_in_dim3A_604 = vector.broadcast %broadcast_in_dim3A_603 : i32 to vector<16xi32>
        %gather3A_605 = tpu.vector_load_idx %arg13[%add3A_41, %broadcast_in_dim3A_604] : memref<80x128xf32, #tpu.memory_space<vmem>>[vector<16xi32>, vector<16xi32>], vector<16xf32>,
        %broadcast_in_dim3A_606 = arith.constant 28 : i32
        %broadcast_in_dim3A_607 = vector.broadcast %broadcast_in_dim3A_606 : i32 to vector<16xi32>
        %mul3A_608 = arith.mulf %gather3A_605, %exp3A : vector<16xf32>
        tpu.vector_store_idx %arg14[%add3A_41, %broadcast_in_dim3A_607], %mul3A_608 : memref<80x128xf32, #tpu.memory_space<vmem>>[vector<16xi32>, vector<16xi32>], vector<16xf32>,
        %broadcast_in_dim3A_609 = arith.constant 93 : i32
        %broadcast_in_dim3A_610 = vector.broadcast %broadcast_in_dim3A_609 : i32 to vector<16xi32>
        %gather3A_611 = tpu.vector_load_idx %arg13[%add3A_41, %broadcast_in_dim3A_610] : memref<80x128xf32, #tpu.memory_space<vmem>>[vector<16xi32>, vector<16xi32>], vector<16xf32>,
        %broadcast_in_dim3A_612 = arith.constant 29 : i32
        %broadcast_in_dim3A_613 = vector.broadcast %broadcast_in_dim3A_612 : i32 to vector<16xi32>
        %mul3A_614 = arith.mulf %gather3A_611, %exp3A : vector<16xf32>
        tpu.vector_store_idx %arg14[%add3A_41, %broadcast_in_dim3A_613], %mul3A_614 : memref<80x128xf32, #tpu.memory_space<vmem>>[vector<16xi32>, vector<16xi32>], vector<16xf32>,
        %broadcast_in_dim3A_615 = arith.constant 94 : i32
        %broadcast_in_dim3A_616 = vector.broadcast %broadcast_in_dim3A_615 : i32 to vector<16xi32>
        %gather3A_617 = tpu.vector_load_idx %arg13[%add3A_41, %broadcast_in_dim3A_616] : memref<80x128xf32, #tpu.memory_space<vmem>>[vector<16xi32>, vector<16xi32>], vector<16xf32>,
        %broadcast_in_dim3A_618 = arith.constant 30 : i32
        %broadcast_in_dim3A_619 = vector.broadcast %broadcast_in_dim3A_618 : i32 to vector<16xi32>
        %mul3A_620 = arith.mulf %gather3A_617, %exp3A : vector<16xf32>
        tpu.vector_store_idx %arg14[%add3A_41, %broadcast_in_dim3A_619], %mul3A_620 : memref<80x128xf32, #tpu.memory_space<vmem>>[vector<16xi32>, vector<16xi32>], vector<16xf32>,
        %broadcast_in_dim3A_621 = arith.constant 95 : i32
        %broadcast_in_dim3A_622 = vector.broadcast %broadcast_in_dim3A_621 : i32 to vector<16xi32>
        %gather3A_623 = tpu.vector_load_idx %arg13[%add3A_41, %broadcast_in_dim3A_622] : memref<80x128xf32, #tpu.memory_space<vmem>>[vector<16xi32>, vector<16xi32>], vector<16xf32>,
        %broadcast_in_dim3A_624 = arith.constant 31 : i32
        %broadcast_in_dim3A_625 = vector.broadcast %broadcast_in_dim3A_624 : i32 to vector<16xi32>
        %mul3A_626 = arith.mulf %gather3A_623, %exp3A : vector<16xf32>
        tpu.vector_store_idx %arg14[%add3A_41, %broadcast_in_dim3A_625], %mul3A_626 : memref<80x128xf32, #tpu.memory_space<vmem>>[vector<16xi32>, vector<16xi32>], vector<16xf32>,
        %broadcast_in_dim3A_627 = arith.constant 96 : i32
        %broadcast_in_dim3A_628 = vector.broadcast %broadcast_in_dim3A_627 : i32 to vector<16xi32>
        %gather3A_629 = tpu.vector_load_idx %arg13[%add3A_41, %broadcast_in_dim3A_628] : memref<80x128xf32, #tpu.memory_space<vmem>>[vector<16xi32>, vector<16xi32>], vector<16xf32>,
        %broadcast_in_dim3A_630 = arith.constant 32 : i32
        %broadcast_in_dim3A_631 = vector.broadcast %broadcast_in_dim3A_630 : i32 to vector<16xi32>
        %mul3A_632 = arith.mulf %gather3A_629, %exp3A : vector<16xf32>
        tpu.vector_store_idx %arg14[%add3A_41, %broadcast_in_dim3A_631], %mul3A_632 : memref<80x128xf32, #tpu.memory_space<vmem>>[vector<16xi32>, vector<16xi32>], vector<16xf32>,
        %broadcast_in_dim3A_633 = arith.constant 97 : i32
        %broadcast_in_dim3A_634 = vector.broadcast %broadcast_in_dim3A_633 : i32 to vector<16xi32>
        %gather3A_635 = tpu.vector_load_idx %arg13[%add3A_41, %broadcast_in_dim3A_634] : memref<80x128xf32, #tpu.memory_space<vmem>>[vector<16xi32>, vector<16xi32>], vector<16xf32>,
        %broadcast_in_dim3A_636 = arith.constant 33 : i32
        %broadcast_in_dim3A_637 = vector.broadcast %broadcast_in_dim3A_636 : i32 to vector<16xi32>
        %mul3A_638 = arith.mulf %gather3A_635, %exp3A : vector<16xf32>
        tpu.vector_store_idx %arg14[%add3A_41, %broadcast_in_dim3A_637], %mul3A_638 : memref<80x128xf32, #tpu.memory_space<vmem>>[vector<16xi32>, vector<16xi32>], vector<16xf32>,
        %broadcast_in_dim3A_639 = arith.constant 98 : i32
        %broadcast_in_dim3A_640 = vector.broadcast %broadcast_in_dim3A_639 : i32 to vector<16xi32>
        %gather3A_641 = tpu.vector_load_idx %arg13[%add3A_41, %broadcast_in_dim3A_640] : memref<80x128xf32, #tpu.memory_space<vmem>>[vector<16xi32>, vector<16xi32>], vector<16xf32>,
        %broadcast_in_dim3A_642 = arith.constant 34 : i32
        %broadcast_in_dim3A_643 = vector.broadcast %broadcast_in_dim3A_642 : i32 to vector<16xi32>
        %mul3A_644 = arith.mulf %gather3A_641, %exp3A : vector<16xf32>
        tpu.vector_store_idx %arg14[%add3A_41, %broadcast_in_dim3A_643], %mul3A_644 : memref<80x128xf32, #tpu.memory_space<vmem>>[vector<16xi32>, vector<16xi32>], vector<16xf32>,
        %broadcast_in_dim3A_645 = arith.constant 99 : i32
        %broadcast_in_dim3A_646 = vector.broadcast %broadcast_in_dim3A_645 : i32 to vector<16xi32>
        %gather3A_647 = tpu.vector_load_idx %arg13[%add3A_41, %broadcast_in_dim3A_646] : memref<80x128xf32, #tpu.memory_space<vmem>>[vector<16xi32>, vector<16xi32>], vector<16xf32>,
        %broadcast_in_dim3A_648 = arith.constant 35 : i32
        %broadcast_in_dim3A_649 = vector.broadcast %broadcast_in_dim3A_648 : i32 to vector<16xi32>
        %mul3A_650 = arith.mulf %gather3A_647, %exp3A : vector<16xf32>
        tpu.vector_store_idx %arg14[%add3A_41, %broadcast_in_dim3A_649], %mul3A_650 : memref<80x128xf32, #tpu.memory_space<vmem>>[vector<16xi32>, vector<16xi32>], vector<16xf32>,
        %broadcast_in_dim3A_651 = arith.constant 100 : i32
        %broadcast_in_dim3A_652 = vector.broadcast %broadcast_in_dim3A_651 : i32 to vector<16xi32>
        %gather3A_653 = tpu.vector_load_idx %arg13[%add3A_41, %broadcast_in_dim3A_652] : memref<80x128xf32, #tpu.memory_space<vmem>>[vector<16xi32>, vector<16xi32>], vector<16xf32>,
        %broadcast_in_dim3A_654 = arith.constant 36 : i32
        %broadcast_in_dim3A_655 = vector.broadcast %broadcast_in_dim3A_654 : i32 to vector<16xi32>
        %mul3A_656 = arith.mulf %gather3A_653, %exp3A : vector<16xf32>
        tpu.vector_store_idx %arg14[%add3A_41, %broadcast_in_dim3A_655], %mul3A_656 : memref<80x128xf32, #tpu.memory_space<vmem>>[vector<16xi32>, vector<16xi32>], vector<16xf32>,
        %broadcast_in_dim3A_657 = arith.constant 101 : i32
        %broadcast_in_dim3A_658 = vector.broadcast %broadcast_in_dim3A_657 : i32 to vector<16xi32>
        %gather3A_659 = tpu.vector_load_idx %arg13[%add3A_41, %broadcast_in_dim3A_658] : memref<80x128xf32, #tpu.memory_space<vmem>>[vector<16xi32>, vector<16xi32>], vector<16xf32>,
        %broadcast_in_dim3A_660 = arith.constant 37 : i32
        %broadcast_in_dim3A_661 = vector.broadcast %broadcast_in_dim3A_660 : i32 to vector<16xi32>
        %mul3A_662 = arith.mulf %gather3A_659, %exp3A : vector<16xf32>
        tpu.vector_store_idx %arg14[%add3A_41, %broadcast_in_dim3A_661], %mul3A_662 : memref<80x128xf32, #tpu.memory_space<vmem>>[vector<16xi32>, vector<16xi32>], vector<16xf32>,
        %broadcast_in_dim3A_663 = arith.constant 102 : i32
        %broadcast_in_dim3A_664 = vector.broadcast %broadcast_in_dim3A_663 : i32 to vector<16xi32>
        %gather3A_665 = tpu.vector_load_idx %arg13[%add3A_41, %broadcast_in_dim3A_664] : memref<80x128xf32, #tpu.memory_space<vmem>>[vector<16xi32>, vector<16xi32>], vector<16xf32>,
        %broadcast_in_dim3A_666 = arith.constant 38 : i32
        %broadcast_in_dim3A_667 = vector.broadcast %broadcast_in_dim3A_666 : i32 to vector<16xi32>
        %mul3A_668 = arith.mulf %gather3A_665, %exp3A : vector<16xf32>
        tpu.vector_store_idx %arg14[%add3A_41, %broadcast_in_dim3A_667], %mul3A_668 : memref<80x128xf32, #tpu.memory_space<vmem>>[vector<16xi32>, vector<16xi32>], vector<16xf32>,
        %broadcast_in_dim3A_669 = arith.constant 103 : i32
        %broadcast_in_dim3A_670 = vector.broadcast %broadcast_in_dim3A_669 : i32 to vector<16xi32>
        %gather3A_671 = tpu.vector_load_idx %arg13[%add3A_41, %broadcast_in_dim3A_670] : memref<80x128xf32, #tpu.memory_space<vmem>>[vector<16xi32>, vector<16xi32>], vector<16xf32>,
        %broadcast_in_dim3A_672 = arith.constant 39 : i32
        %broadcast_in_dim3A_673 = vector.broadcast %broadcast_in_dim3A_672 : i32 to vector<16xi32>
        %mul3A_674 = arith.mulf %gather3A_671, %exp3A : vector<16xf32>
        tpu.vector_store_idx %arg14[%add3A_41, %broadcast_in_dim3A_673], %mul3A_674 : memref<80x128xf32, #tpu.memory_space<vmem>>[vector<16xi32>, vector<16xi32>], vector<16xf32>,
        %broadcast_in_dim3A_675 = arith.constant 104 : i32
        %broadcast_in_dim3A_676 = vector.broadcast %broadcast_in_dim3A_675 : i32 to vector<16xi32>
        %gather3A_677 = tpu.vector_load_idx %arg13[%add3A_41, %broadcast_in_dim3A_676] : memref<80x128xf32, #tpu.memory_space<vmem>>[vector<16xi32>, vector<16xi32>], vector<16xf32>,
        %broadcast_in_dim3A_678 = arith.constant 40 : i32
        %broadcast_in_dim3A_679 = vector.broadcast %broadcast_in_dim3A_678 : i32 to vector<16xi32>
        %mul3A_680 = arith.mulf %gather3A_677, %exp3A : vector<16xf32>
        tpu.vector_store_idx %arg14[%add3A_41, %broadcast_in_dim3A_679], %mul3A_680 : memref<80x128xf32, #tpu.memory_space<vmem>>[vector<16xi32>, vector<16xi32>], vector<16xf32>,
        %broadcast_in_dim3A_681 = arith.constant 105 : i32
        %broadcast_in_dim3A_682 = vector.broadcast %broadcast_in_dim3A_681 : i32 to vector<16xi32>
        %gather3A_683 = tpu.vector_load_idx %arg13[%add3A_41, %broadcast_in_dim3A_682] : memref<80x128xf32, #tpu.memory_space<vmem>>[vector<16xi32>, vector<16xi32>], vector<16xf32>,
        %broadcast_in_dim3A_684 = arith.constant 41 : i32
        %broadcast_in_dim3A_685 = vector.broadcast %broadcast_in_dim3A_684 : i32 to vector<16xi32>
        %mul3A_686 = arith.mulf %gather3A_683, %exp3A : vector<16xf32>
        tpu.vector_store_idx %arg14[%add3A_41, %broadcast_in_dim3A_685], %mul3A_686 : memref<80x128xf32, #tpu.memory_space<vmem>>[vector<16xi32>, vector<16xi32>], vector<16xf32>,
        %broadcast_in_dim3A_687 = arith.constant 106 : i32
        %broadcast_in_dim3A_688 = vector.broadcast %broadcast_in_dim3A_687 : i32 to vector<16xi32>
        %gather3A_689 = tpu.vector_load_idx %arg13[%add3A_41, %broadcast_in_dim3A_688] : memref<80x128xf32, #tpu.memory_space<vmem>>[vector<16xi32>, vector<16xi32>], vector<16xf32>,
        %broadcast_in_dim3A_690 = arith.constant 42 : i32
        %broadcast_in_dim3A_691 = vector.broadcast %broadcast_in_dim3A_690 : i32 to vector<16xi32>
        %mul3A_692 = arith.mulf %gather3A_689, %exp3A : vector<16xf32>
        tpu.vector_store_idx %arg14[%add3A_41, %broadcast_in_dim3A_691], %mul3A_692 : memref<80x128xf32, #tpu.memory_space<vmem>>[vector<16xi32>, vector<16xi32>], vector<16xf32>,
        %broadcast_in_dim3A_693 = arith.constant 107 : i32
        %broadcast_in_dim3A_694 = vector.broadcast %broadcast_in_dim3A_693 : i32 to vector<16xi32>
        %gather3A_695 = tpu.vector_load_idx %arg13[%add3A_41, %broadcast_in_dim3A_694] : memref<80x128xf32, #tpu.memory_space<vmem>>[vector<16xi32>, vector<16xi32>], vector<16xf32>,
        %broadcast_in_dim3A_696 = arith.constant 43 : i32
        %broadcast_in_dim3A_697 = vector.broadcast %broadcast_in_dim3A_696 : i32 to vector<16xi32>
        %mul3A_698 = arith.mulf %gather3A_695, %exp3A : vector<16xf32>
        tpu.vector_store_idx %arg14[%add3A_41, %broadcast_in_dim3A_697], %mul3A_698 : memref<80x128xf32, #tpu.memory_space<vmem>>[vector<16xi32>, vector<16xi32>], vector<16xf32>,
        %broadcast_in_dim3A_699 = arith.constant 108 : i32
        %broadcast_in_dim3A_700 = vector.broadcast %broadcast_in_dim3A_699 : i32 to vector<16xi32>
        %gather3A_701 = tpu.vector_load_idx %arg13[%add3A_41, %broadcast_in_dim3A_700] : memref<80x128xf32, #tpu.memory_space<vmem>>[vector<16xi32>, vector<16xi32>], vector<16xf32>,
        %broadcast_in_dim3A_702 = arith.constant 44 : i32
        %broadcast_in_dim3A_703 = vector.broadcast %broadcast_in_dim3A_702 : i32 to vector<16xi32>
        %mul3A_704 = arith.mulf %gather3A_701, %exp3A : vector<16xf32>
        tpu.vector_store_idx %arg14[%add3A_41, %broadcast_in_dim3A_703], %mul3A_704 : memref<80x128xf32, #tpu.memory_space<vmem>>[vector<16xi32>, vector<16xi32>], vector<16xf32>,
        %broadcast_in_dim3A_705 = arith.constant 109 : i32
        %broadcast_in_dim3A_706 = vector.broadcast %broadcast_in_dim3A_705 : i32 to vector<16xi32>
        %gather3A_707 = tpu.vector_load_idx %arg13[%add3A_41, %broadcast_in_dim3A_706] : memref<80x128xf32, #tpu.memory_space<vmem>>[vector<16xi32>, vector<16xi32>], vector<16xf32>,
        %broadcast_in_dim3A_708 = arith.constant 45 : i32
        %broadcast_in_dim3A_709 = vector.broadcast %broadcast_in_dim3A_708 : i32 to vector<16xi32>
        %mul3A_710 = arith.mulf %gather3A_707, %exp3A : vector<16xf32>
        tpu.vector_store_idx %arg14[%add3A_41, %broadcast_in_dim3A_709], %mul3A_710 : memref<80x128xf32, #tpu.memory_space<vmem>>[vector<16xi32>, vector<16xi32>], vector<16xf32>,
        %broadcast_in_dim3A_711 = arith.constant 110 : i32
        %broadcast_in_dim3A_712 = vector.broadcast %broadcast_in_dim3A_711 : i32 to vector<16xi32>
        %gather3A_713 = tpu.vector_load_idx %arg13[%add3A_41, %broadcast_in_dim3A_712] : memref<80x128xf32, #tpu.memory_space<vmem>>[vector<16xi32>, vector<16xi32>], vector<16xf32>,
        %broadcast_in_dim3A_714 = arith.constant 46 : i32
        %broadcast_in_dim3A_715 = vector.broadcast %broadcast_in_dim3A_714 : i32 to vector<16xi32>
        %mul3A_716 = arith.mulf %gather3A_713, %exp3A : vector<16xf32>
        tpu.vector_store_idx %arg14[%add3A_41, %broadcast_in_dim3A_715], %mul3A_716 : memref<80x128xf32, #tpu.memory_space<vmem>>[vector<16xi32>, vector<16xi32>], vector<16xf32>,
        %broadcast_in_dim3A_717 = arith.constant 111 : i32
        %broadcast_in_dim3A_718 = vector.broadcast %broadcast_in_dim3A_717 : i32 to vector<16xi32>
        %gather3A_719 = tpu.vector_load_idx %arg13[%add3A_41, %broadcast_in_dim3A_718] : memref<80x128xf32, #tpu.memory_space<vmem>>[vector<16xi32>, vector<16xi32>], vector<16xf32>,
        %broadcast_in_dim3A_720 = arith.constant 47 : i32
        %broadcast_in_dim3A_721 = vector.broadcast %broadcast_in_dim3A_720 : i32 to vector<16xi32>
        %mul3A_722 = arith.mulf %gather3A_719, %exp3A : vector<16xf32>
        tpu.vector_store_idx %arg14[%add3A_41, %broadcast_in_dim3A_721], %mul3A_722 : memref<80x128xf32, #tpu.memory_space<vmem>>[vector<16xi32>, vector<16xi32>], vector<16xf32>,
        %broadcast_in_dim3A_723 = arith.constant 112 : i32
        %broadcast_in_dim3A_724 = vector.broadcast %broadcast_in_dim3A_723 : i32 to vector<16xi32>
        %gather3A_725 = tpu.vector_load_idx %arg13[%add3A_41, %broadcast_in_dim3A_724] : memref<80x128xf32, #tpu.memory_space<vmem>>[vector<16xi32>, vector<16xi32>], vector<16xf32>,
        %broadcast_in_dim3A_726 = arith.constant 48 : i32
        %broadcast_in_dim3A_727 = vector.broadcast %broadcast_in_dim3A_726 : i32 to vector<16xi32>
        %mul3A_728 = arith.mulf %gather3A_725, %exp3A : vector<16xf32>
        tpu.vector_store_idx %arg14[%add3A_41, %broadcast_in_dim3A_727], %mul3A_728 : memref<80x128xf32, #tpu.memory_space<vmem>>[vector<16xi32>, vector<16xi32>], vector<16xf32>,
        %broadcast_in_dim3A_729 = arith.constant 113 : i32
        %broadcast_in_dim3A_730 = vector.broadcast %broadcast_in_dim3A_729 : i32 to vector<16xi32>
        %gather3A_731 = tpu.vector_load_idx %arg13[%add3A_41, %broadcast_in_dim3A_730] : memref<80x128xf32, #tpu.memory_space<vmem>>[vector<16xi32>, vector<16xi32>], vector<16xf32>,
        %broadcast_in_dim3A_732 = arith.constant 49 : i32
        %broadcast_in_dim3A_733 = vector.broadcast %broadcast_in_dim3A_732 : i32 to vector<16xi32>
        %mul3A_734 = arith.mulf %gather3A_731, %exp3A : vector<16xf32>
        tpu.vector_store_idx %arg14[%add3A_41, %broadcast_in_dim3A_733], %mul3A_734 : memref<80x128xf32, #tpu.memory_space<vmem>>[vector<16xi32>, vector<16xi32>], vector<16xf32>,
        %broadcast_in_dim3A_735 = arith.constant 114 : i32
        %broadcast_in_dim3A_736 = vector.broadcast %broadcast_in_dim3A_735 : i32 to vector<16xi32>
        %gather3A_737 = tpu.vector_load_idx %arg13[%add3A_41, %broadcast_in_dim3A_736] : memref<80x128xf32, #tpu.memory_space<vmem>>[vector<16xi32>, vector<16xi32>], vector<16xf32>,
        %broadcast_in_dim3A_738 = arith.constant 50 : i32
        %broadcast_in_dim3A_739 = vector.broadcast %broadcast_in_dim3A_738 : i32 to vector<16xi32>
        %mul3A_740 = arith.mulf %gather3A_737, %exp3A : vector<16xf32>
        tpu.vector_store_idx %arg14[%add3A_41, %broadcast_in_dim3A_739], %mul3A_740 : memref<80x128xf32, #tpu.memory_space<vmem>>[vector<16xi32>, vector<16xi32>], vector<16xf32>,
        %broadcast_in_dim3A_741 = arith.constant 115 : i32
        %broadcast_in_dim3A_742 = vector.broadcast %broadcast_in_dim3A_741 : i32 to vector<16xi32>
        %gather3A_743 = tpu.vector_load_idx %arg13[%add3A_41, %broadcast_in_dim3A_742] : memref<80x128xf32, #tpu.memory_space<vmem>>[vector<16xi32>, vector<16xi32>], vector<16xf32>,
        %broadcast_in_dim3A_744 = arith.constant 51 : i32
        %broadcast_in_dim3A_745 = vector.broadcast %broadcast_in_dim3A_744 : i32 to vector<16xi32>
        %mul3A_746 = arith.mulf %gather3A_743, %exp3A : vector<16xf32>
        tpu.vector_store_idx %arg14[%add3A_41, %broadcast_in_dim3A_745], %mul3A_746 : memref<80x128xf32, #tpu.memory_space<vmem>>[vector<16xi32>, vector<16xi32>], vector<16xf32>,
        %broadcast_in_dim3A_747 = arith.constant 116 : i32
        %broadcast_in_dim3A_748 = vector.broadcast %broadcast_in_dim3A_747 : i32 to vector<16xi32>
        %gather3A_749 = tpu.vector_load_idx %arg13[%add3A_41, %broadcast_in_dim3A_748] : memref<80x128xf32, #tpu.memory_space<vmem>>[vector<16xi32>, vector<16xi32>], vector<16xf32>,
        %broadcast_in_dim3A_750 = arith.constant 52 : i32
        %broadcast_in_dim3A_751 = vector.broadcast %broadcast_in_dim3A_750 : i32 to vector<16xi32>
        %mul3A_752 = arith.mulf %gather3A_749, %exp3A : vector<16xf32>
        tpu.vector_store_idx %arg14[%add3A_41, %broadcast_in_dim3A_751], %mul3A_752 : memref<80x128xf32, #tpu.memory_space<vmem>>[vector<16xi32>, vector<16xi32>], vector<16xf32>,
        %broadcast_in_dim3A_753 = arith.constant 117 : i32
        %broadcast_in_dim3A_754 = vector.broadcast %broadcast_in_dim3A_753 : i32 to vector<16xi32>
        %gather3A_755 = tpu.vector_load_idx %arg13[%add3A_41, %broadcast_in_dim3A_754] : memref<80x128xf32, #tpu.memory_space<vmem>>[vector<16xi32>, vector<16xi32>], vector<16xf32>,
        %broadcast_in_dim3A_756 = arith.constant 53 : i32
        %broadcast_in_dim3A_757 = vector.broadcast %broadcast_in_dim3A_756 : i32 to vector<16xi32>
        %mul3A_758 = arith.mulf %gather3A_755, %exp3A : vector<16xf32>
        tpu.vector_store_idx %arg14[%add3A_41, %broadcast_in_dim3A_757], %mul3A_758 : memref<80x128xf32, #tpu.memory_space<vmem>>[vector<16xi32>, vector<16xi32>], vector<16xf32>,
        %broadcast_in_dim3A_759 = arith.constant 118 : i32
        %broadcast_in_dim3A_760 = vector.broadcast %broadcast_in_dim3A_759 : i32 to vector<16xi32>
        %gather3A_761 = tpu.vector_load_idx %arg13[%add3A_41, %broadcast_in_dim3A_760] : memref<80x128xf32, #tpu.memory_space<vmem>>[vector<16xi32>, vector<16xi32>], vector<16xf32>,
        %broadcast_in_dim3A_762 = arith.constant 54 : i32
        %broadcast_in_dim3A_763 = vector.broadcast %broadcast_in_dim3A_762 : i32 to vector<16xi32>
        %mul3A_764 = arith.mulf %gather3A_761, %exp3A : vector<16xf32>
        tpu.vector_store_idx %arg14[%add3A_41, %broadcast_in_dim3A_763], %mul3A_764 : memref<80x128xf32, #tpu.memory_space<vmem>>[vector<16xi32>, vector<16xi32>], vector<16xf32>,
        %broadcast_in_dim3A_765 = arith.constant 119 : i32
        %broadcast_in_dim3A_766 = vector.broadcast %broadcast_in_dim3A_765 : i32 to vector<16xi32>
        %gather3A_767 = tpu.vector_load_idx %arg13[%add3A_41, %broadcast_in_dim3A_766] : memref<80x128xf32, #tpu.memory_space<vmem>>[vector<16xi32>, vector<16xi32>], vector<16xf32>,
        %broadcast_in_dim3A_768 = arith.constant 55 : i32
        %broadcast_in_dim3A_769 = vector.broadcast %broadcast_in_dim3A_768 : i32 to vector<16xi32>
        %mul3A_770 = arith.mulf %gather3A_767, %exp3A : vector<16xf32>
        tpu.vector_store_idx %arg14[%add3A_41, %broadcast_in_dim3A_769], %mul3A_770 : memref<80x128xf32, #tpu.memory_space<vmem>>[vector<16xi32>, vector<16xi32>], vector<16xf32>,
        %broadcast_in_dim3A_771 = arith.constant 120 : i32
        %broadcast_in_dim3A_772 = vector.broadcast %broadcast_in_dim3A_771 : i32 to vector<16xi32>
        %gather3A_773 = tpu.vector_load_idx %arg13[%add3A_41, %broadcast_in_dim3A_772] : memref<80x128xf32, #tpu.memory_space<vmem>>[vector<16xi32>, vector<16xi32>], vector<16xf32>,
        %broadcast_in_dim3A_774 = arith.constant 56 : i32
        %broadcast_in_dim3A_775 = vector.broadcast %broadcast_in_dim3A_774 : i32 to vector<16xi32>
        %mul3A_776 = arith.mulf %gather3A_773, %exp3A : vector<16xf32>
        tpu.vector_store_idx %arg14[%add3A_41, %broadcast_in_dim3A_775], %mul3A_776 : memref<80x128xf32, #tpu.memory_space<vmem>>[vector<16xi32>, vector<16xi32>], vector<16xf32>,
        %broadcast_in_dim3A_777 = arith.constant 121 : i32
        %broadcast_in_dim3A_778 = vector.broadcast %broadcast_in_dim3A_777 : i32 to vector<16xi32>
        %gather3A_779 = tpu.vector_load_idx %arg13[%add3A_41, %broadcast_in_dim3A_778] : memref<80x128xf32, #tpu.memory_space<vmem>>[vector<16xi32>, vector<16xi32>], vector<16xf32>,
        %broadcast_in_dim3A_780 = arith.constant 57 : i32
        %broadcast_in_dim3A_781 = vector.broadcast %broadcast_in_dim3A_780 : i32 to vector<16xi32>
        %mul3A_782 = arith.mulf %gather3A_779, %exp3A : vector<16xf32>
        tpu.vector_store_idx %arg14[%add3A_41, %broadcast_in_dim3A_781], %mul3A_782 : memref<80x128xf32, #tpu.memory_space<vmem>>[vector<16xi32>, vector<16xi32>], vector<16xf32>,
        %broadcast_in_dim3A_783 = arith.constant 122 : i32
        %broadcast_in_dim3A_784 = vector.broadcast %broadcast_in_dim3A_783 : i32 to vector<16xi32>
        %gather3A_785 = tpu.vector_load_idx %arg13[%add3A_41, %broadcast_in_dim3A_784] : memref<80x128xf32, #tpu.memory_space<vmem>>[vector<16xi32>, vector<16xi32>], vector<16xf32>,
        %broadcast_in_dim3A_786 = arith.constant 58 : i32
        %broadcast_in_dim3A_787 = vector.broadcast %broadcast_in_dim3A_786 : i32 to vector<16xi32>
        %mul3A_788 = arith.mulf %gather3A_785, %exp3A : vector<16xf32>
        tpu.vector_store_idx %arg14[%add3A_41, %broadcast_in_dim3A_787], %mul3A_788 : memref<80x128xf32, #tpu.memory_space<vmem>>[vector<16xi32>, vector<16xi32>], vector<16xf32>,
        %broadcast_in_dim3A_789 = arith.constant 123 : i32
        %broadcast_in_dim3A_790 = vector.broadcast %broadcast_in_dim3A_789 : i32 to vector<16xi32>
        %gather3A_791 = tpu.vector_load_idx %arg13[%add3A_41, %broadcast_in_dim3A_790] : memref<80x128xf32, #tpu.memory_space<vmem>>[vector<16xi32>, vector<16xi32>], vector<16xf32>,
        %broadcast_in_dim3A_792 = arith.constant 59 : i32
        %broadcast_in_dim3A_793 = vector.broadcast %broadcast_in_dim3A_792 : i32 to vector<16xi32>
        %mul3A_794 = arith.mulf %gather3A_791, %exp3A : vector<16xf32>
        tpu.vector_store_idx %arg14[%add3A_41, %broadcast_in_dim3A_793], %mul3A_794 : memref<80x128xf32, #tpu.memory_space<vmem>>[vector<16xi32>, vector<16xi32>], vector<16xf32>,
        %broadcast_in_dim3A_795 = arith.constant 124 : i32
        %broadcast_in_dim3A_796 = vector.broadcast %broadcast_in_dim3A_795 : i32 to vector<16xi32>
        %gather3A_797 = tpu.vector_load_idx %arg13[%add3A_41, %broadcast_in_dim3A_796] : memref<80x128xf32, #tpu.memory_space<vmem>>[vector<16xi32>, vector<16xi32>], vector<16xf32>,
        %broadcast_in_dim3A_798 = arith.constant 60 : i32
        %broadcast_in_dim3A_799 = vector.broadcast %broadcast_in_dim3A_798 : i32 to vector<16xi32>
        %mul3A_800 = arith.mulf %gather3A_797, %exp3A : vector<16xf32>
        tpu.vector_store_idx %arg14[%add3A_41, %broadcast_in_dim3A_799], %mul3A_800 : memref<80x128xf32, #tpu.memory_space<vmem>>[vector<16xi32>, vector<16xi32>], vector<16xf32>,
        %broadcast_in_dim3A_801 = arith.constant 125 : i32
        %broadcast_in_dim3A_802 = vector.broadcast %broadcast_in_dim3A_801 : i32 to vector<16xi32>
        %gather3A_803 = tpu.vector_load_idx %arg13[%add3A_41, %broadcast_in_dim3A_802] : memref<80x128xf32, #tpu.memory_space<vmem>>[vector<16xi32>, vector<16xi32>], vector<16xf32>,
        %broadcast_in_dim3A_804 = arith.constant 61 : i32
        %broadcast_in_dim3A_805 = vector.broadcast %broadcast_in_dim3A_804 : i32 to vector<16xi32>
        %mul3A_806 = arith.mulf %gather3A_803, %exp3A : vector<16xf32>
        tpu.vector_store_idx %arg14[%add3A_41, %broadcast_in_dim3A_805], %mul3A_806 : memref<80x128xf32, #tpu.memory_space<vmem>>[vector<16xi32>, vector<16xi32>], vector<16xf32>,
        %broadcast_in_dim3A_807 = arith.constant 126 : i32
        %broadcast_in_dim3A_808 = vector.broadcast %broadcast_in_dim3A_807 : i32 to vector<16xi32>
        %gather3A_809 = tpu.vector_load_idx %arg13[%add3A_41, %broadcast_in_dim3A_808] : memref<80x128xf32, #tpu.memory_space<vmem>>[vector<16xi32>, vector<16xi32>], vector<16xf32>,
        %broadcast_in_dim3A_810 = arith.constant 62 : i32
        %broadcast_in_dim3A_811 = vector.broadcast %broadcast_in_dim3A_810 : i32 to vector<16xi32>
        %mul3A_812 = arith.mulf %gather3A_809, %exp3A : vector<16xf32>
        tpu.vector_store_idx %arg14[%add3A_41, %broadcast_in_dim3A_811], %mul3A_812 : memref<80x128xf32, #tpu.memory_space<vmem>>[vector<16xi32>, vector<16xi32>], vector<16xf32>,
        %broadcast_in_dim3A_813 = arith.constant 127 : i32
        %broadcast_in_dim3A_814 = vector.broadcast %broadcast_in_dim3A_813 : i32 to vector<16xi32>
        %gather3A_815 = tpu.vector_load_idx %arg13[%add3A_41, %broadcast_in_dim3A_814] : memref<80x128xf32, #tpu.memory_space<vmem>>[vector<16xi32>, vector<16xi32>], vector<16xf32>,
        %broadcast_in_dim3A_816 = arith.constant 63 : i32
        %broadcast_in_dim3A_817 = vector.broadcast %broadcast_in_dim3A_816 : i32 to vector<16xi32>
        %mul3A_818 = arith.mulf %gather3A_815, %exp3A : vector<16xf32>
        tpu.vector_store_idx %arg14[%add3A_41, %broadcast_in_dim3A_817], %mul3A_818 : memref<80x128xf32, #tpu.memory_space<vmem>>[vector<16xi32>, vector<16xi32>], vector<16xf32>,
        %broadcast_in_dim3A_819 = arith.constant 64 : i32
        %broadcast_in_dim3A_820 = vector.broadcast %broadcast_in_dim3A_819 : i32 to vector<16xi32>
        tpu.vector_store_idx %arg14[%add3A_41, %broadcast_in_dim3A_820], %exp3A : memref<80x128xf32, #tpu.memory_space<vmem>>[vector<16xi32>, vector<16xi32>], vector<16xf32>,
        %broadcast_in_dim3A_821 = arith.constant 65 : i32
        %broadcast_in_dim3A_822 = vector.broadcast %broadcast_in_dim3A_821 : i32 to vector<16xi32>
        %mul3A_823 = arith.mulf %exp3A, %get3A_44 : vector<16xf32>
        tpu.vector_store_idx %arg14[%add3A_41, %broadcast_in_dim3A_822], %mul3A_823 : memref<80x128xf32, #tpu.memory_space<vmem>>[vector<16xi32>, vector<16xi32>], vector<16xf32>,
      }
      %scan3A_36 = arith.constant 5 : i32
      "tpu.region"() ({
        %run_scoped3A = tpu.sem_alloc : memref<!tpu.dma_semaphore, #tpu.memory_space<semaphore_mem>>
        %dma_start3A_37 = arith.constant 0 : i32
        %dma_start3A_38 = arith.constant 0 : i32
        %dma_start3A_39 = tpu.memref_slice %arg15[%dma_start3A_37, %dma_start3A_38] : memref<10240x128xf32, #tpu.memory_space<vmem_shared>> -> memref<10240x128xf32, #tpu.memory_space<vmem_shared>>
        tpu.enqueue_indirect_dma source(%arg14 : memref<80x128xf32, #tpu.memory_space<vmem>>) target(%dma_start3A_39 : memref<10240x128xf32, #tpu.memory_space<vmem_shared>>) offsets(%arg10 : memref<80xi32, #tpu.memory_space<vmem>>) semaphore(%run_scoped3A : memref<!tpu.dma_semaphore, #tpu.memory_space<semaphore_mem>>) {add = true}
        %dma_wait3A_40 = arith.constant 0 : i32
        %dma_wait3A_41 = arith.constant 0 : i32
        %dma_wait3A_42 = tpu.memref_slice %arg15[%dma_wait3A_40, %dma_wait3A_41] : memref<10240x128xf32, #tpu.memory_space<vmem_shared>> -> memref<10240x128xf32, #tpu.memory_space<vmem_shared>>
        tpu.wait_indirect_dma semaphore(%run_scoped3A : memref<!tpu.dma_semaphore, #tpu.memory_space<semaphore_mem>>) src(%arg14 : memref<80x128xf32, #tpu.memory_space<vmem>>) dst(%dma_wait3A_42 : memref<10240x128xf32, #tpu.memory_space<vmem_shared>>)
        tpu.yield
      }) : () -> ()
    }
    %scan3A_9 = arith.constant 125 : i32
    %barrier3A_10 = arith.constant 0 : index
    tpu.barrier barrier_id(%barrier3A_10)
    %mul3A_11 = arith.constant 640 : i32
    %mul3A_12 = arith.muli %arg1, %mul3A_11 : i32
    %mul3A_13 = arith.constant 640 : i32
    %mul3A_14 = arith.muli %arg1, %mul3A_13 : i32
    "tpu.region"() ({
      %run_scoped3A = tpu.sem_alloc : memref<!tpu.dma_semaphore, #tpu.memory_space<semaphore_mem>>
      %dma_start3A = arith.constant 0 : i32
      %dma_start3A_15 = tpu.memref_slice %arg8[%arg0, %mul3A_14, %dma_start3A] : memref<2x10240x128xf32, #tpu.memory_space<hbm>> -> memref<1x640x128xf32, #tpu.memory_space<hbm>>
      %dma_start3A_16 = tpu.memref_squeeze %dma_start3A_15 : memref<1x640x128xf32, #tpu.memory_space<hbm>> -> memref<640x128xf32, #tpu.memory_space<hbm>>
      %dma_start3A_17 = arith.constant 0 : i32
      %dma_start3A_18 = tpu.memref_slice %arg15[%mul3A_12, %dma_start3A_17] : memref<10240x128xf32, #tpu.memory_space<vmem_shared>> -> memref<640x128xf32, #tpu.memory_space<vmem_shared>>
      tpu.enqueue_dma source(%dma_start3A_18 : memref<640x128xf32, #tpu.memory_space<vmem_shared>>) target(%dma_start3A_16 : memref<640x128xf32, #tpu.memory_space<hbm>>) target_semaphore(%run_scoped3A : memref<!tpu.dma_semaphore, #tpu.memory_space<semaphore_mem>>)
      %dma_wait3A = arith.constant 0 : i32
      %dma_wait3A_19 = tpu.memref_slice %arg8[%arg0, %mul3A_14, %dma_wait3A] : memref<2x10240x128xf32, #tpu.memory_space<hbm>> -> memref<1x640x128xf32, #tpu.memory_space<hbm>>
      %dma_wait3A_20 = tpu.memref_squeeze %dma_wait3A_19 : memref<1x640x128xf32, #tpu.memory_space<hbm>> -> memref<640x128xf32, #tpu.memory_space<hbm>>
      %dma_wait3A_21 = arith.constant 0 : i32
      %dma_wait3A_22 = tpu.memref_slice %arg15[%mul3A_12, %dma_wait3A_21] : memref<10240x128xf32, #tpu.memory_space<vmem_shared>> -> memref<640x128xf32, #tpu.memory_space<vmem_shared>>
      tpu.wait_dma2 semaphore(%run_scoped3A : memref<!tpu.dma_semaphore, #tpu.memory_space<semaphore_mem>>) src(%dma_wait3A_22 : memref<640x128xf32, #tpu.memory_space<vmem_shared>>) dst(%dma_wait3A_20 : memref<640x128xf32, #tpu.memory_space<hbm>>)
      tpu.yield
    }) : () -> ()
    return
  }
}

module attributes {stable_mosaic.version = 14 : i64} {
  func.func @_stageA_body(%arg0: i32, %arg1: memref<1000x128xf32, #tpu.memory_space<vmem>>, %arg2: memref<128x32xf32, #tpu.memory_space<vmem>>, %arg3: memref<1x32xf32, #tpu.memory_space<vmem>>, %arg4: memref<128x32xf32, #tpu.memory_space<vmem>>, %arg5: memref<1x32xf32, #tpu.memory_space<vmem>>, %arg6: memref<128x32xf32, #tpu.memory_space<vmem>>, %arg7: memref<1x32xf32, #tpu.memory_space<vmem>>, %arg8: memref<1x32xf32, #tpu.memory_space<vmem>>, %arg9: memref<1x32xf32, #tpu.memory_space<vmem>>, %arg10: memref<128x32xf32, #tpu.memory_space<vmem>>, %arg11: memref<1x32xf32, #tpu.memory_space<vmem>>, %arg12: memref<1000x128xf32, #tpu.memory_space<vmem>>, %arg13: memref<1000x128xf32, #tpu.memory_space<vmem>>, %arg14: memref<1000x32xf32, #tpu.memory_space<vmem>>) attributes {dimension_semantics = [#tpu.dimension_semantics<arbitrary>], iteration_bounds = array<i64: 10>, scalar_prefetch = 0 : i64, scratch_operands = 0 : i64, tpu.core_type = #tpu.core_type<tc>, window_params = [{transform_indices = @transform_0, window_bounds = array<i64: 1000, 128>}, {pipeline_mode = #tpu.pipeline_mode<synchronous>, transform_indices = @transform_1, window_bounds = array<i64: 128, 32>}, {pipeline_mode = #tpu.pipeline_mode<synchronous>, transform_indices = @transform_2, window_bounds = array<i64: 1, 32>}, {pipeline_mode = #tpu.pipeline_mode<synchronous>, transform_indices = @transform_3, window_bounds = array<i64: 128, 32>}, {pipeline_mode = #tpu.pipeline_mode<synchronous>, transform_indices = @transform_4, window_bounds = array<i64: 1, 32>}, {pipeline_mode = #tpu.pipeline_mode<synchronous>, transform_indices = @transform_5, window_bounds = array<i64: 128, 32>}, {pipeline_mode = #tpu.pipeline_mode<synchronous>, transform_indices = @transform_6, window_bounds = array<i64: 1, 32>}, {pipeline_mode = #tpu.pipeline_mode<synchronous>, transform_indices = @transform_7, window_bounds = array<i64: 1, 32>}, {pipeline_mode = #tpu.pipeline_mode<synchronous>, transform_indices = @transform_8, window_bounds = array<i64: 1, 32>}, {pipeline_mode = #tpu.pipeline_mode<synchronous>, transform_indices = @transform_9, window_bounds = array<i64: 128, 32>}, {pipeline_mode = #tpu.pipeline_mode<synchronous>, transform_indices = @transform_10, window_bounds = array<i64: 1, 32>}, {transform_indices = @transform_11, window_bounds = array<i64: 1000, 128>}, {transform_indices = @transform_12, window_bounds = array<i64: 1000, 128>}, {transform_indices = @transform_13, window_bounds = array<i64: 1000, 32>}]} {
    %get3A = arith.constant 0 : index
    %get3A_0 = arith.constant 0 : index
    %get3A_1 = vector.load %arg1[%get3A, %get3A_0] : memref<1000x128xf32, #tpu.memory_space<vmem>>, vector<1000x128xf32>
    %get3A_2 = arith.constant 0 : index
    %get3A_3 = arith.constant 0 : index
    %get3A_4 = vector.load %arg2[%get3A_2, %get3A_3] : memref<128x32xf32, #tpu.memory_space<vmem>>, vector<128x32xf32>
    %dot_general3A = arith.constant dense<0.000000e+00> : vector<1000x32xf32>
    %dot_general3A_5 = tpu.matmul %get3A_1, %get3A_4, %dot_general3A {dimension_numbers = #tpu.dot_dimension_numbers<[1], [0], [0], [1], [0, 0, 1, 1], [], []>, transpose_lhs_hint = false} : vector<1000x128xf32>, vector<128x32xf32>, vector<1000x32xf32> -> vector<1000x32xf32>
    %get3A_6 = arith.constant 0 : index
    %get3A_7 = arith.constant 0 : index
    %get3A_8 = vector.load %arg3[%get3A_6, %get3A_7] : memref<1x32xf32, #tpu.memory_space<vmem>>, vector<1x32xf32>
    %add3A = vector.broadcast %get3A_8 : vector<1x32xf32> to vector<1000x32xf32>
    %add3A_9 = arith.addf %dot_general3A_5, %add3A : vector<1000x32xf32>
    %mul3A = arith.constant 0.176776692 : f32
    %mul3A_10 = vector.broadcast %mul3A : f32 to vector<1000x32xf32>
    %mul3A_11 = arith.mulf %add3A_9, %mul3A_10 : vector<1000x32xf32>
    %get3A_12 = arith.constant 0 : index
    %get3A_13 = arith.constant 0 : index
    %get3A_14 = vector.load %arg4[%get3A_12, %get3A_13] : memref<128x32xf32, #tpu.memory_space<vmem>>, vector<128x32xf32>
    %dot_general3A_15 = arith.constant dense<0.000000e+00> : vector<1000x32xf32>
    %dot_general3A_16 = tpu.matmul %get3A_1, %get3A_14, %dot_general3A_15 {dimension_numbers = #tpu.dot_dimension_numbers<[1], [0], [0], [1], [0, 0, 1, 1], [], []>, transpose_lhs_hint = false} : vector<1000x128xf32>, vector<128x32xf32>, vector<1000x32xf32> -> vector<1000x32xf32>
    %get3A_17 = arith.constant 0 : index
    %get3A_18 = arith.constant 0 : index
    %get3A_19 = vector.load %arg5[%get3A_17, %get3A_18] : memref<1x32xf32, #tpu.memory_space<vmem>>, vector<1x32xf32>
    %add3A_20 = vector.broadcast %get3A_19 : vector<1x32xf32> to vector<1000x32xf32>
    %add3A_21 = arith.addf %dot_general3A_16, %add3A_20 : vector<1000x32xf32>
    %get3A_22 = arith.constant 0 : index
    %get3A_23 = arith.constant 0 : index
    %get3A_24 = vector.load %arg6[%get3A_22, %get3A_23] : memref<128x32xf32, #tpu.memory_space<vmem>>, vector<128x32xf32>
    %dot_general3A_25 = arith.constant dense<0.000000e+00> : vector<1000x32xf32>
    %dot_general3A_26 = tpu.matmul %get3A_1, %get3A_24, %dot_general3A_25 {dimension_numbers = #tpu.dot_dimension_numbers<[1], [0], [0], [1], [0, 0, 1, 1], [], []>, transpose_lhs_hint = false} : vector<1000x128xf32>, vector<128x32xf32>, vector<1000x32xf32> -> vector<1000x32xf32>
    %get3A_27 = arith.constant 0 : index
    %get3A_28 = arith.constant 0 : index
    %get3A_29 = vector.load %arg7[%get3A_27, %get3A_28] : memref<1x32xf32, #tpu.memory_space<vmem>>, vector<1x32xf32>
    %add3A_30 = vector.broadcast %get3A_29 : vector<1x32xf32> to vector<1000x32xf32>
    %add3A_31 = arith.addf %dot_general3A_26, %add3A_30 : vector<1000x32xf32>
    %get3A_32 = arith.constant 0 : index
    %get3A_33 = arith.constant 0 : index
    %get3A_34 = vector.load %arg8[%get3A_32, %get3A_33] : memref<1x32xf32, #tpu.memory_space<vmem>>, vector<1x32xf32>
    %mul3A_35 = vector.broadcast %get3A_34 : vector<1x32xf32> to vector<1000x32xf32>
    %mul3A_36 = arith.mulf %mul3A_11, %mul3A_35 : vector<1000x32xf32>
    %reduce_sum3A = arith.constant dense<0.000000e+00> : vector<1000xf32>
    %reduce_sum3A_37 = vector.multi_reduction <add>, %mul3A_36, %reduce_sum3A [1] : vector<1000x32xf32> to vector<1000xf32>
    %broadcast_in_dim3A = vector.shape_cast %reduce_sum3A_37 : vector<1000xf32> to vector<1000x1xf32>
    %get3A_38 = arith.constant 0 : index
    %get3A_39 = arith.constant 0 : index
    %get3A_40 = vector.load %arg9[%get3A_38, %get3A_39] : memref<1x32xf32, #tpu.memory_space<vmem>>, vector<1x32xf32>
    %mul3A_41 = vector.broadcast %get3A_40 : vector<1x32xf32> to vector<1000x32xf32>
    %mul3A_42 = arith.mulf %mul3A_11, %mul3A_41 : vector<1000x32xf32>
    %reduce_sum3A_43 = arith.constant dense<0.000000e+00> : vector<1000xf32>
    %reduce_sum3A_44 = vector.multi_reduction <add>, %mul3A_42, %reduce_sum3A_43 [1] : vector<1000x32xf32> to vector<1000xf32>
    %broadcast_in_dim3A_45 = vector.shape_cast %reduce_sum3A_44 : vector<1000xf32> to vector<1000x1xf32>
    %broadcast_in_dim3A_46 = arith.constant 0.000000e+00 : f32
    %broadcast_in_dim3A_47 = vector.broadcast %broadcast_in_dim3A_46 : f32 to vector<1000x94xf32>
    %concatenate3A = tpu.concatenate %mul3A_11, %broadcast_in_dim3A, %broadcast_in_dim3A_45, %broadcast_in_dim3A_47 in 1 : vector<1000x32xf32>, vector<1000x1xf32>, vector<1000x1xf32>, vector<1000x94xf32> -> vector<1000x128xf32>
    %swap3A = arith.constant 0 : index
    %swap3A_48 = arith.constant 0 : index
    %swap3A_49 = vector.load %arg12[%swap3A, %swap3A_48] : memref<1000x128xf32, #tpu.memory_space<vmem>>, vector<1000x128xf32>
    tpu.vector_store %arg12[%swap3A, %swap3A_48], %concatenate3A {strides = array<i32>} : memref<1000x128xf32, #tpu.memory_space<vmem>>, vector<1000x128xf32>,
    %broadcast_in_dim3A_50 = arith.constant 0.000000e+00 : f32
    %broadcast_in_dim3A_51 = vector.broadcast %broadcast_in_dim3A_50 : f32 to vector<1000x64xf32>
    %concatenate3A_52 = tpu.concatenate %add3A_21, %add3A_31, %broadcast_in_dim3A_51 in 1 : vector<1000x32xf32>, vector<1000x32xf32>, vector<1000x64xf32> -> vector<1000x128xf32>
    %swap3A_53 = arith.constant 0 : index
    %swap3A_54 = arith.constant 0 : index
    %swap3A_55 = vector.load %arg13[%swap3A_53, %swap3A_54] : memref<1000x128xf32, #tpu.memory_space<vmem>>, vector<1000x128xf32>
    tpu.vector_store %arg13[%swap3A_53, %swap3A_54], %concatenate3A_52 {strides = array<i32>} : memref<1000x128xf32, #tpu.memory_space<vmem>>, vector<1000x128xf32>,
    %get3A_56 = arith.constant 0 : index
    %get3A_57 = arith.constant 0 : index
    %get3A_58 = vector.load %arg10[%get3A_56, %get3A_57] : memref<128x32xf32, #tpu.memory_space<vmem>>, vector<128x32xf32>
    %dot_general3A_59 = arith.constant dense<0.000000e+00> : vector<1000x32xf32>
    %dot_general3A_60 = tpu.matmul %get3A_1, %get3A_58, %dot_general3A_59 {dimension_numbers = #tpu.dot_dimension_numbers<[1], [0], [0], [1], [0, 0, 1, 1], [], []>, transpose_lhs_hint = false} : vector<1000x128xf32>, vector<128x32xf32>, vector<1000x32xf32> -> vector<1000x32xf32>
    %get3A_61 = arith.constant 0 : index
    %get3A_62 = arith.constant 0 : index
    %get3A_63 = vector.load %arg11[%get3A_61, %get3A_62] : memref<1x32xf32, #tpu.memory_space<vmem>>, vector<1x32xf32>
    %add3A_64 = vector.broadcast %get3A_63 : vector<1x32xf32> to vector<1000x32xf32>
    %add3A_65 = arith.addf %dot_general3A_60, %add3A_64 : vector<1000x32xf32>
    %swap3A_66 = arith.constant 0 : index
    %swap3A_67 = arith.constant 0 : index
    %swap3A_68 = vector.load %arg14[%swap3A_66, %swap3A_67] : memref<1000x32xf32, #tpu.memory_space<vmem>>, vector<1000x32xf32>
    tpu.vector_store %arg14[%swap3A_66, %swap3A_67], %add3A_65 {strides = array<i32>} : memref<1000x32xf32, #tpu.memory_space<vmem>>, vector<1000x32xf32>,
    return
  }
  func.func @transform_0(%arg0: i32) -> (i32, i32) {
    %c0_i32 = arith.constant 0 : i32
    %c0_i32_0 = arith.constant 0 : i32
    return %arg0, %c0_i32 : i32, i32
  }
  func.func @transform_1(%arg0: i32) -> (i32, i32) {
    %c0_i32 = arith.constant 0 : i32
    %c0_i32_0 = arith.constant 0 : i32
    %c0_i32_1 = arith.constant 0 : i32
    return %c0_i32, %c0_i32_0 : i32, i32
  }
  func.func @transform_2(%arg0: i32) -> (i32, i32) {
    %c0_i32 = arith.constant 0 : i32
    %c0_i32_0 = arith.constant 0 : i32
    %c0_i32_1 = arith.constant 0 : i32
    return %c0_i32, %c0_i32_0 : i32, i32
  }
  func.func @transform_3(%arg0: i32) -> (i32, i32) {
    %c0_i32 = arith.constant 0 : i32
    %c0_i32_0 = arith.constant 0 : i32
    %c0_i32_1 = arith.constant 0 : i32
    return %c0_i32, %c0_i32_0 : i32, i32
  }
  func.func @transform_4(%arg0: i32) -> (i32, i32) {
    %c0_i32 = arith.constant 0 : i32
    %c0_i32_0 = arith.constant 0 : i32
    %c0_i32_1 = arith.constant 0 : i32
    return %c0_i32, %c0_i32_0 : i32, i32
  }
  func.func @transform_5(%arg0: i32) -> (i32, i32) {
    %c0_i32 = arith.constant 0 : i32
    %c0_i32_0 = arith.constant 0 : i32
    %c0_i32_1 = arith.constant 0 : i32
    return %c0_i32, %c0_i32_0 : i32, i32
  }
  func.func @transform_6(%arg0: i32) -> (i32, i32) {
    %c0_i32 = arith.constant 0 : i32
    %c0_i32_0 = arith.constant 0 : i32
    %c0_i32_1 = arith.constant 0 : i32
    return %c0_i32, %c0_i32_0 : i32, i32
  }
  func.func @transform_7(%arg0: i32) -> (i32, i32) {
    %c0_i32 = arith.constant 0 : i32
    %c0_i32_0 = arith.constant 0 : i32
    %c0_i32_1 = arith.constant 0 : i32
    return %c0_i32, %c0_i32_0 : i32, i32
  }
  func.func @transform_8(%arg0: i32) -> (i32, i32) {
    %c0_i32 = arith.constant 0 : i32
    %c0_i32_0 = arith.constant 0 : i32
    %c0_i32_1 = arith.constant 0 : i32
    return %c0_i32, %c0_i32_0 : i32, i32
  }
  func.func @transform_9(%arg0: i32) -> (i32, i32) {
    %c0_i32 = arith.constant 0 : i32
    %c0_i32_0 = arith.constant 0 : i32
    %c0_i32_1 = arith.constant 0 : i32
    return %c0_i32, %c0_i32_0 : i32, i32
  }
  func.func @transform_10(%arg0: i32) -> (i32, i32) {
    %c0_i32 = arith.constant 0 : i32
    %c0_i32_0 = arith.constant 0 : i32
    %c0_i32_1 = arith.constant 0 : i32
    return %c0_i32, %c0_i32_0 : i32, i32
  }
  func.func @transform_11(%arg0: i32) -> (i32, i32) {
    %c0_i32 = arith.constant 0 : i32
    %c0_i32_0 = arith.constant 0 : i32
    return %arg0, %c0_i32 : i32, i32
  }
  func.func @transform_12(%arg0: i32) -> (i32, i32) {
    %c0_i32 = arith.constant 0 : i32
    %c0_i32_0 = arith.constant 0 : i32
    return %arg0, %c0_i32 : i32, i32
  }
  func.func @transform_13(%arg0: i32) -> (i32, i32) {
    %c0_i32 = arith.constant 0 : i32
    %c0_i32_0 = arith.constant 0 : i32
    return %arg0, %c0_i32 : i32, i32
  }
}

module attributes {stable_mosaic.version = 14 : i64} {
  func.func @_combine_body(%arg0: i32, %arg1: memref<2x1000x128xf32, #tpu.memory_space<vmem>>, %arg2: memref<1000x32xf32, #tpu.memory_space<vmem>>, %arg3: memref<1x32xf32, #tpu.memory_space<vmem>>, %arg4: memref<1x32xf32, #tpu.memory_space<vmem>>, %arg5: memref<1000x32xf32, #tpu.memory_space<vmem>>) attributes {dimension_semantics = [#tpu.dimension_semantics<arbitrary>], iteration_bounds = array<i64: 10>, scalar_prefetch = 0 : i64, scratch_operands = 0 : i64, tpu.core_type = #tpu.core_type<tc>, window_params = [{transform_indices = @transform_0, window_bounds = array<i64: 2, 1000, 128>}, {transform_indices = @transform_1, window_bounds = array<i64: 1000, 32>}, {pipeline_mode = #tpu.pipeline_mode<synchronous>, transform_indices = @transform_2, window_bounds = array<i64: 1, 32>}, {pipeline_mode = #tpu.pipeline_mode<synchronous>, transform_indices = @transform_3, window_bounds = array<i64: 1, 32>}, {transform_indices = @transform_4, window_bounds = array<i64: 1000, 32>}]} {
    %get3A = arith.constant 0 : index
    %get3A_0 = arith.constant 0 : index
    %get3A_1 = arith.constant 0 : index
    %get3A_2 = vector.load %arg1[%get3A, %get3A_0, %get3A_1] : memref<2x1000x128xf32, #tpu.memory_space<vmem>>, vector<1x1000x128xf32>
    %get3A_3 = vector.shape_cast %get3A_2 : vector<1x1000x128xf32> to vector<1000x128xf32>
    %get3A_4 = arith.constant 1 : index
    %get3A_5 = arith.constant 0 : index
    %get3A_6 = arith.constant 0 : index
    %get3A_7 = vector.load %arg1[%get3A_4, %get3A_5, %get3A_6] : memref<2x1000x128xf32, #tpu.memory_space<vmem>>, vector<1x1000x128xf32>
    %get3A_8 = vector.shape_cast %get3A_7 : vector<1x1000x128xf32> to vector<1000x128xf32>
    %add3A = arith.addf %get3A_3, %get3A_8 : vector<1000x128xf32>
    %slice3A = vector.extract_strided_slice %add3A {offsets = [0, 0], sizes = [1000, 32], strides = [1, 1]} : vector<1000x128xf32> to vector<1000x32xf32>
    %slice3A_9 = vector.extract_strided_slice %add3A {offsets = [0, 32], sizes = [1000, 1], strides = [1, 1]} : vector<1000x128xf32> to vector<1000x1xf32>
    %slice3A_10 = vector.extract_strided_slice %add3A {offsets = [0, 33], sizes = [1000, 1], strides = [1, 1]} : vector<1000x128xf32> to vector<1000x1xf32>
    %get3A_11 = arith.constant 0 : index
    %get3A_12 = arith.constant 0 : index
    %get3A_13 = vector.load %arg3[%get3A_11, %get3A_12] : memref<1x32xf32, #tpu.memory_space<vmem>>, vector<1x32xf32>
    %mul3A = vector.broadcast %slice3A_10 : vector<1000x1xf32> to vector<1000x32xf32>
    %mul3A_14 = vector.broadcast %get3A_13 : vector<1x32xf32> to vector<1000x32xf32>
    %mul3A_15 = arith.mulf %mul3A, %mul3A_14 : vector<1000x32xf32>
    %add3A_16 = arith.addf %slice3A, %mul3A_15 : vector<1000x32xf32>
    %get3A_17 = arith.constant 0 : index
    %get3A_18 = arith.constant 0 : index
    %get3A_19 = vector.load %arg4[%get3A_17, %get3A_18] : memref<1x32xf32, #tpu.memory_space<vmem>>, vector<1x32xf32>
    %mul3A_20 = vector.broadcast %slice3A_9 : vector<1000x1xf32> to vector<1000x32xf32>
    %mul3A_21 = vector.broadcast %get3A_19 : vector<1x32xf32> to vector<1000x32xf32>
    %mul3A_22 = arith.mulf %mul3A_20, %mul3A_21 : vector<1000x32xf32>
    %add3A_23 = arith.addf %add3A_16, %mul3A_22 : vector<1000x32xf32>
    %add3A_24 = arith.constant 1.000000e-16 : f32
    %add3A_25 = vector.broadcast %add3A_24 : f32 to vector<1000x1xf32>
    %add3A_26 = arith.addf %slice3A_9, %add3A_25 : vector<1000x1xf32>
    %div3A = vector.broadcast %add3A_26 : vector<1000x1xf32> to vector<1000x32xf32>
    %div3A_27 = arith.divf %add3A_23, %div3A : vector<1000x32xf32>
    %get3A_28 = arith.constant 0 : index
    %get3A_29 = arith.constant 0 : index
    %get3A_30 = vector.load %arg2[%get3A_28, %get3A_29] : memref<1000x32xf32, #tpu.memory_space<vmem>>, vector<1000x32xf32>
    %add3A_31 = arith.addf %div3A_27, %get3A_30 : vector<1000x32xf32>
    %gt3A = arith.constant 0.000000e+00 : f32
    %gt3A_32 = vector.broadcast %gt3A : f32 to vector<1000x32xf32>
    %gt3A_33 = arith.cmpf ogt, %add3A_31, %gt3A_32 : vector<1000x32xf32>
    %min3A = arith.constant 0.000000e+00 : f32
    %min3A_34 = vector.broadcast %min3A : f32 to vector<1000x32xf32>
    %min3A_35 = arith.minimumf %add3A_31, %min3A_34 : vector<1000x32xf32>
    %exp3A = math.exp %min3A_35 : vector<1000x32xf32>
    %sub3A = arith.constant 1.000000e+00 : f32
    %sub3A_36 = vector.broadcast %sub3A : f32 to vector<1000x32xf32>
    %sub3A_37 = arith.subf %exp3A, %sub3A_36 : vector<1000x32xf32>
    %select_n3A = arith.select %gt3A_33, %add3A_31, %sub3A_37 : vector<1000x32xi1>, vector<1000x32xf32>
    %swap3A = arith.constant 0 : index
    %swap3A_38 = arith.constant 0 : index
    %swap3A_39 = vector.load %arg5[%swap3A, %swap3A_38] : memref<1000x32xf32, #tpu.memory_space<vmem>>, vector<1000x32xf32>
    tpu.vector_store %arg5[%swap3A, %swap3A_38], %select_n3A {strides = array<i32>} : memref<1000x32xf32, #tpu.memory_space<vmem>>, vector<1000x32xf32>,
    return
  }
  func.func @transform_0(%arg0: i32) -> (i32, i32, i32) {
    %c0_i32 = arith.constant 0 : i32
    %c0_i32_0 = arith.constant 0 : i32
    %c0_i32_1 = arith.constant 0 : i32
    return %c0_i32, %arg0, %c0_i32_0 : i32, i32, i32
  }
  func.func @transform_1(%arg0: i32) -> (i32, i32) {
    %c0_i32 = arith.constant 0 : i32
    %c0_i32_0 = arith.constant 0 : i32
    return %arg0, %c0_i32 : i32, i32
  }
  func.func @transform_2(%arg0: i32) -> (i32, i32) {
    %c0_i32 = arith.constant 0 : i32
    %c0_i32_0 = arith.constant 0 : i32
    %c0_i32_1 = arith.constant 0 : i32
    return %c0_i32, %c0_i32_0 : i32, i32
  }
  func.func @transform_3(%arg0: i32) -> (i32, i32) {
    %c0_i32 = arith.constant 0 : i32
    %c0_i32_0 = arith.constant 0 : i32
    %c0_i32_1 = arith.constant 0 : i32
    return %c0_i32, %c0_i32_0 : i32, i32
  }
  func.func @transform_4(%arg0: i32) -> (i32, i32) {
    %c0_i32 = arith.constant 0 : i32
    %c0_i32_0 = arith.constant 0 : i32
    return %arg0, %c0_i32 : i32, i32
  }
}

module attributes {stable_mosaic.version = 14 : i64} {
  func.func @_stageA_body(%arg0: i32, %arg1: memref<1000x32xf32, #tpu.memory_space<vmem>>, %arg2: memref<32x64xf32, #tpu.memory_space<vmem>>, %arg3: memref<1x64xf32, #tpu.memory_space<vmem>>, %arg4: memref<32x64xf32, #tpu.memory_space<vmem>>, %arg5: memref<1x64xf32, #tpu.memory_space<vmem>>, %arg6: memref<32x64xf32, #tpu.memory_space<vmem>>, %arg7: memref<1x64xf32, #tpu.memory_space<vmem>>, %arg8: memref<1x64xf32, #tpu.memory_space<vmem>>, %arg9: memref<1x64xf32, #tpu.memory_space<vmem>>, %arg10: memref<32x64xf32, #tpu.memory_space<vmem>>, %arg11: memref<1x64xf32, #tpu.memory_space<vmem>>, %arg12: memref<1000x128xf32, #tpu.memory_space<vmem>>, %arg13: memref<1000x128xf32, #tpu.memory_space<vmem>>, %arg14: memref<1000x64xf32, #tpu.memory_space<vmem>>) attributes {dimension_semantics = [#tpu.dimension_semantics<arbitrary>], iteration_bounds = array<i64: 10>, scalar_prefetch = 0 : i64, scratch_operands = 0 : i64, tpu.core_type = #tpu.core_type<tc>, window_params = [{transform_indices = @transform_0, window_bounds = array<i64: 1000, 32>}, {pipeline_mode = #tpu.pipeline_mode<synchronous>, transform_indices = @transform_1, window_bounds = array<i64: 32, 64>}, {pipeline_mode = #tpu.pipeline_mode<synchronous>, transform_indices = @transform_2, window_bounds = array<i64: 1, 64>}, {pipeline_mode = #tpu.pipeline_mode<synchronous>, transform_indices = @transform_3, window_bounds = array<i64: 32, 64>}, {pipeline_mode = #tpu.pipeline_mode<synchronous>, transform_indices = @transform_4, window_bounds = array<i64: 1, 64>}, {pipeline_mode = #tpu.pipeline_mode<synchronous>, transform_indices = @transform_5, window_bounds = array<i64: 32, 64>}, {pipeline_mode = #tpu.pipeline_mode<synchronous>, transform_indices = @transform_6, window_bounds = array<i64: 1, 64>}, {pipeline_mode = #tpu.pipeline_mode<synchronous>, transform_indices = @transform_7, window_bounds = array<i64: 1, 64>}, {pipeline_mode = #tpu.pipeline_mode<synchronous>, transform_indices = @transform_8, window_bounds = array<i64: 1, 64>}, {pipeline_mode = #tpu.pipeline_mode<synchronous>, transform_indices = @transform_9, window_bounds = array<i64: 32, 64>}, {pipeline_mode = #tpu.pipeline_mode<synchronous>, transform_indices = @transform_10, window_bounds = array<i64: 1, 64>}, {transform_indices = @transform_11, window_bounds = array<i64: 1000, 128>}, {transform_indices = @transform_12, window_bounds = array<i64: 1000, 128>}, {transform_indices = @transform_13, window_bounds = array<i64: 1000, 64>}]} {
    %get3A = arith.constant 0 : index
    %get3A_0 = arith.constant 0 : index
    %get3A_1 = vector.load %arg1[%get3A, %get3A_0] : memref<1000x32xf32, #tpu.memory_space<vmem>>, vector<1000x32xf32>
    %get3A_2 = arith.constant 0 : index
    %get3A_3 = arith.constant 0 : index
    %get3A_4 = vector.load %arg2[%get3A_2, %get3A_3] : memref<32x64xf32, #tpu.memory_space<vmem>>, vector<32x64xf32>
    %dot_general3A = arith.constant dense<0.000000e+00> : vector<1000x64xf32>
    %dot_general3A_5 = tpu.matmul %get3A_1, %get3A_4, %dot_general3A {dimension_numbers = #tpu.dot_dimension_numbers<[1], [0], [0], [1], [0, 0, 1, 1], [], []>, transpose_lhs_hint = false} : vector<1000x32xf32>, vector<32x64xf32>, vector<1000x64xf32> -> vector<1000x64xf32>
    %get3A_6 = arith.constant 0 : index
    %get3A_7 = arith.constant 0 : index
    %get3A_8 = vector.load %arg3[%get3A_6, %get3A_7] : memref<1x64xf32, #tpu.memory_space<vmem>>, vector<1x64xf32>
    %add3A = vector.broadcast %get3A_8 : vector<1x64xf32> to vector<1000x64xf32>
    %add3A_9 = arith.addf %dot_general3A_5, %add3A : vector<1000x64xf32>
    %mul3A = arith.constant 1.250000e-01 : f32
    %mul3A_10 = vector.broadcast %mul3A : f32 to vector<1000x64xf32>
    %mul3A_11 = arith.mulf %add3A_9, %mul3A_10 : vector<1000x64xf32>
    %get3A_12 = arith.constant 0 : index
    %get3A_13 = arith.constant 0 : index
    %get3A_14 = vector.load %arg4[%get3A_12, %get3A_13] : memref<32x64xf32, #tpu.memory_space<vmem>>, vector<32x64xf32>
    %dot_general3A_15 = arith.constant dense<0.000000e+00> : vector<1000x64xf32>
    %dot_general3A_16 = tpu.matmul %get3A_1, %get3A_14, %dot_general3A_15 {dimension_numbers = #tpu.dot_dimension_numbers<[1], [0], [0], [1], [0, 0, 1, 1], [], []>, transpose_lhs_hint = false} : vector<1000x32xf32>, vector<32x64xf32>, vector<1000x64xf32> -> vector<1000x64xf32>
    %get3A_17 = arith.constant 0 : index
    %get3A_18 = arith.constant 0 : index
    %get3A_19 = vector.load %arg5[%get3A_17, %get3A_18] : memref<1x64xf32, #tpu.memory_space<vmem>>, vector<1x64xf32>
    %add3A_20 = vector.broadcast %get3A_19 : vector<1x64xf32> to vector<1000x64xf32>
    %add3A_21 = arith.addf %dot_general3A_16, %add3A_20 : vector<1000x64xf32>
    %get3A_22 = arith.constant 0 : index
    %get3A_23 = arith.constant 0 : index
    %get3A_24 = vector.load %arg6[%get3A_22, %get3A_23] : memref<32x64xf32, #tpu.memory_space<vmem>>, vector<32x64xf32>
    %dot_general3A_25 = arith.constant dense<0.000000e+00> : vector<1000x64xf32>
    %dot_general3A_26 = tpu.matmul %get3A_1, %get3A_24, %dot_general3A_25 {dimension_numbers = #tpu.dot_dimension_numbers<[1], [0], [0], [1], [0, 0, 1, 1], [], []>, transpose_lhs_hint = false} : vector<1000x32xf32>, vector<32x64xf32>, vector<1000x64xf32> -> vector<1000x64xf32>
    %get3A_27 = arith.constant 0 : index
    %get3A_28 = arith.constant 0 : index
    %get3A_29 = vector.load %arg7[%get3A_27, %get3A_28] : memref<1x64xf32, #tpu.memory_space<vmem>>, vector<1x64xf32>
    %add3A_30 = vector.broadcast %get3A_29 : vector<1x64xf32> to vector<1000x64xf32>
    %add3A_31 = arith.addf %dot_general3A_26, %add3A_30 : vector<1000x64xf32>
    %get3A_32 = arith.constant 0 : index
    %get3A_33 = arith.constant 0 : index
    %get3A_34 = vector.load %arg8[%get3A_32, %get3A_33] : memref<1x64xf32, #tpu.memory_space<vmem>>, vector<1x64xf32>
    %mul3A_35 = vector.broadcast %get3A_34 : vector<1x64xf32> to vector<1000x64xf32>
    %mul3A_36 = arith.mulf %mul3A_11, %mul3A_35 : vector<1000x64xf32>
    %reduce_sum3A = arith.constant dense<0.000000e+00> : vector<1000xf32>
    %reduce_sum3A_37 = vector.multi_reduction <add>, %mul3A_36, %reduce_sum3A [1] : vector<1000x64xf32> to vector<1000xf32>
    %broadcast_in_dim3A = vector.shape_cast %reduce_sum3A_37 : vector<1000xf32> to vector<1000x1xf32>
    %get3A_38 = arith.constant 0 : index
    %get3A_39 = arith.constant 0 : index
    %get3A_40 = vector.load %arg9[%get3A_38, %get3A_39] : memref<1x64xf32, #tpu.memory_space<vmem>>, vector<1x64xf32>
    %mul3A_41 = vector.broadcast %get3A_40 : vector<1x64xf32> to vector<1000x64xf32>
    %mul3A_42 = arith.mulf %mul3A_11, %mul3A_41 : vector<1000x64xf32>
    %reduce_sum3A_43 = arith.constant dense<0.000000e+00> : vector<1000xf32>
    %reduce_sum3A_44 = vector.multi_reduction <add>, %mul3A_42, %reduce_sum3A_43 [1] : vector<1000x64xf32> to vector<1000xf32>
    %broadcast_in_dim3A_45 = vector.shape_cast %reduce_sum3A_44 : vector<1000xf32> to vector<1000x1xf32>
    %broadcast_in_dim3A_46 = arith.constant 0.000000e+00 : f32
    %broadcast_in_dim3A_47 = vector.broadcast %broadcast_in_dim3A_46 : f32 to vector<1000x62xf32>
    %concatenate3A = tpu.concatenate %mul3A_11, %broadcast_in_dim3A, %broadcast_in_dim3A_45, %broadcast_in_dim3A_47 in 1 : vector<1000x64xf32>, vector<1000x1xf32>, vector<1000x1xf32>, vector<1000x62xf32> -> vector<1000x128xf32>
    %swap3A = arith.constant 0 : index
    %swap3A_48 = arith.constant 0 : index
    %swap3A_49 = vector.load %arg12[%swap3A, %swap3A_48] : memref<1000x128xf32, #tpu.memory_space<vmem>>, vector<1000x128xf32>
    tpu.vector_store %arg12[%swap3A, %swap3A_48], %concatenate3A {strides = array<i32>} : memref<1000x128xf32, #tpu.memory_space<vmem>>, vector<1000x128xf32>,
    %concatenate3A_50 = tpu.concatenate %add3A_21, %add3A_31 in 1 : vector<1000x64xf32>, vector<1000x64xf32> -> vector<1000x128xf32>
    %swap3A_51 = arith.constant 0 : index
    %swap3A_52 = arith.constant 0 : index
    %swap3A_53 = vector.load %arg13[%swap3A_51, %swap3A_52] : memref<1000x128xf32, #tpu.memory_space<vmem>>, vector<1000x128xf32>
    tpu.vector_store %arg13[%swap3A_51, %swap3A_52], %concatenate3A_50 {strides = array<i32>} : memref<1000x128xf32, #tpu.memory_space<vmem>>, vector<1000x128xf32>,
    %get3A_54 = arith.constant 0 : index
    %get3A_55 = arith.constant 0 : index
    %get3A_56 = vector.load %arg10[%get3A_54, %get3A_55] : memref<32x64xf32, #tpu.memory_space<vmem>>, vector<32x64xf32>
    %dot_general3A_57 = arith.constant dense<0.000000e+00> : vector<1000x64xf32>
    %dot_general3A_58 = tpu.matmul %get3A_1, %get3A_56, %dot_general3A_57 {dimension_numbers = #tpu.dot_dimension_numbers<[1], [0], [0], [1], [0, 0, 1, 1], [], []>, transpose_lhs_hint = false} : vector<1000x32xf32>, vector<32x64xf32>, vector<1000x64xf32> -> vector<1000x64xf32>
    %get3A_59 = arith.constant 0 : index
    %get3A_60 = arith.constant 0 : index
    %get3A_61 = vector.load %arg11[%get3A_59, %get3A_60] : memref<1x64xf32, #tpu.memory_space<vmem>>, vector<1x64xf32>
    %add3A_62 = vector.broadcast %get3A_61 : vector<1x64xf32> to vector<1000x64xf32>
    %add3A_63 = arith.addf %dot_general3A_58, %add3A_62 : vector<1000x64xf32>
    %swap3A_64 = arith.constant 0 : index
    %swap3A_65 = arith.constant 0 : index
    %swap3A_66 = vector.load %arg14[%swap3A_64, %swap3A_65] : memref<1000x64xf32, #tpu.memory_space<vmem>>, vector<1000x64xf32>
    tpu.vector_store %arg14[%swap3A_64, %swap3A_65], %add3A_63 {strides = array<i32>} : memref<1000x64xf32, #tpu.memory_space<vmem>>, vector<1000x64xf32>,
    return
  }
  func.func @transform_0(%arg0: i32) -> (i32, i32) {
    %c0_i32 = arith.constant 0 : i32
    %c0_i32_0 = arith.constant 0 : i32
    return %arg0, %c0_i32 : i32, i32
  }
  func.func @transform_1(%arg0: i32) -> (i32, i32) {
    %c0_i32 = arith.constant 0 : i32
    %c0_i32_0 = arith.constant 0 : i32
    %c0_i32_1 = arith.constant 0 : i32
    return %c0_i32, %c0_i32_0 : i32, i32
  }
  func.func @transform_2(%arg0: i32) -> (i32, i32) {
    %c0_i32 = arith.constant 0 : i32
    %c0_i32_0 = arith.constant 0 : i32
    %c0_i32_1 = arith.constant 0 : i32
    return %c0_i32, %c0_i32_0 : i32, i32
  }
  func.func @transform_3(%arg0: i32) -> (i32, i32) {
    %c0_i32 = arith.constant 0 : i32
    %c0_i32_0 = arith.constant 0 : i32
    %c0_i32_1 = arith.constant 0 : i32
    return %c0_i32, %c0_i32_0 : i32, i32
  }
  func.func @transform_4(%arg0: i32) -> (i32, i32) {
    %c0_i32 = arith.constant 0 : i32
    %c0_i32_0 = arith.constant 0 : i32
    %c0_i32_1 = arith.constant 0 : i32
    return %c0_i32, %c0_i32_0 : i32, i32
  }
  func.func @transform_5(%arg0: i32) -> (i32, i32) {
    %c0_i32 = arith.constant 0 : i32
    %c0_i32_0 = arith.constant 0 : i32
    %c0_i32_1 = arith.constant 0 : i32
    return %c0_i32, %c0_i32_0 : i32, i32
  }
  func.func @transform_6(%arg0: i32) -> (i32, i32) {
    %c0_i32 = arith.constant 0 : i32
    %c0_i32_0 = arith.constant 0 : i32
    %c0_i32_1 = arith.constant 0 : i32
    return %c0_i32, %c0_i32_0 : i32, i32
  }
  func.func @transform_7(%arg0: i32) -> (i32, i32) {
    %c0_i32 = arith.constant 0 : i32
    %c0_i32_0 = arith.constant 0 : i32
    %c0_i32_1 = arith.constant 0 : i32
    return %c0_i32, %c0_i32_0 : i32, i32
  }
  func.func @transform_8(%arg0: i32) -> (i32, i32) {
    %c0_i32 = arith.constant 0 : i32
    %c0_i32_0 = arith.constant 0 : i32
    %c0_i32_1 = arith.constant 0 : i32
    return %c0_i32, %c0_i32_0 : i32, i32
  }
  func.func @transform_9(%arg0: i32) -> (i32, i32) {
    %c0_i32 = arith.constant 0 : i32
    %c0_i32_0 = arith.constant 0 : i32
    %c0_i32_1 = arith.constant 0 : i32
    return %c0_i32, %c0_i32_0 : i32, i32
  }
  func.func @transform_10(%arg0: i32) -> (i32, i32) {
    %c0_i32 = arith.constant 0 : i32
    %c0_i32_0 = arith.constant 0 : i32
    %c0_i32_1 = arith.constant 0 : i32
    return %c0_i32, %c0_i32_0 : i32, i32
  }
  func.func @transform_11(%arg0: i32) -> (i32, i32) {
    %c0_i32 = arith.constant 0 : i32
    %c0_i32_0 = arith.constant 0 : i32
    return %arg0, %c0_i32 : i32, i32
  }
  func.func @transform_12(%arg0: i32) -> (i32, i32) {
    %c0_i32 = arith.constant 0 : i32
    %c0_i32_0 = arith.constant 0 : i32
    return %arg0, %c0_i32 : i32, i32
  }
  func.func @transform_13(%arg0: i32) -> (i32, i32) {
    %c0_i32 = arith.constant 0 : i32
    %c0_i32_0 = arith.constant 0 : i32
    return %arg0, %c0_i32 : i32, i32
  }
}

module attributes {stable_mosaic.version = 14 : i64} {
  func.func @_combine_body(%arg0: i32, %arg1: memref<2x1000x128xf32, #tpu.memory_space<vmem>>, %arg2: memref<1000x64xf32, #tpu.memory_space<vmem>>, %arg3: memref<1x64xf32, #tpu.memory_space<vmem>>, %arg4: memref<1x64xf32, #tpu.memory_space<vmem>>, %arg5: memref<1000x64xf32, #tpu.memory_space<vmem>>) attributes {dimension_semantics = [#tpu.dimension_semantics<arbitrary>], iteration_bounds = array<i64: 10>, scalar_prefetch = 0 : i64, scratch_operands = 0 : i64, tpu.core_type = #tpu.core_type<tc>, window_params = [{transform_indices = @transform_0, window_bounds = array<i64: 2, 1000, 128>}, {transform_indices = @transform_1, window_bounds = array<i64: 1000, 64>}, {pipeline_mode = #tpu.pipeline_mode<synchronous>, transform_indices = @transform_2, window_bounds = array<i64: 1, 64>}, {pipeline_mode = #tpu.pipeline_mode<synchronous>, transform_indices = @transform_3, window_bounds = array<i64: 1, 64>}, {transform_indices = @transform_4, window_bounds = array<i64: 1000, 64>}]} {
    %get3A = arith.constant 0 : index
    %get3A_0 = arith.constant 0 : index
    %get3A_1 = arith.constant 0 : index
    %get3A_2 = vector.load %arg1[%get3A, %get3A_0, %get3A_1] : memref<2x1000x128xf32, #tpu.memory_space<vmem>>, vector<1x1000x128xf32>
    %get3A_3 = vector.shape_cast %get3A_2 : vector<1x1000x128xf32> to vector<1000x128xf32>
    %get3A_4 = arith.constant 1 : index
    %get3A_5 = arith.constant 0 : index
    %get3A_6 = arith.constant 0 : index
    %get3A_7 = vector.load %arg1[%get3A_4, %get3A_5, %get3A_6] : memref<2x1000x128xf32, #tpu.memory_space<vmem>>, vector<1x1000x128xf32>
    %get3A_8 = vector.shape_cast %get3A_7 : vector<1x1000x128xf32> to vector<1000x128xf32>
    %add3A = arith.addf %get3A_3, %get3A_8 : vector<1000x128xf32>
    %slice3A = vector.extract_strided_slice %add3A {offsets = [0, 0], sizes = [1000, 64], strides = [1, 1]} : vector<1000x128xf32> to vector<1000x64xf32>
    %slice3A_9 = vector.extract_strided_slice %add3A {offsets = [0, 64], sizes = [1000, 1], strides = [1, 1]} : vector<1000x128xf32> to vector<1000x1xf32>
    %slice3A_10 = vector.extract_strided_slice %add3A {offsets = [0, 65], sizes = [1000, 1], strides = [1, 1]} : vector<1000x128xf32> to vector<1000x1xf32>
    %get3A_11 = arith.constant 0 : index
    %get3A_12 = arith.constant 0 : index
    %get3A_13 = vector.load %arg3[%get3A_11, %get3A_12] : memref<1x64xf32, #tpu.memory_space<vmem>>, vector<1x64xf32>
    %mul3A = vector.broadcast %slice3A_10 : vector<1000x1xf32> to vector<1000x64xf32>
    %mul3A_14 = vector.broadcast %get3A_13 : vector<1x64xf32> to vector<1000x64xf32>
    %mul3A_15 = arith.mulf %mul3A, %mul3A_14 : vector<1000x64xf32>
    %add3A_16 = arith.addf %slice3A, %mul3A_15 : vector<1000x64xf32>
    %get3A_17 = arith.constant 0 : index
    %get3A_18 = arith.constant 0 : index
    %get3A_19 = vector.load %arg4[%get3A_17, %get3A_18] : memref<1x64xf32, #tpu.memory_space<vmem>>, vector<1x64xf32>
    %mul3A_20 = vector.broadcast %slice3A_9 : vector<1000x1xf32> to vector<1000x64xf32>
    %mul3A_21 = vector.broadcast %get3A_19 : vector<1x64xf32> to vector<1000x64xf32>
    %mul3A_22 = arith.mulf %mul3A_20, %mul3A_21 : vector<1000x64xf32>
    %add3A_23 = arith.addf %add3A_16, %mul3A_22 : vector<1000x64xf32>
    %add3A_24 = arith.constant 1.000000e-16 : f32
    %add3A_25 = vector.broadcast %add3A_24 : f32 to vector<1000x1xf32>
    %add3A_26 = arith.addf %slice3A_9, %add3A_25 : vector<1000x1xf32>
    %div3A = vector.broadcast %add3A_26 : vector<1000x1xf32> to vector<1000x64xf32>
    %div3A_27 = arith.divf %add3A_23, %div3A : vector<1000x64xf32>
    %get3A_28 = arith.constant 0 : index
    %get3A_29 = arith.constant 0 : index
    %get3A_30 = vector.load %arg2[%get3A_28, %get3A_29] : memref<1000x64xf32, #tpu.memory_space<vmem>>, vector<1000x64xf32>
    %add3A_31 = arith.addf %div3A_27, %get3A_30 : vector<1000x64xf32>
    %gt3A = arith.constant 0.000000e+00 : f32
    %gt3A_32 = vector.broadcast %gt3A : f32 to vector<1000x64xf32>
    %gt3A_33 = arith.cmpf ogt, %add3A_31, %gt3A_32 : vector<1000x64xf32>
    %min3A = arith.constant 0.000000e+00 : f32
    %min3A_34 = vector.broadcast %min3A : f32 to vector<1000x64xf32>
    %min3A_35 = arith.minimumf %add3A_31, %min3A_34 : vector<1000x64xf32>
    %exp3A = math.exp %min3A_35 : vector<1000x64xf32>
    %sub3A = arith.constant 1.000000e+00 : f32
    %sub3A_36 = vector.broadcast %sub3A : f32 to vector<1000x64xf32>
    %sub3A_37 = arith.subf %exp3A, %sub3A_36 : vector<1000x64xf32>
    %select_n3A = arith.select %gt3A_33, %add3A_31, %sub3A_37 : vector<1000x64xi1>, vector<1000x64xf32>
    %swap3A = arith.constant 0 : index
    %swap3A_38 = arith.constant 0 : index
    %swap3A_39 = vector.load %arg5[%swap3A, %swap3A_38] : memref<1000x64xf32, #tpu.memory_space<vmem>>, vector<1000x64xf32>
    tpu.vector_store %arg5[%swap3A, %swap3A_38], %select_n3A {strides = array<i32>} : memref<1000x64xf32, #tpu.memory_space<vmem>>, vector<1000x64xf32>,
    return
  }
  func.func @transform_0(%arg0: i32) -> (i32, i32, i32) {
    %c0_i32 = arith.constant 0 : i32
    %c0_i32_0 = arith.constant 0 : i32
    %c0_i32_1 = arith.constant 0 : i32
    return %c0_i32, %arg0, %c0_i32_0 : i32, i32, i32
  }
  func.func @transform_1(%arg0: i32) -> (i32, i32) {
    %c0_i32 = arith.constant 0 : i32
    %c0_i32_0 = arith.constant 0 : i32
    return %arg0, %c0_i32 : i32, i32
  }
  func.func @transform_2(%arg0: i32) -> (i32, i32) {
    %c0_i32 = arith.constant 0 : i32
    %c0_i32_0 = arith.constant 0 : i32
    %c0_i32_1 = arith.constant 0 : i32
    return %c0_i32, %c0_i32_0 : i32, i32
  }
  func.func @transform_3(%arg0: i32) -> (i32, i32) {
    %c0_i32 = arith.constant 0 : i32
    %c0_i32_0 = arith.constant 0 : i32
    %c0_i32_1 = arith.constant 0 : i32
    return %c0_i32, %c0_i32_0 : i32, i32
  }
  func.func @transform_4(%arg0: i32) -> (i32, i32) {
    %c0_i32 = arith.constant 0 : i32
    %c0_i32_0 = arith.constant 0 : i32
    return %arg0, %c0_i32 : i32, i32
  }
}

module attributes {stable_mosaic.version = 14 : i64} {
  func.func @_head_body(%arg0: i32, %arg1: memref<1000x64xf32, #tpu.memory_space<vmem>>, %arg2: memref<64x128xf32, #tpu.memory_space<vmem>>, %arg3: memref<1x128xf32, #tpu.memory_space<vmem>>, %arg4: memref<128x10xf32, #tpu.memory_space<vmem>>, %arg5: memref<1x10xf32, #tpu.memory_space<vmem>>, %arg6: memref<1000x10xf32, #tpu.memory_space<vmem>>) attributes {dimension_semantics = [#tpu.dimension_semantics<arbitrary>], iteration_bounds = array<i64: 10>, scalar_prefetch = 0 : i64, scratch_operands = 0 : i64, tpu.core_type = #tpu.core_type<tc>, window_params = [{transform_indices = @transform_0, window_bounds = array<i64: 1000, 64>}, {pipeline_mode = #tpu.pipeline_mode<synchronous>, transform_indices = @transform_1, window_bounds = array<i64: 64, 128>}, {pipeline_mode = #tpu.pipeline_mode<synchronous>, transform_indices = @transform_2, window_bounds = array<i64: 1, 128>}, {pipeline_mode = #tpu.pipeline_mode<synchronous>, transform_indices = @transform_3, window_bounds = array<i64: 128, 10>}, {pipeline_mode = #tpu.pipeline_mode<synchronous>, transform_indices = @transform_4, window_bounds = array<i64: 1, 10>}, {transform_indices = @transform_5, window_bounds = array<i64: 1000, 10>}]} {
    %get3A = arith.constant 0 : index
    %get3A_0 = arith.constant 0 : index
    %get3A_1 = vector.load %arg1[%get3A, %get3A_0] : memref<1000x64xf32, #tpu.memory_space<vmem>>, vector<1000x64xf32>
    %get3A_2 = arith.constant 0 : index
    %get3A_3 = arith.constant 0 : index
    %get3A_4 = vector.load %arg2[%get3A_2, %get3A_3] : memref<64x128xf32, #tpu.memory_space<vmem>>, vector<64x128xf32>
    %dot_general3A = arith.constant dense<0.000000e+00> : vector<1000x128xf32>
    %dot_general3A_5 = tpu.matmul %get3A_1, %get3A_4, %dot_general3A {dimension_numbers = #tpu.dot_dimension_numbers<[1], [0], [0], [1], [0, 0, 1, 1], [], []>, transpose_lhs_hint = false} : vector<1000x64xf32>, vector<64x128xf32>, vector<1000x128xf32> -> vector<1000x128xf32>
    %get3A_6 = arith.constant 0 : index
    %get3A_7 = arith.constant 0 : index
    %get3A_8 = vector.load %arg3[%get3A_6, %get3A_7] : memref<1x128xf32, #tpu.memory_space<vmem>>, vector<1x128xf32>
    %add3A = vector.broadcast %get3A_8 : vector<1x128xf32> to vector<1000x128xf32>
    %add3A_9 = arith.addf %dot_general3A_5, %add3A : vector<1000x128xf32>
    %gt3A = arith.constant 0.000000e+00 : f32
    %gt3A_10 = vector.broadcast %gt3A : f32 to vector<1000x128xf32>
    %gt3A_11 = arith.cmpf ogt, %add3A_9, %gt3A_10 : vector<1000x128xf32>
    %min3A = arith.constant 0.000000e+00 : f32
    %min3A_12 = vector.broadcast %min3A : f32 to vector<1000x128xf32>
    %min3A_13 = arith.minimumf %add3A_9, %min3A_12 : vector<1000x128xf32>
    %exp3A = math.exp %min3A_13 : vector<1000x128xf32>
    %sub3A = arith.constant 1.000000e+00 : f32
    %sub3A_14 = vector.broadcast %sub3A : f32 to vector<1000x128xf32>
    %sub3A_15 = arith.subf %exp3A, %sub3A_14 : vector<1000x128xf32>
    %select_n3A = arith.select %gt3A_11, %add3A_9, %sub3A_15 : vector<1000x128xi1>, vector<1000x128xf32>
    %get3A_16 = arith.constant 0 : index
    %get3A_17 = arith.constant 0 : index
    %get3A_18 = vector.load %arg4[%get3A_16, %get3A_17] : memref<128x10xf32, #tpu.memory_space<vmem>>, vector<128x10xf32>
    %dot_general3A_19 = arith.constant dense<0.000000e+00> : vector<1000x10xf32>
    %dot_general3A_20 = tpu.matmul %select_n3A, %get3A_18, %dot_general3A_19 {dimension_numbers = #tpu.dot_dimension_numbers<[1], [0], [0], [1], [0, 0, 1, 1], [], []>, transpose_lhs_hint = false} : vector<1000x128xf32>, vector<128x10xf32>, vector<1000x10xf32> -> vector<1000x10xf32>
    %get3A_21 = arith.constant 0 : index
    %get3A_22 = arith.constant 0 : index
    %get3A_23 = vector.load %arg5[%get3A_21, %get3A_22] : memref<1x10xf32, #tpu.memory_space<vmem>>, vector<1x10xf32>
    %add3A_24 = vector.broadcast %get3A_23 : vector<1x10xf32> to vector<1000x10xf32>
    %add3A_25 = arith.addf %dot_general3A_20, %add3A_24 : vector<1000x10xf32>
    %reduce_max3A = arith.constant dense<0xFF800000> : vector<1000xf32>
    %reduce_max3A_26 = vector.multi_reduction <maximumf>, %add3A_25, %reduce_max3A [1] : vector<1000x10xf32> to vector<1000xf32>
    %broadcast_in_dim3A = vector.shape_cast %reduce_max3A_26 : vector<1000xf32> to vector<1000x1xf32>
    %sub3A_27 = vector.broadcast %broadcast_in_dim3A : vector<1000x1xf32> to vector<1000x10xf32>
    %sub3A_28 = arith.subf %add3A_25, %sub3A_27 : vector<1000x10xf32>
    %exp3A_29 = math.exp %sub3A_28 : vector<1000x10xf32>
    %reduce_sum3A = arith.constant dense<0.000000e+00> : vector<1000xf32>
    %reduce_sum3A_30 = vector.multi_reduction <add>, %exp3A_29, %reduce_sum3A [1] : vector<1000x10xf32> to vector<1000xf32>
    %broadcast_in_dim3A_31 = vector.shape_cast %reduce_sum3A_30 : vector<1000xf32> to vector<1000x1xf32>
    %log3A = math.log %broadcast_in_dim3A_31 : vector<1000x1xf32>
    %add3A_32 = arith.addf %log3A, %broadcast_in_dim3A : vector<1000x1xf32>
    %sub3A_33 = vector.broadcast %add3A_32 : vector<1000x1xf32> to vector<1000x10xf32>
    %sub3A_34 = arith.subf %add3A_25, %sub3A_33 : vector<1000x10xf32>
    %swap3A = arith.constant 0 : index
    %swap3A_35 = arith.constant 0 : index
    %swap3A_36 = vector.load %arg6[%swap3A, %swap3A_35] : memref<1000x10xf32, #tpu.memory_space<vmem>>, vector<1000x10xf32>
    tpu.vector_store %arg6[%swap3A, %swap3A_35], %sub3A_34 {strides = array<i32>} : memref<1000x10xf32, #tpu.memory_space<vmem>>, vector<1000x10xf32>,
    return
  }
  func.func @transform_0(%arg0: i32) -> (i32, i32) {
    %c0_i32 = arith.constant 0 : i32
    %c0_i32_0 = arith.constant 0 : i32
    return %arg0, %c0_i32 : i32, i32
  }
  func.func @transform_1(%arg0: i32) -> (i32, i32) {
    %c0_i32 = arith.constant 0 : i32
    %c0_i32_0 = arith.constant 0 : i32
    %c0_i32_1 = arith.constant 0 : i32
    return %c0_i32, %c0_i32_0 : i32, i32
  }
  func.func @transform_2(%arg0: i32) -> (i32, i32) {
    %c0_i32 = arith.constant 0 : i32
    %c0_i32_0 = arith.constant 0 : i32
    %c0_i32_1 = arith.constant 0 : i32
    return %c0_i32, %c0_i32_0 : i32, i32
  }
  func.func @transform_3(%arg0: i32) -> (i32, i32) {
    %c0_i32 = arith.constant 0 : i32
    %c0_i32_0 = arith.constant 0 : i32
    %c0_i32_1 = arith.constant 0 : i32
    return %c0_i32, %c0_i32_0 : i32, i32
  }
  func.func @transform_4(%arg0: i32) -> (i32, i32) {
    %c0_i32 = arith.constant 0 : i32
    %c0_i32_0 = arith.constant 0 : i32
    %c0_i32_1 = arith.constant 0 : i32
    return %c0_i32, %c0_i32_0 : i32, i32
  }
  func.func @transform_5(%arg0: i32) -> (i32, i32) {
    %c0_i32 = arith.constant 0 : i32
    %c0_i32_0 = arith.constant 0 : i32
    return %arg0, %c0_i32 : i32, i32
  }
}

</mosaic_0001>

<sc_bundles>
// kernel: kernel.12.cloned.1.call-start
scs
__scs_entry_jumppad:
0x0: {  	(pc) =	sbr.rel $0x88, $3  }
0x1: {  	(tag) =	ssettag $0x0;
	lr =	simm.s32 $0x1  }
0x2: {  	[smem:$0x3F86] =	sst lr;
	_ =	strace $0xD0000000  }
0x3: {  	_ = 	snop  }
0x4: {  	_ = 	snop  }
0x5: {  	_ = 	snop  }
0x6: {  	_ = 	snop  }
0x7: {  	_ = 	snop  }
__scs_overlays_trampoline_lowered:
0x8: {  	[smem:$0x3F95] =	sst s0  }
0x9: {  	[smem:$0x3F96] =	sst s1  }
0xa: {  	[smem:$0x3F97] =	sst s2  }
0xb: {  	[smem:$0x3F98] =	sst s3  }
0xc: {  	[smem:$0x3F99] =	sst s4  }
0xd: {  	[smem:$0x3F9A] =	sst s5  }
0xe: {  	[smem:$0x3F9B] =	sst s6  }
0xf: {  	[smem:$0x3F9C] =	sst s7  }
0x10: {  	[smem:$0x3F9D] =	sst s8  }
0x11: {  	[smem:$0x3F9E] =	sst s9;
	s0 =	simm.s32 @!p0 $0x0  }
0x12: {  	s1 =	sld [smem:$0x3F84];
	s0 =	simm.s32 @p0 $0x1  }
0x13: {  	[smem:$0x3F9F] =	sst s0;
	s0 =	simm.s32 @!p1 $0x0  }
0x14: {  	s2 =	sld [smem:$0x3F83];
	s0 =	simm.s32 @p1 $0x1  }
0x15: {  	[smem:$0x3FA0] =	sst s0;
	s0 =	simm.s32 @!p2 $0x0  }
0x16: {  	s3 =	sld [smem:$0x3FDB];
	s0 =	simm.s32 @p2 $0x1  }
0x17: {  	s4 =	simm.s32 $0x1BF5;
	[smem:$0x3FA2] =	sst s0  }
0x18: {  	s0 =	sld [smem:$0x3F85];
	_ =	swait.ge [sflag:s4], $0x0  }
0x19: {  	s7 =	sld [smem:$0x3F86]  }
0x1a: {  	s8 =	sadd.s32 $0xFFFFE003, lr  }
0x1b: {  	s9 =	sadd.s32 $0xFFFFFEF7, lr;
	s5 =	simm.s32 $0xFFFFFFFF;
	p2 =	slt.u32 s8, $0xFFFFF086  }
0x1c: {  	p1 =	slt.u32 s9, $0xF7A;
	s5 =	simm.s32 @!p2 $0x0  }
0x1d: {  	s5 =	simm.s32 @p1 $0x1;
	p0 =	seq.s32 s7, s2  }
0x1e: {  	s7 =	smul.u32 @!p0 $0xF7A, s2;
	p2 =	seq.s32 @!p0 s5, $0x0  }
0x1f: {  	s9 =	smul.u32 $0xF7A, s1;
	s8 =	simm.s32 @!p0 $0x1BF5;
	p2 =	por !p2, p0  }
0x20: {  	[sflag:s8] =	ssyncset.s32 @!p0 $0xFFFFF086;
	s6 =	sadd.s32 @!p0 s3, s7;
	s7 =	simm.s32 @!p0 $0x108  }
0x21: {  	s3 =	sadd.s32 s3, s9;
	s6 =	sadd.s32 @!p0 $0x88, s6;
	s7 =	simm.s32 @p2 $0x1082  }
0x22: {  	[simem:s7], [sflag:s8] =	dma.local @!p0 [hbm:s6], $0xF7A  }
0x23: {  	s9 =	sor.u32 $0xD0000000, s2;
	s6 =	simm.s32 $0x108;
	_ =	swait.ge @!p0 [sflag:s8], $0x0  }
0x24: {  	s3 =	sadd.s32 $0x88, s3;
	s6 =	simm.s32 @!p1 $0x1082;
	[sflag:s4] =	ssyncset.s32 $0xFFFFF086  }
0x25: {  	[simem:s6], [sflag:s4] =	dma.local [hbm:s3], $0xF7A  }
0x26: {  	[smem:$0x3F86] =	sst s1;
	(tag) =	ssettag s2;
	_ =	strace s9  }
0x27: {  	s1 =	sld [smem:$0x3F96]  }
0x28: {  	s2 =	sld [smem:$0x3F97]  }
0x29: {  	s4 =	sld [smem:$0x3F99]  }
0x2a: {  	p0 =	seq.s32 s5, $0x0;
	s5 =	sld [smem:$0x3F9A]  }
0x2b: {  	s6 =	sld [smem:$0x3F9B]  }
0x2c: {  	s7 =	sld [smem:$0x3F9C]  }
0x2d: {  	s3 =	simm.s32 $0x108;
	s8 =	sld [smem:$0x3F9D]  }
0x2e: {  	s3 =	simm.s32 @!p0 $0x1082;
	s9 =	sld [smem:$0x3F9E]  }
0x2f: {  	lr =	sadd.s32 s0, s3;
	s0 =	sld [smem:$0x3F95]  }
0x30: {  	s3 =	sld [smem:$0x3F98]  }
0x31: {  	[smem:$0x3FA1] =	sst s10  }
0x32: {  	s10 =	sld [smem:$0x3F9F];
	_ =	sdelay $0x3  }
0x33: {  	p0 =	seq.s32 s10, $0x1;
	s10 =	sld [smem:$0x3FA1];
	_ =	sdelay $0x3  }
0x34: {  	[smem:$0x3FA1] =	sst s10  }
0x35: {  	s10 =	sld [smem:$0x3FA0];
	_ =	sdelay $0x3  }
0x36: {  	p1 =	seq.s32 s10, $0x1;
	s10 =	sld [smem:$0x3FA1];
	_ =	sdelay $0x3  }
0x37: {  	[smem:$0x3FA1] =	sst s10  }
0x38: {  	s10 =	sld [smem:$0x3FA2]  }
0x39: {  	_ = 	snop;
	(pc) =	sbr.ind lr, $3  }
0x3a: {  	_ = 	snop  }
0x3b: {  	_ = 	snop  }
0x3c: {  	p2 =	seq.s32 s10, $0x1;
	s10 =	sld [smem:$0x3FA1]  }
0x3d: {  	_ =	shalt  }
0x3e: {  	_ =	shalt  }
0x3f: {  	_ =	shalt  }
0x40: {  	_ =	shalt  }
0x41: {  	_ =	shalt  }
0x42: {  	_ =	shalt  }
0x43: {  	_ =	shalt  }
0x44: {  	_ =	shalt  }
0x45: {  	_ =	shalt  }
0x46: {  	_ =	shalt  }
0x47: {  	_ =	shalt  }
0x48: {  	_ =	shalt  }
0x49: {  	_ =	shalt  }
0x4a: {  	_ =	shalt  }
0x4b: {  	_ =	shalt  }
0x4c: {  	_ =	shalt  }
0x4d: {  	_ =	shalt  }
0x4e: {  	_ =	shalt  }
0x4f: {  	_ =	shalt  }
0x50: {  	_ =	shalt  }
0x51: {  	_ =	shalt  }
0x52: {  	_ =	shalt  }
0x53: {  	_ =	shalt  }
0x54: {  	_ =	shalt  }
0x55: {  	_ =	shalt  }
0x56: {  	_ =	shalt  }
0x57: {  	_ =	shalt  }
0x58: {  	_ =	shalt  }
0x59: {  	_ =	shalt  }
0x5a: {  	_ =	shalt  }
0x5b: {  	_ =	shalt  }
0x5c: {  	_ =	shalt  }
0x5d: {  	_ =	shalt  }
0x5e: {  	_ =	shalt  }
0x5f: {  	_ =	shalt  }
0x60: {  	_ =	shalt  }
0x61: {  	_ =	shalt  }
0x62: {  	_ =	shalt  }
0x63: {  	_ =	shalt  }
0x64: {  	_ =	shalt  }
0x65: {  	_ =	shalt  }
0x66: {  	_ =	shalt  }
0x67: {  	_ =	shalt  }
0x68: {  	_ =	shalt  }
0x69: {  	_ =	shalt  }
0x6a: {  	_ =	shalt  }
0x6b: {  	_ =	shalt  }
0x6c: {  	_ =	shalt  }
0x6d: {  	_ =	shalt  }
0x6e: {  	_ =	shalt  }
0x6f: {  	_ =	shalt  }
0x70: {  	_ =	shalt  }
0x71: {  	_ =	shalt  }
0x72: {  	_ =	shalt  }
0x73: {  	_ =	shalt  }
0x74: {  	_ =	shalt  }
0x75: {  	_ =	shalt  }
0x76: {  	_ =	shalt  }
0x77: {  	_ =	shalt  }
0x78: {  	_ =	shalt  }
0x79: {  	_ =	shalt  }
0x7a: {  	_ =	shalt  }
0x7b: {  	_ =	shalt  }
0x7c: {  	_ =	shalt  }
0x7d: {  	_ =	shalt  }
0x7e: {  	_ =	shalt  }
0x7f: {  	_ =	shalt  }
0x80: {  	_ =	shalt  }
0x81: {  	_ =	shalt  }
0x82: {  	_ =	shalt  }
0x83: {  	_ =	shalt  }
0x84: {  	_ =	shalt  }
0x85: {  	_ =	shalt  }
0x86: {  	_ =	shalt  }
0x87: {  	_ =	shalt  }
.Lfunc_end0:
.L_simem_size_0:
called_computation.1_lowered:
.L_overlay_start_0:
0x88: {  	s2 =	sld [smem:$0x3FD9]  }
0x89: {  	s3 =	sld [smem:$0x3FFE];
	_ =	sdelay $0x1  }
0x8a: {  	s1 =	srdreg.scid  }
0x8b: {  	s0 =	sand.u32 $0x1, s1  }
0x8c: {  	s16 =	sshll.u32 s0, $0xA;
	s2 =	sadd.s32 s3, s2  }
0x8d: {  	s2 =	sadd.s32 s2, s16  }
0x8e: {  	[smem:$0x3FAD] =	sst s2  }
0x8f: {  	_ = 	snop  }
0x90: {  	(tm) =	ssettm $0x1  }
0x91: {  	s17 =	sld [smem:$0x3FFB];
	_ =	sdelay $0x3  }
0x92: {  	_ =	strace s17  }
0x93: {  	s2 =	sld [smem:$0x3FFC];
	_ =	sdelay $0x3  }
0x94: {  	_ =	strace s2  }
0x95: {  	s2 =	sld [smem:$0x3FFD];
	_ =	sdelay $0x3  }
0x96: {  	_ =	strace s2  }
0x97: {  	_ =	strace $0x8FFFFFFF  }
0x98: {  	s18 =	sld [smem:$0x3FDB];
	_ =	sdelay $0x1  }
0x99: {  	s19 =	simm.s32 $_scs_section_size  }
0x9a: {  	s4 =	simm.s32 $_size__tile_overlayer_lowered;
	s5 =	simm.s32 $_tile_overlayer_lowered  }
0x9b: {  	s22 =	simm.s32 $0x1BFF;
	s21 =	sshll.u32 s5, $0x1;
	s2 =	sadd.s32 s19, s18  }
0x9c: {  	s6 =	simm.s32 $0x0;
	s20 =	sshll.u32 s4, $0x1;
	s4 =	sadd.s32 s21, s2  }
0x9d: {  	[timem:s6], [sflag:s22] =	dma.local [hbm:s4], s20  }
0x9e: {  	_ =	swait.ge [sflag:s22], s20  }
0x9f: {  	s3 =	ssub.s32 $0x0, s20;
	[sflag:s22] =	ssyncset.done $0x0  }
0xa0: {  	[sflag:s22] =	ssyncadd.s32 s3;
	_ =	sdelay $0x1  }
0xa1: {  	s23 =	simm.s32 $0x1B8B  }
0xa2: {  	_ =	swait.ge [sflag:s23], $0x1  }
0xa3: {  	[sflag:s23] =	ssyncset.done $0x0  }
0xa4: {  	s25 =	simm.s32 $0x1B8E;
	s24 =	sld [smem:$0x3FFE];
	[sflag:s23] =	ssyncadd.s32 $0xFFFFFFFF  }
0xa5: {  	s26 =	simm.s32 $execute0_lowered;
	[smem:$0x3FD2] =	sst s25  }
0xa6: {  	s4 =	sshll.u32 s26, $0x1;
	_ =	strace $0x80000049;
	[dreg:$0x1] =	wrdreg $0xFFFFFFFF  }
0xa7: {  	s28 =	simm.s32 $_size_execute0_lowered;
	s2 =	sadd.s32 s2, s4;
	[dreg:$0x0] =	wrdreg $0x0  }
0xa8: {  	s4 =	sshll.u32 s28, $0x1;
	[dreg:$0x2] =	wrdreg s2  }
0xa9: {  	[dreg:$0x3] =	wrdreg s4  }
0xaa: {  	[dreg:$0x4] =	wrdreg $0xC0  }
0xab: {  	_ =	task [dreg:s6], $0x5FFFF  }
0xac: {  	[dreg:$0x1] =	wrdreg $0xFFFFFFFF  }
0xad: {  	[dreg:$0x0] =	wrdreg $0x60  }
0xae: {  	[dreg:$0x2] =	wrdreg s24  }
0xaf: {  	[dreg:$0x3] =	wrdreg $0x79800  }
0xb0: {  	[dreg:$0x4] =	wrdreg $0x9  }
0xb1: {  	_ =	task.clear_ibuf [dreg:s6], $0x5FFFF;
	_ =	strace $0x90000049  }
0xb2: {  	s29 =	simm.s32 $0x9;
	_ =	strace $0x8000004B  }
0xb3: {  	_ =	swait.ge [sflag:s29], $0x1  }
0xb4: {  	[sflag:s29] =	ssyncadd.s32 $0xFFFFFFFF  }
0xb5: {  	_ =	strace $0x9000004B  }
0xb6: {  	_ =	sfence  }
0xb7: {  	s30 =	sld [smem:$0x0];
	_ =	sdelay $0x2  }
0xb8: {  	s31 =	sshll.u32 s1, $0xD;
	s1 =	sshrl.u32 s1, $0x2  }
0xb9: {  	s3 =	sand.u32 $0x4000, s31;
	s1 =	sadd.s32 s1, s30  }
0xba: {  	s0 =	sor.u32 s3, s0;
	s1 =	sshll.u32 s1, $0x11  }
0xbb: {  	s0 =	sor.u32 s1, s0  }
0xbc: {  	s0 =	sadd.s32 $0x8F2B, s0  }
0xbd: {  	[sflag:s0] =	ssyncadd.remote.s32 $0x1  }
0xbe: {  	_ =	sfence.sel $0xFFFF  }
0xbf: {  	[dreg:$0x0] =	wrdreg $0xFFFFFFFF;
	(pc) =	sbr.abs _section_cstart, $3  }
0xc0: {  	[dreg:$0x1] =	wrdreg $0xFFFFFFFF  }
0xc1: {  	_ =	task.clear_ibuf [dreg:s6], $0x2FFFF;
	_ =	strace $0x9FFFFFFF  }
0xc2: {  	(tm) =	ssettm $0x7FFFFFFF  }
0xc3: {  	_ =	shalt  }
tec
execute0_lowered:
.L_overlay_start_1:
0x0: {  	(tag) =	ssettag $0x1  }
0x1: {  	s9 =	rddreg [dreg:$0x0]  }
0x2: {  	s1 =	rddreg [dreg:$0x1]  }
0x3: {  	s0 =	rddreg [dreg:$0x2];
	s3 =	simm.s32 $0x0;
	s2 =	stileid.u32  }
0x4: {  	s5 =	srdreg.scid;
	s17 =	simm.s32 $0x50;
	s18 =	simm.s32 $0x2980  }
0x5: {  	s19 =	simm.s32 $0x180;
	s20 =	simm.s32 $0x1;
	s21 =	simm.s32 $0x2  }
0x6: {  	s22 =	simm.s32 $0x5180;
	[smem:$0x7FF] =	sst s3;
	s4 =	sadd.s32 $0x20C00, s9  }
0x7: {  	s10 =	smul.u32 $0x14000, s2;
	s11 =	sand.u32 $0x1, s5;
	s5 =	sadd.s32 $0x47E00, s9  }
0x8: {  	s6 =	sadd.s32 $0xD000, s9;
	s7 =	sadd.s32 $0x3200, s9;
	s8 =	sadd.s32 $0x16E00, s9  }
0x9: {  	s15 =	smul.u32 $0x50000, s2;
	s29 =	sshll.u32 s2, $0x1;
	s31 =	sshll.u32 s2, $0x6  }
0xa: {  	_ =	strace $0x8000004A;
	s12 =	smul.u32 $0x140000, s11;
	s28 =	ssub.s32 $0x2, s11  }
0xb: {  	s11 =	sor.u32 s11, s29;
	s13 =	sshrl.u32 s10, $0x3;
	s14 =	sshrl.u32 s28, $0x1  }
0xc: {  	s30 =	sshrl.u32 s15, $0x2;
	s11 =	smul.u32 $0x2710, s11;
	s10 =	sadd.s32 s10, s12  }
0xd: {  	v0 =	vlaneseq.u32;
	s13 =	sadd.s32 s13, s9;
	s14 =	ssub.s32 s28, s14;
	s10 =	sshrl.u32 s10, $0x3  }
0xe: {  	v1 =	vmul.u32 $0x80, v0;
	s15 =	sadd.s32 s30, s1;
	s16 =	sadd.s32 s10, s9;
	s9 =	sadd.s32 $0x6F000, s13  }
0xf: {  	s10 =	sor.u32 $0x1C03, s31;
	s13 =	smax.u32 s14, $0x1;
	s14 =	sshrl.u32 s15, $0x3  }
0x10: {  	[tilespmem:$0x1FFF0] =	vst v1;
	s15 =	simm.s32 $0x3;
	s12 =	sadd.s32 $0x97000, s16;
	s16 =	simm.s32 $0x80  }
.LBB2_1:
0x11: {  	[spmem:s14], [sflag:s10] =	dma.local [hbm:s9], $0x2800  }
0x12: {  	_ =	swait.ge [sflag:s15], $0x2800  }
0x13: {  	[sflag:s15] =	ssyncset.done $0x0  }
0x14: {  	[sflag:s15] =	ssyncadd.s32 $0xFFFFD800  }
0x15: {  	s23 =	simm.s32 $0x0;
	[bflag:$0x0] =	sbarrier.arrive $0xFFFF  }
.LBB2_2:
0x16: {  	s24 =	smul.u32 $0x50, s23;
	_ =	sdelay $0x1  }
0x17: {  	s24 =	sadd.s32 s11, s24  }
0x18: {  	s25 =	sshrl.u32 s24, $0x3  }
0x19: {  	s24 =	simm.s32 $0x0;
	s26 =	sadd.s32 s6, s25  }
0x1a: {  	[tilespmem:s24], [sflag:$0x3] =	stream.linear.gather [hbm4b:s26+s24], $0x50, $0x38;
	[tilespmem:$0x1B980] =	vst v63  }
0x1b: {  	_ =	swait.ge [sflag:s15], $0x50  }
0x1c: {  	[sflag:s15] =	ssyncset.done $0x0  }
0x1d: {  	s30 =	sadd.s32 s7, s25;
	[sflag:s15] =	ssyncadd.s32 $0xFFFFFFB0  }
0x1e: {  	[tilespmem:s16], [sflag:$0x3] =	stream.linear.gather [hbm4b:s30+s24], $0x50, $0x38;
	[tilespmem:$0x1B980] =	vst v63  }
0x1f: {  	_ =	swait.ge [sflag:s15], $0x50  }
0x20: {  	[sflag:s15] =	ssyncset.done $0x0  }
0x21: {  	s31 =	sadd.s32 s8, s25;
	s25 =	simm.s32 $0x100;
	[sflag:s15] =	ssyncadd.s32 $0xFFFFFFB0  }
0x22: {  	[tilespmem:s25], [sflag:$0x3] =	stream.linear.gather [hbm4b:s31+s24], $0x50, $0x38;
	[tilespmem:$0x1B980] =	vst v63  }
0x23: {  	_ =	swait.ge [sflag:s15], $0x50  }
0x24: {  	[sflag:s15] =	ssyncset.done $0x0  }
0x25: {  	[sflag:s15] =	ssyncadd.s32 $0xFFFFFFB0  }
0x26: {  	[tilespmem:s18], [sflag:$0x1] =	stream.indirect.gather [hbm4b:s5+s17], $0x80, s24, s17, $0xb8;
	[tilespmem:$0x1B980] =	vst v63  }
0x27: {  	_ = 	snop  }
0x28: {  	[tilespmem:s19], [sflag:$0x2] =	stream.indirect.gather [hbm4b:s4+s17], $0x80, s16, s17, $0xb8;
	[tilespmem:$0x1B980] =	vst v63  }
0x29: {  	_ =	swait.ge [sflag:s20], $0x2800  }
0x2a: {  	[sflag:s20] =	ssyncset.done $0x0  }
0x2b: {  	[sflag:s20] =	ssyncadd.s32 $0xFFFFD800  }
0x2c: {  	_ =	swait.ge [sflag:s21], $0x2800  }
0x2d: {  	[sflag:s21] =	ssyncset.done $0x0  }
0x2e: {  	[sflag:s21] =	ssyncadd.s32 $0xFFFFD800  }
.LBB2_3:
0x2f: {  	_ =	sdelay $0x1  }
0x30: {  	v0 =	vmov s24  }
0x31: {  	v0 =	vshll.u32 v0, $0x7  }
0x32: {  	v4 =	vor.u32 v1, v0  }
0x33: {  	v0 =	vor.u32 $0x40, v4  }
0x34: {  	v2 =	vor.u32 $0x41, v4;
	_ =	sdelay $0x1  }
0x35: {  	v6 =	vld [tilespmem:s25+$0x0];
	v7 =	vor.u32 $0x1, v4  }
0x36: {  	v3 =	vld.idx.msk [tilespmem:v4+s18+$0x0], $0xffff  }
0x37: {  	v8 =	vor.u32 $0x2, v4;
	[tilespmem:$0x1FF40] =	vst v0;
	v0 =	vld.idx.msk [tilespmem:v0+s19+$0x0], $0xffff  }
0x38: {  	v1 =	vld.idx.msk [tilespmem:v2+s19+$0x0], $0xffff  }
0x39: {  	v9 =	vor.u32 $0x3, v4;
	[tilespmem:$0x1FF50] =	vst v2;
	v2 =	vld.idx.msk [tilespmem:v4+s19+$0x0], $0xffff  }
0x3a: {  	v5 =	vld.idx.msk [tilespmem:v7+s19+$0x0], $0xffff  }
0x3b: {  	v45 =	vor.u32 $0x4, v4;
	v10 =	vld.idx.msk [tilespmem:v7+s18+$0x0], $0xffff  }
0x3c: {  	v12 =	vld.idx.msk [tilespmem:v8+s19+$0x0], $0xffff;
	v0 =	vmul.f32 v0, v6  }
0x3d: {  	v46 =	vor.u32 $0x5, v4;
	v13 =	vld.idx.msk [tilespmem:v8+s18+$0x0], $0xffff  }
0x3e: {  	v0 =	vadd.f32 v1, v0;
	v1 =	vmul.f32 v3, v2;
	v2 =	vld.idx.msk [tilespmem:v9+s19+$0x0], $0xffff  }
0x3f: {  	v47 =	vor.u32 $0x6, v4;
	v3 =	vld.idx.msk [tilespmem:v9+s18+$0x0], $0xffff  }
0x40: {  	v48 =	vld.idx.msk [tilespmem:v45+s19+$0x0], $0xffff;
	v0 =	vadd.f32 v1, v0;
	v1 =	vmul.f32 v10, v5  }
0x41: {  	v49 =	vor.u32 $0x7, v4;
	v14 =	vld.idx.msk [tilespmem:v45+s18+$0x0], $0xffff  }
0x42: {  	v15 =	vld.idx.msk [tilespmem:v46+s19+$0x0], $0xffff;
	v0 =	vadd.f32 v1, v0;
	v1 =	vmul.f32 v13, v12  }
0x43: {  	v50 =	vor.u32 $0x8, v4;
	v16 =	vld.idx.msk [tilespmem:v46+s18+$0x0], $0xffff  }
0x44: {  	v0 =	vadd.f32 v1, v0;
	v1 =	vmul.f32 v3, v2;
	v2 =	vld.idx.msk [tilespmem:v47+s19+$0x0], $0xffff  }
0x45: {  	v13 =	vor.u32 $0x9, v4;
	v3 =	vld.idx.msk [tilespmem:v47+s18+$0x0], $0xffff  }
0x46: {  	v51 =	vld.idx.msk [tilespmem:v49+s19+$0x0], $0xffff;
	v0 =	vadd.f32 v1, v0;
	v1 =	vmul.f32 v14, v48  }
0x47: {  	v17 =	vld.idx.msk [tilespmem:v49+s18+$0x0], $0xffff;
	v14 =	vor.u32 $0xA, v4  }
0x48: {  	v18 =	vld.idx.msk [tilespmem:v50+s19+$0x0], $0xffff;
	v0 =	vadd.f32 v1, v0;
	v1 =	vmul.f32 v16, v15  }
0x49: {  	v19 =	vld.idx.msk [tilespmem:v50+s18+$0x0], $0xffff;
	v15 =	vor.u32 $0xB, v4  }
0x4a: {  	v0 =	vadd.f32 v1, v0;
	v1 =	vmul.f32 v3, v2;
	v2 =	vld.idx.msk [tilespmem:v13+s19+$0x0], $0xffff  }
0x4b: {  	v16 =	vor.u32 $0xC, v4;
	v3 =	vld.idx.msk [tilespmem:v13+s18+$0x0], $0xffff  }
0x4c: {  	v52 =	vld.idx.msk [tilespmem:v14+s19+$0x0], $0xffff;
	v0 =	vadd.f32 v1, v0;
	v1 =	vmul.f32 v17, v51  }
0x4d: {  	v20 =	vld.idx.msk [tilespmem:v14+s18+$0x0], $0xffff;
	v17 =	vor.u32 $0xD, v4  }
0x4e: {  	v21 =	vld.idx.msk [tilespmem:v15+s19+$0x0], $0xffff;
	v0 =	vadd.f32 v1, v0;
	v1 =	vmul.f32 v19, v18  }
0x4f: {  	v22 =	vld.idx.msk [tilespmem:v15+s18+$0x0], $0xffff;
	v18 =	vor.u32 $0xE, v4  }
0x50: {  	v0 =	vadd.f32 v1, v0;
	v1 =	vmul.f32 v3, v2;
	v2 =	vld.idx.msk [tilespmem:v16+s19+$0x0], $0xffff  }
0x51: {  	v19 =	vor.u32 $0xF, v4;
	v3 =	vld.idx.msk [tilespmem:v16+s18+$0x0], $0xffff  }
0x52: {  	v53 =	vld.idx.msk [tilespmem:v17+s19+$0x0], $0xffff;
	v0 =	vadd.f32 v1, v0;
	v1 =	vmul.f32 v20, v52  }
0x53: {  	v23 =	vld.idx.msk [tilespmem:v17+s18+$0x0], $0xffff;
	v20 =	vor.u32 $0x10, v4  }
0x54: {  	v24 =	vld.idx.msk [tilespmem:v18+s19+$0x0], $0xffff;
	v0 =	vadd.f32 v1, v0;
	v1 =	vmul.f32 v22, v21  }
0x55: {  	v25 =	vld.idx.msk [tilespmem:v18+s18+$0x0], $0xffff;
	v21 =	vor.u32 $0x11, v4  }
0x56: {  	v0 =	vadd.f32 v1, v0;
	v1 =	vmul.f32 v3, v2;
	v2 =	vld.idx.msk [tilespmem:v19+s19+$0x0], $0xffff  }
0x57: {  	v22 =	vor.u32 $0x12, v4;
	v3 =	vld.idx.msk [tilespmem:v19+s18+$0x0], $0xffff  }
0x58: {  	v54 =	vld.idx.msk [tilespmem:v20+s19+$0x0], $0xffff;
	v0 =	vadd.f32 v1, v0;
	v1 =	vmul.f32 v23, v53  }
0x59: {  	v26 =	vld.idx.msk [tilespmem:v20+s18+$0x0], $0xffff;
	v23 =	vor.u32 $0x13, v4  }
0x5a: {  	v27 =	vld.idx.msk [tilespmem:v21+s19+$0x0], $0xffff;
	v0 =	vadd.f32 v1, v0;
	v1 =	vmul.f32 v25, v24  }
0x5b: {  	v28 =	vld.idx.msk [tilespmem:v21+s18+$0x0], $0xffff;
	v24 =	vor.u32 $0x14, v4  }
0x5c: {  	v0 =	vadd.f32 v1, v0;
	v1 =	vmul.f32 v3, v2;
	v2 =	vld.idx.msk [tilespmem:v22+s19+$0x0], $0xffff  }
0x5d: {  	v25 =	vor.u32 $0x15, v4;
	v3 =	vld.idx.msk [tilespmem:v22+s18+$0x0], $0xffff  }
0x5e: {  	v55 =	vld.idx.msk [tilespmem:v23+s19+$0x0], $0xffff;
	v0 =	vadd.f32 v1, v0;
	v1 =	vmul.f32 v26, v54  }
0x5f: {  	v29 =	vld.idx.msk [tilespmem:v23+s18+$0x0], $0xffff;
	v26 =	vor.u32 $0x16, v4  }
0x60: {  	v30 =	vld.idx.msk [tilespmem:v24+s19+$0x0], $0xffff;
	v0 =	vadd.f32 v1, v0;
	v1 =	vmul.f32 v28, v27  }
0x61: {  	v31 =	vld.idx.msk [tilespmem:v24+s18+$0x0], $0xffff;
	v27 =	vor.u32 $0x17, v4  }
0x62: {  	v0 =	vadd.f32 v1, v0;
	v1 =	vmul.f32 v3, v2;
	v2 =	vld.idx.msk [tilespmem:v25+s19+$0x0], $0xffff  }
0x63: {  	v28 =	vor.u32 $0x18, v4;
	v3 =	vld.idx.msk [tilespmem:v25+s18+$0x0], $0xffff  }
0x64: {  	v56 =	vld.idx.msk [tilespmem:v26+s19+$0x0], $0xffff;
	v0 =	vadd.f32 v1, v0;
	v1 =	vmul.f32 v29, v55  }
0x65: {  	v32 =	vld.idx.msk [tilespmem:v26+s18+$0x0], $0xffff;
	v29 =	vor.u32 $0x19, v4  }
0x66: {  	v33 =	vld.idx.msk [tilespmem:v27+s19+$0x0], $0xffff;
	v0 =	vadd.f32 v1, v0;
	v1 =	vmul.f32 v31, v30  }
0x67: {  	v34 =	vld.idx.msk [tilespmem:v27+s18+$0x0], $0xffff;
	v30 =	vor.u32 $0x1A, v4  }
0x68: {  	v0 =	vadd.f32 v1, v0;
	v1 =	vmul.f32 v3, v2;
	v2 =	vld.idx.msk [tilespmem:v28+s19+$0x0], $0xffff  }
0x69: {  	v31 =	vor.u32 $0x1B, v4;
	v3 =	vld.idx.msk [tilespmem:v28+s18+$0x0], $0xffff  }
0x6a: {  	v57 =	vld.idx.msk [tilespmem:v29+s19+$0x0], $0xffff;
	v0 =	vadd.f32 v1, v0;
	v1 =	vmul.f32 v32, v56  }
0x6b: {  	v35 =	vld.idx.msk [tilespmem:v29+s18+$0x0], $0xffff;
	v32 =	vor.u32 $0x1C, v4  }
0x6c: {  	v36 =	vld.idx.msk [tilespmem:v30+s19+$0x0], $0xffff;
	v0 =	vadd.f32 v1, v0;
	v1 =	vmul.f32 v34, v33  }
0x6d: {  	v37 =	vld.idx.msk [tilespmem:v30+s18+$0x0], $0xffff;
	v33 =	vor.u32 $0x1D, v4  }
0x6e: {  	v0 =	vadd.f32 v1, v0;
	v1 =	vmul.f32 v3, v2;
	v2 =	vld.idx.msk [tilespmem:v31+s19+$0x0], $0xffff  }
0x6f: {  	v34 =	vor.u32 $0x1E, v4;
	v3 =	vld.idx.msk [tilespmem:v31+s18+$0x0], $0xffff  }
0x70: {  	v58 =	vld.idx.msk [tilespmem:v32+s19+$0x0], $0xffff;
	v0 =	vadd.f32 v1, v0;
	v1 =	vmul.f32 v35, v57  }
0x71: {  	v38 =	vld.idx.msk [tilespmem:v32+s18+$0x0], $0xffff;
	v35 =	vor.u32 $0x1F, v4  }
0x72: {  	v39 =	vld.idx.msk [tilespmem:v33+s19+$0x0], $0xffff;
	v0 =	vadd.f32 v1, v0;
	v1 =	vmul.f32 v37, v36  }
0x73: {  	v40 =	vld.idx.msk [tilespmem:v33+s18+$0x0], $0xffff;
	v36 =	vor.u32 $0x20, v4  }
0x74: {  	v0 =	vadd.f32 v1, v0;
	v1 =	vmul.f32 v3, v2;
	v2 =	vld.idx.msk [tilespmem:v34+s19+$0x0], $0xffff  }
0x75: {  	v37 =	vor.u32 $0x21, v4;
	v3 =	vld.idx.msk [tilespmem:v34+s18+$0x0], $0xffff  }
0x76: {  	v59 =	vld.idx.msk [tilespmem:v35+s19+$0x0], $0xffff;
	v0 =	vadd.f32 v1, v0;
	v1 =	vmul.f32 v38, v58  }
0x77: {  	v41 =	vld.idx.msk [tilespmem:v35+s18+$0x0], $0xffff;
	v38 =	vor.u32 $0x22, v4  }
0x78: {  	v42 =	vld.idx.msk [tilespmem:v36+s19+$0x0], $0xffff;
	v0 =	vadd.f32 v1, v0;
	v1 =	vmul.f32 v40, v39  }
0x79: {  	v43 =	vld.idx.msk [tilespmem:v36+s18+$0x0], $0xffff;
	v39 =	vor.u32 $0x23, v4  }
0x7a: {  	v0 =	vadd.f32 v1, v0;
	v1 =	vmul.f32 v3, v2;
	v2 =	vld.idx.msk [tilespmem:v37+s19+$0x0], $0xffff  }
0x7b: {  	v40 =	vor.u32 $0x24, v4;
	v3 =	vld.idx.msk [tilespmem:v37+s18+$0x0], $0xffff  }
0x7c: {  	v60 =	vld.idx.msk [tilespmem:v38+s19+$0x0], $0xffff;
	v0 =	vadd.f32 v1, v0;
	v1 =	vmul.f32 v41, v59  }
0x7d: {  	v44 =	vld.idx.msk [tilespmem:v38+s18+$0x0], $0xffff;
	v41 =	vor.u32 $0x25, v4  }
0x7e: {  	[tilespmem:$0x1FF90] =	vst v45;
	v45 =	vld.idx.msk [tilespmem:v39+s19+$0x0], $0xffff;
	v0 =	vadd.f32 v1, v0;
	v1 =	vmul.f32 v43, v42  }
0x7f: {  	[tilespmem:$0x1FFA0] =	vst v46;
	v46 =	vld.idx.msk [tilespmem:v39+s18+$0x0], $0xffff;
	v42 =	vor.u32 $0x26, v4  }
0x80: {  	v0 =	vadd.f32 v1, v0;
	v1 =	vmul.f32 v3, v2;
	v2 =	vld.idx.msk [tilespmem:v40+s19+$0x0], $0xffff  }
0x81: {  	v43 =	vor.u32 $0x27, v4;
	v3 =	vld.idx.msk [tilespmem:v40+s18+$0x0], $0xffff  }
0x82: {  	v61 =	vld.idx.msk [tilespmem:v41+s19+$0x0], $0xffff;
	v0 =	vadd.f32 v1, v0;
	v1 =	vmul.f32 v44, v60  }
0x83: {  	[tilespmem:$0x1FFB0] =	vst v47;
	v47 =	vld.idx.msk [tilespmem:v41+s18+$0x0], $0xffff;
	v44 =	vor.u32 $0x28, v4  }
0x84: {  	v48 =	vld.idx.msk [tilespmem:v42+s19+$0x0], $0xffff;
	v0 =	vadd.f32 v1, v0;
	v1 =	vmul.f32 v46, v45  }
0x85: {  	[tilespmem:$0x1FFC0] =	vst v49;
	v49 =	vld.idx.msk [tilespmem:v42+s18+$0x0], $0xffff;
	v45 =	vor.u32 $0x29, v4  }
0x86: {  	v0 =	vadd.f32 v1, v0;
	v1 =	vmul.f32 v3, v2;
	v2 =	vld.idx.msk [tilespmem:v43+s19+$0x0], $0xffff  }
0x87: {  	v46 =	vor.u32 $0x2A, v4;
	v3 =	vld.idx.msk [tilespmem:v43+s18+$0x0], $0xffff  }
0x88: {  	v62 =	vld.idx.msk [tilespmem:v44+s19+$0x0], $0xffff;
	v0 =	vadd.f32 v1, v0;
	v1 =	vmul.f32 v47, v61  }
0x89: {  	[tilespmem:$0x1FFD0] =	vst v50;
	v50 =	vld.idx.msk [tilespmem:v44+s18+$0x0], $0xffff;
	v47 =	vor.u32 $0x2B, v4  }
0x8a: {  	v51 =	vld.idx.msk [tilespmem:v45+s19+$0x0], $0xffff;
	v0 =	vadd.f32 v1, v0;
	v1 =	vmul.f32 v49, v48  }
0x8b: {  	v52 =	vld.idx.msk [tilespmem:v45+s18+$0x0], $0xffff;
	v48 =	vor.u32 $0x2C, v4  }
0x8c: {  	v0 =	vadd.f32 v1, v0;
	v1 =	vmul.f32 v3, v2;
	v2 =	vld.idx.msk [tilespmem:v46+s19+$0x0], $0xffff  }
0x8d: {  	v49 =	vor.u32 $0x2D, v4;
	v3 =	vld.idx.msk [tilespmem:v46+s18+$0x0], $0xffff  }
0x8e: {  	v63 =	vld.idx.msk [tilespmem:v47+s19+$0x0], $0xffff;
	v0 =	vadd.f32 v1, v0;
	v1 =	vmul.f32 v50, v62  }
0x8f: {  	v53 =	vld.idx.msk [tilespmem:v47+s18+$0x0], $0xffff;
	v50 =	vor.u32 $0x2E, v4  }
0x90: {  	v54 =	vld.idx.msk [tilespmem:v48+s19+$0x0], $0xffff;
	v0 =	vadd.f32 v1, v0;
	v1 =	vmul.f32 v52, v51  }
0x91: {  	v55 =	vld.idx.msk [tilespmem:v48+s18+$0x0], $0xffff;
	v51 =	vor.u32 $0x2F, v4  }
0x92: {  	v0 =	vadd.f32 v1, v0;
	v1 =	vmul.f32 v3, v2;
	v2 =	vld.idx.msk [tilespmem:v49+s19+$0x0], $0xffff  }
0x93: {  	v52 =	vor.u32 $0x30, v4;
	v3 =	vld.idx.msk [tilespmem:v49+s18+$0x0], $0xffff  }
0x94: {  	[tilespmem:$0x1FF70] =	vst v8;
	v8 =	vld.idx.msk [tilespmem:v50+s19+$0x0], $0xffff;
	v0 =	vadd.f32 v1, v0;
	v1 =	vmul.f32 v53, v63  }
0x95: {  	v56 =	vld.idx.msk [tilespmem:v50+s18+$0x0], $0xffff;
	v53 =	vor.u32 $0x31, v4  }
0x96: {  	v57 =	vld.idx.msk [tilespmem:v51+s19+$0x0], $0xffff;
	v0 =	vadd.f32 v1, v0;
	v1 =	vmul.f32 v55, v54  }
0x97: {  	v58 =	vld.idx.msk [tilespmem:v51+s18+$0x0], $0xffff;
	v54 =	vor.u32 $0x32, v4  }
0x98: {  	v0 =	vadd.f32 v1, v0;
	v1 =	vmul.f32 v3, v2;
	v2 =	vld.idx.msk [tilespmem:v52+s19+$0x0], $0xffff  }
0x99: {  	v55 =	vor.u32 $0x33, v4;
	v3 =	vld.idx.msk [tilespmem:v52+s18+$0x0], $0xffff  }
0x9a: {  	[tilespmem:$0x1FF80] =	vst v9;
	v9 =	vld.idx.msk [tilespmem:v53+s19+$0x0], $0xffff;
	v0 =	vadd.f32 v1, v0;
	v1 =	vmul.f32 v56, v8  }
0x9b: {  	v59 =	vld.idx.msk [tilespmem:v53+s18+$0x0], $0xffff;
	v56 =	vor.u32 $0x34, v4  }
0x9c: {  	v60 =	vld.idx.msk [tilespmem:v54+s19+$0x0], $0xffff;
	v0 =	vadd.f32 v1, v0;
	v1 =	vmul.f32 v58, v57  }
0x9d: {  	v61 =	vld.idx.msk [tilespmem:v54+s18+$0x0], $0xffff;
	v57 =	vor.u32 $0x35, v4  }
0x9e: {  	v10 =	vld.idx.msk [tilespmem:v55+s19+$0x0], $0xffff;
	v0 =	vadd.f32 v1, v0;
	v1 =	vmul.f32 v3, v2  }
0x9f: {  	v58 =	vor.u32 $0x36, v4;
	v3 =	vld.idx.msk [tilespmem:v55+s18+$0x0], $0xffff  }
0xa0: {  	v11 =	vld.idx.msk [tilespmem:v56+s19+$0x0], $0xffff;
	v0 =	vadd.f32 v1, v0;
	v1 =	vmul.f32 v59, v9  }
0xa1: {  	v62 =	vld.idx.msk [tilespmem:v56+s18+$0x0], $0xffff;
	v59 =	vor.u32 $0x37, v4  }
0xa2: {  	v63 =	vld.idx.msk [tilespmem:v57+s19+$0x0], $0xffff;
	v0 =	vadd.f32 v1, v0;
	v1 =	vmul.f32 v61, v60  }
0xa3: {  	v2 =	vld.idx.msk [tilespmem:v57+s18+$0x0], $0xffff;
	v60 =	vor.u32 $0x38, v4  }
0xa4: {  	[tilespmem:$0x1FF60] =	vst v7;
	v7 =	vld.idx.msk [tilespmem:v58+s19+$0x0], $0xffff;
	v0 =	vadd.f32 v1, v0;
	v1 =	vmul.f32 v3, v10  }
0xa5: {  	v12 =	vld.idx.msk [tilespmem:v58+s18+$0x0], $0xffff;
	v61 =	vor.u32 $0x39, v4  }
0xa6: {  	v9 =	vld.idx.msk [tilespmem:v59+s19+$0x0], $0xffff;
	v0 =	vadd.f32 v1, v0;
	v1 =	vmul.f32 v62, v11  }
0xa7: {  	v3 =	vld.idx.msk [tilespmem:v59+s18+$0x0], $0xffff;
	v62 =	vor.u32 $0x3A, v4  }
0xa8: {  	v8 =	vld.idx.msk [tilespmem:v60+s19+$0x0], $0xffff;
	v0 =	vadd.f32 v1, v0;
	v1 =	vmul.f32 v2, v63  }
0xa9: {  	v2 =	vld.idx.msk [tilespmem:v60+s18+$0x0], $0xffff;
	v63 =	vor.u32 $0x3B, v4  }
0xaa: {  	v5 =	vld.idx.msk [tilespmem:v61+s18+$0x0], $0xffff;
	v0 =	vadd.f32 v1, v0;
	v1 =	vmul.f32 v12, v7  }
0xab: {  	v7 =	vld.idx.msk [tilespmem:v61+s19+$0x0], $0xffff;
	v12 =	vor.u32 $0x3C, v4  }
0xac: {  	v0 =	vadd.f32 v1, v0;
	v1 =	vmul.f32 v3, v9;
	v9 =	vld.idx.msk [tilespmem:v62+s19+$0x0], $0xffff  }
0xad: {  	v11 =	vor.u32 $0x3D, v4;
	v3 =	vld.idx.msk [tilespmem:v62+s18+$0x0], $0xffff  }
0xae: {  	v0 =	vadd.f32 v1, v0;
	v1 =	vmul.f32 v2, v8;
	v8 =	vld.idx.msk [tilespmem:v63+s19+$0x0], $0xffff  }
0xaf: {  	v10 =	vor.u32 $0x3E, v4;
	v2 =	vld.idx.msk [tilespmem:v63+s18+$0x0], $0xffff  }
0xb0: {  	v5 =	vmul.f32 v5, v7;
	v7 =	vld.idx.msk [tilespmem:v12+s19+$0x0], $0xffff;
	v0 =	vadd.f32 v1, v0  }
0xb1: {  	[tilespmem:$0x1FFE0] =	vst v6;
	v6 =	vor.u32 $0x3F, v4;
	v1 =	vld.idx.msk [tilespmem:v12+s18+$0x0], $0xffff  }
0xb2: {  	v3 =	vmul.f32 v3, v9;
	v9 =	vld.idx.msk [tilespmem:v11+s18+$0x0], $0xffff;
	v0 =	vadd.f32 v5, v0  }
0xb3: {  	v5 =	vld.idx.msk [tilespmem:v11+s19+$0x0], $0xffff  }
0xb4: {  	v2 =	vmul.f32 v2, v8;
	v8 =	vld.idx.msk [tilespmem:v10+s18+$0x0], $0xffff;
	v0 =	vadd.f32 v3, v0  }
0xb5: {  	v3 =	vld.idx.msk [tilespmem:v10+s19+$0x0], $0xffff  }
0xb6: {  	v1 =	vmul.f32 v1, v7;
	v7 =	vld.idx.msk [tilespmem:v6+s18+$0x0], $0xffff;
	v0 =	vadd.f32 v2, v0  }
0xb7: {  	v2 =	vld.idx.msk [tilespmem:v6+s19+$0x0], $0xffff  }
0xb8: {  	v0 =	vadd.f32 v1, v0;
	v1 =	vmul.f32 v9, v5;
	_ =	sdelay $0x1  }
0xb9: {  	v0 =	vadd.f32 v1, v0;
	v1 =	vmul.f32 v8, v3;
	_ =	sdelay $0x1  }
0xba: {  	v0 =	vadd.f32 v1, v0;
	v1 =	vmul.f32 v7, v2;
	_ =	sdelay $0x1  }
0xbb: {  	v0 =	vadd.f32 v1, v0  }
0xbc: {  	v5 =	vld [tilespmem:$0x1FF40]  }
0xbd: {  	v0 =	vmul.f32 $1.442695020e+00, v0;
	_ =	sdelay $0x1  }
0xbe: {  	(erf) = vpow2.f32 v0;
	_ =	sdelay $0x3  }
0xbf: {  	v3 =	vld [tilespmem:$0x1FF50]  }
0xc0: {  	v1 =	vld.idx.msk [tilespmem:v5+s18+$0x0], $0xffff;
	_ =	sdelay $0x3  }
0xc1: {  	v0 =	vpop (erf)  }
0xc2: {  	v1 =	vmul.f32 v0, v1;
	_ =	sdelay $0x1  }
0xc3: {  	v9 =	vld [tilespmem:$0x1FF60];
	[tilespmem:v4+s22+$0x0] =	vst.idx.msk $0xffff, v1  }
0xc4: {  	v1 =	vld.idx.msk [tilespmem:v3+s18+$0x0], $0xffff;
	_ =	sdelay $0x2  }
0xc5: {  	v2 =	vor.u32 $0x42, v4;
	_ =	sdelay $0x1  }
0xc6: {  	v1 =	vmul.f32 v0, v1;
	_ =	sdelay $0x1  }
0xc7: {  	[tilespmem:v9+s22+$0x0] =	vst.idx.msk $0xffff, v1;
	v9 =	vld [tilespmem:$0x1FF70]  }
0xc8: {  	v1 =	vld.idx.msk [tilespmem:v2+s18+$0x0], $0xffff;
	_ =	sdelay $0x2  }
0xc9: {  	v2 =	vor.u32 $0x43, v4;
	_ =	sdelay $0x1  }
0xca: {  	v1 =	vmul.f32 v1, v0;
	_ =	sdelay $0x1  }
0xcb: {  	[tilespmem:v9+s22+$0x0] =	vst.idx.msk $0xffff, v1;
	v9 =	vld [tilespmem:$0x1FF80]  }
0xcc: {  	v1 =	vld.idx.msk [tilespmem:v2+s18+$0x0], $0xffff;
	_ =	sdelay $0x2  }
0xcd: {  	v2 =	vor.u32 $0x44, v4;
	_ =	sdelay $0x1  }
0xce: {  	v1 =	vmul.f32 v1, v0;
	_ =	sdelay $0x1  }
0xcf: {  	[tilespmem:v9+s22+$0x0] =	vst.idx.msk $0xffff, v1;
	v9 =	vld [tilespmem:$0x1FF90]  }
0xd0: {  	v1 =	vld.idx.msk [tilespmem:v2+s18+$0x0], $0xffff;
	_ =	sdelay $0x2  }
0xd1: {  	v2 =	vor.u32 $0x45, v4;
	_ =	sdelay $0x1  }
0xd2: {  	v1 =	vmul.f32 v1, v0;
	_ =	sdelay $0x1  }
0xd3: {  	[tilespmem:v9+s22+$0x0] =	vst.idx.msk $0xffff, v1;
	v9 =	vld [tilespmem:$0x1FFA0]  }
0xd4: {  	v1 =	vld.idx.msk [tilespmem:v2+s18+$0x0], $0xffff;
	_ =	sdelay $0x2  }
0xd5: {  	v2 =	vor.u32 $0x46, v4;
	_ =	sdelay $0x1  }
0xd6: {  	v1 =	vmul.f32 v1, v0;
	_ =	sdelay $0x1  }
0xd7: {  	[tilespmem:v9+s22+$0x0] =	vst.idx.msk $0xffff, v1;
	v9 =	vld [tilespmem:$0x1FFB0]  }
0xd8: {  	v1 =	vld.idx.msk [tilespmem:v2+s18+$0x0], $0xffff;
	_ =	sdelay $0x2  }
0xd9: {  	v2 =	vor.u32 $0x47, v4;
	_ =	sdelay $0x1  }
0xda: {  	v1 =	vmul.f32 v1, v0;
	_ =	sdelay $0x1  }
0xdb: {  	[tilespmem:v9+s22+$0x0] =	vst.idx.msk $0xffff, v1;
	v9 =	vld [tilespmem:$0x1FFC0]  }
0xdc: {  	v1 =	vld.idx.msk [tilespmem:v2+s18+$0x0], $0xffff;
	_ =	sdelay $0x2  }
0xdd: {  	v2 =	vor.u32 $0x48, v4;
	_ =	sdelay $0x1  }
0xde: {  	v1 =	vmul.f32 v1, v0;
	_ =	sdelay $0x1  }
0xdf: {  	[tilespmem:v9+s22+$0x0] =	vst.idx.msk $0xffff, v1;
	v9 =	vld [tilespmem:$0x1FFD0]  }
0xe0: {  	v1 =	vld.idx.msk [tilespmem:v2+s18+$0x0], $0xffff;
	_ =	sdelay $0x2  }
0xe1: {  	v2 =	vor.u32 $0x49, v4;
	_ =	sdelay $0x1  }
0xe2: {  	v1 =	vmul.f32 v1, v0;
	_ =	sdelay $0x1  }
0xe3: {  	[tilespmem:v9+s22+$0x0] =	vst.idx.msk $0xffff, v1  }
0xe4: {  	v1 =	vld.idx.msk [tilespmem:v2+s18+$0x0], $0xffff;
	_ =	sdelay $0x2  }
0xe5: {  	v2 =	vor.u32 $0x4A, v4;
	_ =	sdelay $0x1  }
0xe6: {  	v1 =	vmul.f32 v1, v0;
	_ =	sdelay $0x1  }
0xe7: {  	[tilespmem:v13+s22+$0x0] =	vst.idx.msk $0xffff, v1  }
0xe8: {  	v1 =	vld.idx.msk [tilespmem:v2+s18+$0x0], $0xffff;
	_ =	sdelay $0x2  }
0xe9: {  	v2 =	vor.u32 $0x4B, v4;
	_ =	sdelay $0x1  }
0xea: {  	v1 =	vmul.f32 v1, v0;
	_ =	sdelay $0x1  }
0xeb: {  	[tilespmem:v14+s22+$0x0] =	vst.idx.msk $0xffff, v1  }
0xec: {  	v1 =	vld.idx.msk [tilespmem:v2+s18+$0x0], $0xffff;
	_ =	sdelay $0x2  }
0xed: {  	v2 =	vor.u32 $0x4C, v4;
	_ =	sdelay $0x1  }
0xee: {  	v1 =	vmul.f32 v1, v0;
	_ =	sdelay $0x1  }
0xef: {  	[tilespmem:v15+s22+$0x0] =	vst.idx.msk $0xffff, v1  }
0xf0: {  	v1 =	vld.idx.msk [tilespmem:v2+s18+$0x0], $0xffff;
	_ =	sdelay $0x2  }
0xf1: {  	v2 =	vor.u32 $0x4D, v4;
	_ =	sdelay $0x1  }
0xf2: {  	v1 =	vmul.f32 v1, v0;
	_ =	sdelay $0x1  }
0xf3: {  	[tilespmem:v16+s22+$0x0] =	vst.idx.msk $0xffff, v1  }
0xf4: {  	v1 =	vld.idx.msk [tilespmem:v2+s18+$0x0], $0xffff;
	_ =	sdelay $0x2  }
0xf5: {  	v2 =	vor.u32 $0x4E, v4;
	_ =	sdelay $0x1  }
0xf6: {  	v1 =	vmul.f32 v1, v0;
	_ =	sdelay $0x1  }
0xf7: {  	[tilespmem:v17+s22+$0x0] =	vst.idx.msk $0xffff, v1  }
0xf8: {  	v1 =	vld.idx.msk [tilespmem:v2+s18+$0x0], $0xffff;
	_ =	sdelay $0x2  }
0xf9: {  	v2 =	vor.u32 $0x4F, v4;
	_ =	sdelay $0x1  }
0xfa: {  	v1 =	vmul.f32 v1, v0;
	_ =	sdelay $0x1  }
0xfb: {  	[tilespmem:v18+s22+$0x0] =	vst.idx.msk $0xffff, v1  }
0xfc: {  	v1 =	vld.idx.msk [tilespmem:v2+s18+$0x0], $0xffff;
	_ =	sdelay $0x2  }
0xfd: {  	v2 =	vor.u32 $0x50, v4;
	_ =	sdelay $0x1  }
0xfe: {  	v1 =	vmul.f32 v1, v0;
	_ =	sdelay $0x1  }
0xff: {  	[tilespmem:v19+s22+$0x0] =	vst.idx.msk $0xffff, v1  }
0x100: {  	v1 =	vld.idx.msk [tilespmem:v2+s18+$0x0], $0xffff;
	_ =	sdelay $0x2  }
0x101: {  	v2 =	vor.u32 $0x51, v4;
	_ =	sdelay $0x1  }
0x102: {  	v1 =	vmul.f32 v1, v0;
	_ =	sdelay $0x1  }
0x103: {  	[tilespmem:v20+s22+$0x0] =	vst.idx.msk $0xffff, v1  }
0x104: {  	v1 =	vld.idx.msk [tilespmem:v2+s18+$0x0], $0xffff;
	_ =	sdelay $0x2  }
0x105: {  	v2 =	vor.u32 $0x52, v4;
	_ =	sdelay $0x1  }
0x106: {  	v1 =	vmul.f32 v1, v0;
	_ =	sdelay $0x1  }
0x107: {  	[tilespmem:v21+s22+$0x0] =	vst.idx.msk $0xffff, v1  }
0x108: {  	v1 =	vld.idx.msk [tilespmem:v2+s18+$0x0], $0xffff;
	_ =	sdelay $0x2  }
0x109: {  	v2 =	vor.u32 $0x53, v4;
	_ =	sdelay $0x1  }
0x10a: {  	v1 =	vmul.f32 v1, v0;
	_ =	sdelay $0x1  }
0x10b: {  	[tilespmem:v22+s22+$0x0] =	vst.idx.msk $0xffff, v1  }
0x10c: {  	v1 =	vld.idx.msk [tilespmem:v2+s18+$0x0], $0xffff;
	_ =	sdelay $0x2  }
0x10d: {  	v2 =	vor.u32 $0x54, v4;
	_ =	sdelay $0x1  }
0x10e: {  	v1 =	vmul.f32 v1, v0;
	_ =	sdelay $0x1  }
0x10f: {  	[tilespmem:v23+s22+$0x0] =	vst.idx.msk $0xffff, v1  }
0x110: {  	v1 =	vld.idx.msk [tilespmem:v2+s18+$0x0], $0xffff;
	_ =	sdelay $0x2  }
0x111: {  	v2 =	vor.u32 $0x55, v4;
	_ =	sdelay $0x1  }
0x112: {  	v1 =	vmul.f32 v1, v0;
	_ =	sdelay $0x1  }
0x113: {  	[tilespmem:v24+s22+$0x0] =	vst.idx.msk $0xffff, v1  }
0x114: {  	v1 =	vld.idx.msk [tilespmem:v2+s18+$0x0], $0xffff;
	_ =	sdelay $0x2  }
0x115: {  	v2 =	vor.u32 $0x56, v4;
	_ =	sdelay $0x1  }
0x116: {  	v1 =	vmul.f32 v1, v0;
	_ =	sdelay $0x1  }
0x117: {  	[tilespmem:v25+s22+$0x0] =	vst.idx.msk $0xffff, v1  }
0x118: {  	v1 =	vld.idx.msk [tilespmem:v2+s18+$0x0], $0xffff;
	_ =	sdelay $0x2  }
0x119: {  	v2 =	vor.u32 $0x57, v4;
	_ =	sdelay $0x1  }
0x11a: {  	v1 =	vmul.f32 v1, v0;
	_ =	sdelay $0x1  }
0x11b: {  	[tilespmem:v26+s22+$0x0] =	vst.idx.msk $0xffff, v1  }
0x11c: {  	v1 =	vld.idx.msk [tilespmem:v2+s18+$0x0], $0xffff;
	_ =	sdelay $0x2  }
0x11d: {  	v2 =	vor.u32 $0x58, v4;
	_ =	sdelay $0x1  }
0x11e: {  	v1 =	vmul.f32 v1, v0;
	_ =	sdelay $0x1  }
0x11f: {  	[tilespmem:v27+s22+$0x0] =	vst.idx.msk $0xffff, v1  }
0x120: {  	v1 =	vld.idx.msk [tilespmem:v2+s18+$0x0], $0xffff;
	_ =	sdelay $0x2  }
0x121: {  	v2 =	vor.u32 $0x59, v4;
	_ =	sdelay $0x1  }
0x122: {  	v1 =	vmul.f32 v1, v0;
	_ =	sdelay $0x1  }
0x123: {  	[tilespmem:v28+s22+$0x0] =	vst.idx.msk $0xffff, v1  }
0x124: {  	v1 =	vld.idx.msk [tilespmem:v2+s18+$0x0], $0xffff;
	_ =	sdelay $0x2  }
0x125: {  	v2 =	vor.u32 $0x5A, v4;
	_ =	sdelay $0x1  }
0x126: {  	v1 =	vmul.f32 v1, v0;
	_ =	sdelay $0x1  }
0x127: {  	[tilespmem:v29+s22+$0x0] =	vst.idx.msk $0xffff, v1  }
0x128: {  	v1 =	vld.idx.msk [tilespmem:v2+s18+$0x0], $0xffff;
	_ =	sdelay $0x2  }
0x129: {  	v2 =	vor.u32 $0x5B, v4;
	_ =	sdelay $0x1  }
0x12a: {  	v1 =	vmul.f32 v1, v0;
	_ =	sdelay $0x1  }
0x12b: {  	[tilespmem:v30+s22+$0x0] =	vst.idx.msk $0xffff, v1  }
0x12c: {  	v1 =	vld.idx.msk [tilespmem:v2+s18+$0x0], $0xffff;
	_ =	sdelay $0x2  }
0x12d: {  	v2 =	vor.u32 $0x5C, v4;
	_ =	sdelay $0x1  }
0x12e: {  	v1 =	vmul.f32 v1, v0;
	_ =	sdelay $0x1  }
0x12f: {  	[tilespmem:v31+s22+$0x0] =	vst.idx.msk $0xffff, v1  }
0x130: {  	v1 =	vld.idx.msk [tilespmem:v2+s18+$0x0], $0xffff;
	_ =	sdelay $0x2  }
0x131: {  	v2 =	vor.u32 $0x5D, v4;
	_ =	sdelay $0x1  }
0x132: {  	v1 =	vmul.f32 v1, v0;
	_ =	sdelay $0x1  }
0x133: {  	[tilespmem:v32+s22+$0x0] =	vst.idx.msk $0xffff, v1  }
0x134: {  	v1 =	vld.idx.msk [tilespmem:v2+s18+$0x0], $0xffff;
	_ =	sdelay $0x2  }
0x135: {  	v2 =	vor.u32 $0x5E, v4;
	_ =	sdelay $0x1  }
0x136: {  	v1 =	vmul.f32 v1, v0;
	_ =	sdelay $0x1  }
0x137: {  	[tilespmem:v33+s22+$0x0] =	vst.idx.msk $0xffff, v1  }
0x138: {  	v1 =	vld.idx.msk [tilespmem:v2+s18+$0x0], $0xffff;
	_ =	sdelay $0x2  }
0x139: {  	v2 =	vor.u32 $0x5F, v4;
	_ =	sdelay $0x1  }
0x13a: {  	v1 =	vmul.f32 v1, v0;
	_ =	sdelay $0x1  }
0x13b: {  	[tilespmem:v34+s22+$0x0] =	vst.idx.msk $0xffff, v1  }
0x13c: {  	v1 =	vld.idx.msk [tilespmem:v2+s18+$0x0], $0xffff;
	_ =	sdelay $0x2  }
0x13d: {  	v2 =	vor.u32 $0x60, v4;
	_ =	sdelay $0x1  }
0x13e: {  	v1 =	vmul.f32 v1, v0;
	_ =	sdelay $0x1  }
0x13f: {  	[tilespmem:v35+s22+$0x0] =	vst.idx.msk $0xffff, v1  }
0x140: {  	v1 =	vld.idx.msk [tilespmem:v2+s18+$0x0], $0xffff;
	_ =	sdelay $0x2  }
0x141: {  	v2 =	vor.u32 $0x61, v4;
	_ =	sdelay $0x1  }
0x142: {  	v1 =	vmul.f32 v1, v0;
	_ =	sdelay $0x1  }
0x143: {  	[tilespmem:v36+s22+$0x0] =	vst.idx.msk $0xffff, v1  }
0x144: {  	v1 =	vld.idx.msk [tilespmem:v2+s18+$0x0], $0xffff;
	_ =	sdelay $0x2  }
0x145: {  	v2 =	vor.u32 $0x62, v4;
	_ =	sdelay $0x1  }
0x146: {  	v1 =	vmul.f32 v1, v0;
	_ =	sdelay $0x1  }
0x147: {  	[tilespmem:v37+s22+$0x0] =	vst.idx.msk $0xffff, v1  }
0x148: {  	v1 =	vld.idx.msk [tilespmem:v2+s18+$0x0], $0xffff;
	_ =	sdelay $0x2  }
0x149: {  	v2 =	vor.u32 $0x63, v4;
	_ =	sdelay $0x1  }
0x14a: {  	v1 =	vmul.f32 v1, v0;
	_ =	sdelay $0x1  }
0x14b: {  	[tilespmem:v38+s22+$0x0] =	vst.idx.msk $0xffff, v1  }
0x14c: {  	v1 =	vld.idx.msk [tilespmem:v2+s18+$0x0], $0xffff;
	_ =	sdelay $0x2  }
0x14d: {  	v2 =	vor.u32 $0x64, v4;
	_ =	sdelay $0x1  }
0x14e: {  	v1 =	vmul.f32 v1, v0;
	_ =	sdelay $0x1  }
0x14f: {  	[tilespmem:v39+s22+$0x0] =	vst.idx.msk $0xffff, v1  }
0x150: {  	v1 =	vld.idx.msk [tilespmem:v2+s18+$0x0], $0xffff;
	_ =	sdelay $0x2  }
0x151: {  	v2 =	vor.u32 $0x65, v4;
	_ =	sdelay $0x1  }
0x152: {  	v1 =	vmul.f32 v1, v0;
	_ =	sdelay $0x1  }
0x153: {  	[tilespmem:v40+s22+$0x0] =	vst.idx.msk $0xffff, v1  }
0x154: {  	v1 =	vld.idx.msk [tilespmem:v2+s18+$0x0], $0xffff;
	_ =	sdelay $0x2  }
0x155: {  	v2 =	vor.u32 $0x66, v4;
	_ =	sdelay $0x1  }
0x156: {  	v1 =	vmul.f32 v1, v0;
	_ =	sdelay $0x1  }
0x157: {  	[tilespmem:v41+s22+$0x0] =	vst.idx.msk $0xffff, v1  }
0x158: {  	v1 =	vld.idx.msk [tilespmem:v2+s18+$0x0], $0xffff;
	_ =	sdelay $0x2  }
0x159: {  	v2 =	vor.u32 $0x67, v4;
	_ =	sdelay $0x1  }
0x15a: {  	v1 =	vmul.f32 v1, v0;
	_ =	sdelay $0x1  }
0x15b: {  	[tilespmem:v42+s22+$0x0] =	vst.idx.msk $0xffff, v1  }
0x15c: {  	v1 =	vld.idx.msk [tilespmem:v2+s18+$0x0], $0xffff;
	_ =	sdelay $0x2  }
0x15d: {  	v2 =	vor.u32 $0x68, v4;
	_ =	sdelay $0x1  }
0x15e: {  	v1 =	vmul.f32 v1, v0;
	_ =	sdelay $0x1  }
0x15f: {  	[tilespmem:v43+s22+$0x0] =	vst.idx.msk $0xffff, v1  }
0x160: {  	v1 =	vld.idx.msk [tilespmem:v2+s18+$0x0], $0xffff;
	_ =	sdelay $0x2  }
0x161: {  	v2 =	vor.u32 $0x69, v4;
	_ =	sdelay $0x1  }
0x162: {  	v1 =	vmul.f32 v1, v0;
	_ =	sdelay $0x1  }
0x163: {  	[tilespmem:v44+s22+$0x0] =	vst.idx.msk $0xffff, v1  }
0x164: {  	v1 =	vld.idx.msk [tilespmem:v2+s18+$0x0], $0xffff;
	_ =	sdelay $0x2  }
0x165: {  	v2 =	vor.u32 $0x6A, v4;
	_ =	sdelay $0x1  }
0x166: {  	v1 =	vmul.f32 v1, v0;
	_ =	sdelay $0x1  }
0x167: {  	[tilespmem:v45+s22+$0x0] =	vst.idx.msk $0xffff, v1  }
0x168: {  	v1 =	vld.idx.msk [tilespmem:v2+s18+$0x0], $0xffff;
	_ =	sdelay $0x2  }
0x169: {  	v2 =	vor.u32 $0x6B, v4;
	_ =	sdelay $0x1  }
0x16a: {  	v1 =	vmul.f32 v1, v0;
	_ =	sdelay $0x1  }
0x16b: {  	[tilespmem:v46+s22+$0x0] =	vst.idx.msk $0xffff, v1  }
0x16c: {  	v1 =	vld.idx.msk [tilespmem:v2+s18+$0x0], $0xffff;
	_ =	sdelay $0x2  }
0x16d: {  	v2 =	vor.u32 $0x6C, v4;
	_ =	sdelay $0x1  }
0x16e: {  	v1 =	vmul.f32 v1, v0;
	_ =	sdelay $0x1  }
0x16f: {  	[tilespmem:v47+s22+$0x0] =	vst.idx.msk $0xffff, v1  }
0x170: {  	v1 =	vld.idx.msk [tilespmem:v2+s18+$0x0], $0xffff;
	_ =	sdelay $0x2  }
0x171: {  	v2 =	vor.u32 $0x6D, v4;
	_ =	sdelay $0x1  }
0x172: {  	v1 =	vmul.f32 v1, v0;
	_ =	sdelay $0x1  }
0x173: {  	[tilespmem:v48+s22+$0x0] =	vst.idx.msk $0xffff, v1  }
0x174: {  	v1 =	vld.idx.msk [tilespmem:v2+s18+$0x0], $0xffff;
	_ =	sdelay $0x2  }
0x175: {  	v2 =	vor.u32 $0x6E, v4;
	_ =	sdelay $0x1  }
0x176: {  	v1 =	vmul.f32 v1, v0;
	_ =	sdelay $0x1  }
0x177: {  	[tilespmem:v49+s22+$0x0] =	vst.idx.msk $0xffff, v1  }
0x178: {  	v1 =	vld.idx.msk [tilespmem:v2+s18+$0x0], $0xffff;
	_ =	sdelay $0x2  }
0x179: {  	v2 =	vor.u32 $0x6F, v4;
	_ =	sdelay $0x1  }
0x17a: {  	v1 =	vmul.f32 v1, v0;
	_ =	sdelay $0x1  }
0x17b: {  	[tilespmem:v50+s22+$0x0] =	vst.idx.msk $0xffff, v1  }
0x17c: {  	v1 =	vld.idx.msk [tilespmem:v2+s18+$0x0], $0xffff;
	_ =	sdelay $0x2  }
0x17d: {  	v2 =	vor.u32 $0x70, v4;
	_ =	sdelay $0x1  }
0x17e: {  	v1 =	vmul.f32 v1, v0;
	_ =	sdelay $0x1  }
0x17f: {  	[tilespmem:v51+s22+$0x0] =	vst.idx.msk $0xffff, v1  }
0x180: {  	v1 =	vld.idx.msk [tilespmem:v2+s18+$0x0], $0xffff;
	_ =	sdelay $0x2  }
0x181: {  	v2 =	vor.u32 $0x71, v4;
	_ =	sdelay $0x1  }
0x182: {  	v1 =	vmul.f32 v1, v0;
	_ =	sdelay $0x1  }
0x183: {  	[tilespmem:v52+s22+$0x0] =	vst.idx.msk $0xffff, v1  }
0x184: {  	v1 =	vld.idx.msk [tilespmem:v2+s18+$0x0], $0xffff;
	_ =	sdelay $0x2  }
0x185: {  	v2 =	vor.u32 $0x72, v4;
	_ =	sdelay $0x1  }
0x186: {  	v1 =	vmul.f32 v1, v0;
	_ =	sdelay $0x1  }
0x187: {  	[tilespmem:v53+s22+$0x0] =	vst.idx.msk $0xffff, v1  }
0x188: {  	v1 =	vld.idx.msk [tilespmem:v2+s18+$0x0], $0xffff;
	_ =	sdelay $0x2  }
0x189: {  	v2 =	vor.u32 $0x73, v4;
	_ =	sdelay $0x1  }
0x18a: {  	v1 =	vmul.f32 v1, v0;
	_ =	sdelay $0x1  }
0x18b: {  	[tilespmem:v54+s22+$0x0] =	vst.idx.msk $0xffff, v1  }
0x18c: {  	v1 =	vld.idx.msk [tilespmem:v2+s18+$0x0], $0xffff;
	_ =	sdelay $0x2  }
0x18d: {  	v2 =	vor.u32 $0x74, v4;
	_ =	sdelay $0x1  }
0x18e: {  	v1 =	vmul.f32 v1, v0;
	_ =	sdelay $0x1  }
0x18f: {  	[tilespmem:v55+s22+$0x0] =	vst.idx.msk $0xffff, v1  }
0x190: {  	v1 =	vld.idx.msk [tilespmem:v2+s18+$0x0], $0xffff;
	_ =	sdelay $0x2  }
0x191: {  	v2 =	vor.u32 $0x75, v4;
	_ =	sdelay $0x1  }
0x192: {  	v1 =	vmul.f32 v1, v0;
	_ =	sdelay $0x1  }
0x193: {  	[tilespmem:v56+s22+$0x0] =	vst.idx.msk $0xffff, v1  }
0x194: {  	v1 =	vld.idx.msk [tilespmem:v2+s18+$0x0], $0xffff;
	_ =	sdelay $0x2  }
0x195: {  	v2 =	vor.u32 $0x76, v4;
	_ =	sdelay $0x1  }
0x196: {  	v1 =	vmul.f32 v1, v0;
	_ =	sdelay $0x1  }
0x197: {  	[tilespmem:v57+s22+$0x0] =	vst.idx.msk $0xffff, v1  }
0x198: {  	v1 =	vld.idx.msk [tilespmem:v2+s18+$0x0], $0xffff;
	_ =	sdelay $0x2  }
0x199: {  	v2 =	vor.u32 $0x77, v4;
	_ =	sdelay $0x1  }
0x19a: {  	v1 =	vmul.f32 v1, v0;
	_ =	sdelay $0x1  }
0x19b: {  	[tilespmem:v58+s22+$0x0] =	vst.idx.msk $0xffff, v1  }
0x19c: {  	v1 =	vld.idx.msk [tilespmem:v2+s18+$0x0], $0xffff;
	_ =	sdelay $0x2  }
0x19d: {  	v2 =	vor.u32 $0x78, v4;
	_ =	sdelay $0x1  }
0x19e: {  	v1 =	vmul.f32 v1, v0;
	_ =	sdelay $0x1  }
0x19f: {  	[tilespmem:v59+s22+$0x0] =	vst.idx.msk $0xffff, v1  }
0x1a0: {  	v1 =	vld.idx.msk [tilespmem:v2+s18+$0x0], $0xffff;
	_ =	sdelay $0x2  }
0x1a1: {  	v2 =	vor.u32 $0x79, v4;
	_ =	sdelay $0x1  }
0x1a2: {  	v1 =	vmul.f32 v1, v0;
	_ =	sdelay $0x1  }
0x1a3: {  	[tilespmem:v60+s22+$0x0] =	vst.idx.msk $0xffff, v1  }
0x1a4: {  	v1 =	vld.idx.msk [tilespmem:v2+s18+$0x0], $0xffff;
	_ =	sdelay $0x2  }
0x1a5: {  	v2 =	vor.u32 $0x7A, v4;
	_ =	sdelay $0x1  }
0x1a6: {  	v1 =	vmul.f32 v1, v0;
	_ =	sdelay $0x1  }
0x1a7: {  	[tilespmem:v61+s22+$0x0] =	vst.idx.msk $0xffff, v1  }
0x1a8: {  	v1 =	vld.idx.msk [tilespmem:v2+s18+$0x0], $0xffff;
	_ =	sdelay $0x2  }
0x1a9: {  	v2 =	vor.u32 $0x7B, v4;
	_ =	sdelay $0x1  }
0x1aa: {  	v1 =	vmul.f32 v1, v0;
	_ =	sdelay $0x1  }
0x1ab: {  	[tilespmem:v62+s22+$0x0] =	vst.idx.msk $0xffff, v1  }
0x1ac: {  	v1 =	vld.idx.msk [tilespmem:v2+s18+$0x0], $0xffff;
	_ =	sdelay $0x2  }
0x1ad: {  	v2 =	vor.u32 $0x7C, v4;
	_ =	sdelay $0x1  }
0x1ae: {  	v1 =	vmul.f32 v1, v0;
	_ =	sdelay $0x1  }
0x1af: {  	[tilespmem:v63+s22+$0x0] =	vst.idx.msk $0xffff, v1  }
0x1b0: {  	v1 =	vld.idx.msk [tilespmem:v2+s18+$0x0], $0xffff;
	_ =	sdelay $0x2  }
0x1b1: {  	v2 =	vor.u32 $0x7D, v4;
	_ =	sdelay $0x1  }
0x1b2: {  	v1 =	vmul.f32 v1, v0;
	_ =	sdelay $0x1  }
0x1b3: {  	[tilespmem:v12+s22+$0x0] =	vst.idx.msk $0xffff, v1  }
0x1b4: {  	v1 =	vld.idx.msk [tilespmem:v2+s18+$0x0], $0xffff;
	_ =	sdelay $0x2  }
0x1b5: {  	v2 =	vor.u32 $0x7E, v4;
	_ =	sdelay $0x1  }
0x1b6: {  	v1 =	vmul.f32 v1, v0;
	_ =	sdelay $0x1  }
0x1b7: {  	[tilespmem:v11+s22+$0x0] =	vst.idx.msk $0xffff, v1  }
0x1b8: {  	v1 =	vld.idx.msk [tilespmem:v2+s18+$0x0], $0xffff;
	_ =	sdelay $0x2  }
0x1b9: {  	v2 =	vor.u32 $0x7F, v4;
	_ =	sdelay $0x1  }
0x1ba: {  	v1 =	vmul.f32 v1, v0;
	_ =	sdelay $0x1  }
0x1bb: {  	[tilespmem:v10+s22+$0x0] =	vst.idx.msk $0xffff, v1  }
0x1bc: {  	v1 =	vld.idx.msk [tilespmem:v2+s18+$0x0], $0xffff;
	_ =	sdelay $0x4  }
0x1bd: {  	v1 =	vmul.f32 v1, v0;
	_ =	sdelay $0x1  }
0x1be: {  	[tilespmem:v6+s22+$0x0] =	vst.idx.msk $0xffff, v1;
	v1 =	vld [tilespmem:$0x1FFE0];
	_ =	sdelay $0x1  }
0x1bf: {  	p0 =	sne.s32 s24, $0x40  }
.Ltmp0:
0x1c0: {  	_ = 	snop;
	(pc) =	sbr.rel @p0 .LBB2_3-.Ltmp0, $4  }
0x1c1: {  	_ = 	snop  }
0x1c2: {  	v1 =	vmul.f32 v0, v1  }
0x1c3: {  	[tilespmem:v5+s22+$0x0] =	vst.idx.msk $0xffff, v0  }
0x1c4: {  	s25 =	sadd.s32 $0x10, s25;
	s24 =	sadd.s32 $0x10, s24;
	[tilespmem:v3+s22+$0x0] =	vst.idx.msk $0xffff, v1;
	v1 =	vld [tilespmem:$0x1FFF0]  }
0x1c5: {  	s23 =	sadd.s32 $0x1, s23  }
0x1c6: {  	p0 =	sne.s32 s23, $0x7D  }
.Ltmp1:
0x1c7: {  	_ = 	snop;
	(pc) =	sbr.rel @p0 .LBB2_2-.Ltmp1, $4  }
0x1c8: {  	[spmem:s1] =	stream.indirect.scatter.add.f32 [tilespmem:s22], [sflag:$0x3], $0x80, s16, s17, $0xb8;
	[tilespmem:$0x1B980] =	vst v63  }
0x1c9: {  	_ =	swait.ge [sflag:s15], $0x2800  }
0x1ca: {  	[sflag:s15] =	ssyncset.done $0x0  }
0x1cb: {  	[sflag:s15] =	ssyncadd.s32 $0xFFFFD800  }
0x1cc: {  	s3 =	sadd.s32 $0x1, s3  }
0x1cd: {  	p0 =	sne.s32 s3, s13  }
.Ltmp2:
0x1ce: {  	[bflag:$0x0] =	sbarrier.arrive $0xFFFF;
	(pc) =	sbr.rel @p0 .LBB2_1-.Ltmp2, $4  }
0x1cf: {  	[hbm:s12], [sflag:s10] =	dma.local [spmem:s14], $0x2800  }
0x1d0: {  	_ =	swait.ge [sflag:s15], $0x2800  }
0x1d1: {  	[sflag:s15] =	ssyncset.done $0x0  }
0x1d2: {  	[sflag:s15] =	ssyncadd.s32 $0xFFFFD800  }
0x1d3: {  	_ =	sfence.sel $0x180000  }
0x1d4: {  	[bflag:$0x0] =	sbarrier.arrive $0xFFFF  }
0x1d5: {  	p0 =	sne.s32 s2, $0x0;
	_ =	strace $0x9000004A  }
0x1d6: {  	s0 =	sadd.s32 @!p0 $0x100000, s0;
	[bflag:$0x2] =	sbarrier.arrive $0xFFFF  }
0x1d7: {  	[sflag:s0] =	ssyncadd.tile.s32 @!p0 $0x1;
	_ =	shalt  }
.Lfunc_end2:
_tile_overlayer_lowered:
.L_overlay_start_2:
0x1d8: {  	(tag) =	ssettag $0x2  }
0x1d9: {  	s0 =	rddreg [dreg:$0x0];
	s2 =	stileid.u32  }
0x1da: {  	s1 =	rddreg [dreg:$0x1];
	p0 =	sne.s32 s2, $0x0  }
0x1db: {  	s3 =	rddreg [dreg:$0x2];
	[bflag:$0x3] =	sbarrier.arrive $0xFFFF;
	s2 =	simm.s32 @!p0 $0x1C03  }
0x1dc: {  	[timem:s3], [sflag:s2] =	dma.local @!p0 [hbm:s0], s1  }
0x1dd: {  	s0 =	simm.s32 @!p0 $0x3  }
0x1de: {  	_ =	swait.ge @!p0 [sflag:s0], s1  }
0x1df: {  	s1 =	ssub.s32 @!p0 $0x0, s1;
	[sflag:s0] =	ssyncset.done @!p0 $0x0  }
0x1e0: {  	[sflag:s0] =	ssyncadd.s32 @!p0 s1  }
0x1e1: {  	[bflag:$0x3] =	sbarrier.arrive $0xFFFF  }
0x1e2: {  	_ =	shalt  }

// kernel: kernel.9.cloned.1.call-start
scs
__scs_entry_jumppad:
0x0: {  	(pc) =	sbr.rel $0x88, $3  }
0x1: {  	(tag) =	ssettag $0x0;
	lr =	simm.s32 $0x1  }
0x2: {  	[smem:$0x3F86] =	sst lr;
	_ =	strace $0xD0000000  }
0x3: {  	_ = 	snop  }
0x4: {  	_ = 	snop  }
0x5: {  	_ = 	snop  }
0x6: {  	_ = 	snop  }
0x7: {  	_ = 	snop  }
__scs_overlays_trampoline_lowered:
0x8: {  	[smem:$0x3F95] =	sst s0  }
0x9: {  	[smem:$0x3F96] =	sst s1  }
0xa: {  	[smem:$0x3F97] =	sst s2  }
0xb: {  	[smem:$0x3F98] =	sst s3  }
0xc: {  	[smem:$0x3F99] =	sst s4  }
0xd: {  	[smem:$0x3F9A] =	sst s5  }
0xe: {  	[smem:$0x3F9B] =	sst s6  }
0xf: {  	[smem:$0x3F9C] =	sst s7  }
0x10: {  	[smem:$0x3F9D] =	sst s8  }
0x11: {  	[smem:$0x3F9E] =	sst s9;
	s0 =	simm.s32 @!p0 $0x0  }
0x12: {  	s1 =	sld [smem:$0x3F84];
	s0 =	simm.s32 @p0 $0x1  }
0x13: {  	[smem:$0x3F9F] =	sst s0;
	s0 =	simm.s32 @!p1 $0x0  }
0x14: {  	s2 =	sld [smem:$0x3F83];
	s0 =	simm.s32 @p1 $0x1  }
0x15: {  	[smem:$0x3FA0] =	sst s0;
	s0 =	simm.s32 @!p2 $0x0  }
0x16: {  	s3 =	sld [smem:$0x3FDB];
	s0 =	simm.s32 @p2 $0x1  }
0x17: {  	s4 =	simm.s32 $0x1BF5;
	[smem:$0x3FA2] =	sst s0  }
0x18: {  	s0 =	sld [smem:$0x3F85];
	_ =	swait.ge [sflag:s4], $0x0  }
0x19: {  	s7 =	sld [smem:$0x3F86]  }
0x1a: {  	s8 =	sadd.s32 $0xFFFFE003, lr  }
0x1b: {  	s9 =	sadd.s32 $0xFFFFFEF7, lr;
	s5 =	simm.s32 $0xFFFFFFFF;
	p2 =	slt.u32 s8, $0xFFFFF086  }
0x1c: {  	p1 =	slt.u32 s9, $0xF7A;
	s5 =	simm.s32 @!p2 $0x0  }
0x1d: {  	s5 =	simm.s32 @p1 $0x1;
	p0 =	seq.s32 s7, s2  }
0x1e: {  	s7 =	smul.u32 @!p0 $0xF7A, s2;
	p2 =	seq.s32 @!p0 s5, $0x0  }
0x1f: {  	s9 =	smul.u32 $0xF7A, s1;
	s8 =	simm.s32 @!p0 $0x1BF5;
	p2 =	por !p2, p0  }
0x20: {  	[sflag:s8] =	ssyncset.s32 @!p0 $0xFFFFF086;
	s6 =	sadd.s32 @!p0 s3, s7;
	s7 =	simm.s32 @!p0 $0x108  }
0x21: {  	s3 =	sadd.s32 s3, s9;
	s6 =	sadd.s32 @!p0 $0x88, s6;
	s7 =	simm.s32 @p2 $0x1082  }
0x22: {  	[simem:s7], [sflag:s8] =	dma.local @!p0 [hbm:s6], $0xF7A  }
0x23: {  	s9 =	sor.u32 $0xD0000000, s2;
	s6 =	simm.s32 $0x108;
	_ =	swait.ge @!p0 [sflag:s8], $0x0  }
0x24: {  	s3 =	sadd.s32 $0x88, s3;
	s6 =	simm.s32 @!p1 $0x1082;
	[sflag:s4] =	ssyncset.s32 $0xFFFFF086  }
0x25: {  	[simem:s6], [sflag:s4] =	dma.local [hbm:s3], $0xF7A  }
0x26: {  	[smem:$0x3F86] =	sst s1;
	(tag) =	ssettag s2;
	_ =	strace s9  }
0x27: {  	s1 =	sld [smem:$0x3F96]  }
0x28: {  	s2 =	sld [smem:$0x3F97]  }
0x29: {  	s4 =	sld [smem:$0x3F99]  }
0x2a: {  	p0 =	seq.s32 s5, $0x0;
	s5 =	sld [smem:$0x3F9A]  }
0x2b: {  	s6 =	sld [smem:$0x3F9B]  }
0x2c: {  	s7 =	sld [smem:$0x3F9C]  }
0x2d: {  	s3 =	simm.s32 $0x108;
	s8 =	sld [smem:$0x3F9D]  }
0x2e: {  	s3 =	simm.s32 @!p0 $0x1082;
	s9 =	sld [smem:$0x3F9E]  }
0x2f: {  	lr =	sadd.s32 s0, s3;
	s0 =	sld [smem:$0x3F95]  }
0x30: {  	s3 =	sld [smem:$0x3F98]  }
0x31: {  	[smem:$0x3FA1] =	sst s10  }
0x32: {  	s10 =	sld [smem:$0x3F9F];
	_ =	sdelay $0x3  }
0x33: {  	p0 =	seq.s32 s10, $0x1;
	s10 =	sld [smem:$0x3FA1];
	_ =	sdelay $0x3  }
0x34: {  	[smem:$0x3FA1] =	sst s10  }
0x35: {  	s10 =	sld [smem:$0x3FA0];
	_ =	sdelay $0x3  }
0x36: {  	p1 =	seq.s32 s10, $0x1;
	s10 =	sld [smem:$0x3FA1];
	_ =	sdelay $0x3  }
0x37: {  	[smem:$0x3FA1] =	sst s10  }
0x38: {  	s10 =	sld [smem:$0x3FA2]  }
0x39: {  	_ = 	snop;
	(pc) =	sbr.ind lr, $3  }
0x3a: {  	_ = 	snop  }
0x3b: {  	_ = 	snop  }
0x3c: {  	p2 =	seq.s32 s10, $0x1;
	s10 =	sld [smem:$0x3FA1]  }
0x3d: {  	_ =	shalt  }
0x3e: {  	_ =	shalt  }
0x3f: {  	_ =	shalt  }
0x40: {  	_ =	shalt  }
0x41: {  	_ =	shalt  }
0x42: {  	_ =	shalt  }
0x43: {  	_ =	shalt  }
0x44: {  	_ =	shalt  }
0x45: {  	_ =	shalt  }
0x46: {  	_ =	shalt  }
0x47: {  	_ =	shalt  }
0x48: {  	_ =	shalt  }
0x49: {  	_ =	shalt  }
0x4a: {  	_ =	shalt  }
0x4b: {  	_ =	shalt  }
0x4c: {  	_ =	shalt  }
0x4d: {  	_ =	shalt  }
0x4e: {  	_ =	shalt  }
0x4f: {  	_ =	shalt  }
0x50: {  	_ =	shalt  }
0x51: {  	_ =	shalt  }
0x52: {  	_ =	shalt  }
0x53: {  	_ =	shalt  }
0x54: {  	_ =	shalt  }
0x55: {  	_ =	shalt  }
0x56: {  	_ =	shalt  }
0x57: {  	_ =	shalt  }
0x58: {  	_ =	shalt  }
0x59: {  	_ =	shalt  }
0x5a: {  	_ =	shalt  }
0x5b: {  	_ =	shalt  }
0x5c: {  	_ =	shalt  }
0x5d: {  	_ =	shalt  }
0x5e: {  	_ =	shalt  }
0x5f: {  	_ =	shalt  }
0x60: {  	_ =	shalt  }
0x61: {  	_ =	shalt  }
0x62: {  	_ =	shalt  }
0x63: {  	_ =	shalt  }
0x64: {  	_ =	shalt  }
0x65: {  	_ =	shalt  }
0x66: {  	_ =	shalt  }
0x67: {  	_ =	shalt  }
0x68: {  	_ =	shalt  }
0x69: {  	_ =	shalt  }
0x6a: {  	_ =	shalt  }
0x6b: {  	_ =	shalt  }
0x6c: {  	_ =	shalt  }
0x6d: {  	_ =	shalt  }
0x6e: {  	_ =	shalt  }
0x6f: {  	_ =	shalt  }
0x70: {  	_ =	shalt  }
0x71: {  	_ =	shalt  }
0x72: {  	_ =	shalt  }
0x73: {  	_ =	shalt  }
0x74: {  	_ =	shalt  }
0x75: {  	_ =	shalt  }
0x76: {  	_ =	shalt  }
0x77: {  	_ =	shalt  }
0x78: {  	_ =	shalt  }
0x79: {  	_ =	shalt  }
0x7a: {  	_ =	shalt  }
0x7b: {  	_ =	shalt  }
0x7c: {  	_ =	shalt  }
0x7d: {  	_ =	shalt  }
0x7e: {  	_ =	shalt  }
0x7f: {  	_ =	shalt  }
0x80: {  	_ =	shalt  }
0x81: {  	_ =	shalt  }
0x82: {  	_ =	shalt  }
0x83: {  	_ =	shalt  }
0x84: {  	_ =	shalt  }
0x85: {  	_ =	shalt  }
0x86: {  	_ =	shalt  }
0x87: {  	_ =	shalt  }
.Lfunc_end0:
.L_simem_size_0:
called_computation_lowered:
.L_overlay_start_0:
0x88: {  	s2 =	sld [smem:$0x3FD9]  }
0x89: {  	s3 =	sld [smem:$0x3FFE];
	_ =	sdelay $0x1  }
0x8a: {  	s1 =	srdreg.scid  }
0x8b: {  	s0 =	sand.u32 $0x1, s1  }
0x8c: {  	s16 =	sshll.u32 s0, $0xA;
	s2 =	sadd.s32 s3, s2  }
0x8d: {  	s2 =	sadd.s32 s2, s16  }
0x8e: {  	[smem:$0x3FAD] =	sst s2  }
0x8f: {  	_ = 	snop  }
0x90: {  	(tm) =	ssettm $0x1  }
0x91: {  	s17 =	sld [smem:$0x3FFB];
	_ =	sdelay $0x3  }
0x92: {  	_ =	strace s17  }
0x93: {  	s2 =	sld [smem:$0x3FFC];
	_ =	sdelay $0x3  }
0x94: {  	_ =	strace s2  }
0x95: {  	s2 =	sld [smem:$0x3FFD];
	_ =	sdelay $0x3  }
0x96: {  	_ =	strace s2  }
0x97: {  	_ =	strace $0x8FFFFFFF  }
0x98: {  	s18 =	sld [smem:$0x3FDB];
	_ =	sdelay $0x1  }
0x99: {  	s19 =	simm.s32 $_scs_section_size  }
0x9a: {  	s4 =	simm.s32 $_size__tile_overlayer_lowered;
	s5 =	simm.s32 $_tile_overlayer_lowered  }
0x9b: {  	s22 =	simm.s32 $0x1BFF;
	s21 =	sshll.u32 s5, $0x1;
	s2 =	sadd.s32 s19, s18  }
0x9c: {  	s6 =	simm.s32 $0x0;
	s20 =	sshll.u32 s4, $0x1;
	s4 =	sadd.s32 s21, s2  }
0x9d: {  	[timem:s6], [sflag:s22] =	dma.local [hbm:s4], s20  }
0x9e: {  	_ =	swait.ge [sflag:s22], s20  }
0x9f: {  	s3 =	ssub.s32 $0x0, s20;
	[sflag:s22] =	ssyncset.done $0x0  }
0xa0: {  	[sflag:s22] =	ssyncadd.s32 s3;
	_ =	sdelay $0x1  }
0xa1: {  	s23 =	simm.s32 $0x1B8B  }
0xa2: {  	_ =	swait.ge [sflag:s23], $0x1  }
0xa3: {  	[sflag:s23] =	ssyncset.done $0x0  }
0xa4: {  	s25 =	simm.s32 $0x1B8E;
	s24 =	sld [smem:$0x3FFE];
	[sflag:s23] =	ssyncadd.s32 $0xFFFFFFFF  }
0xa5: {  	s26 =	simm.s32 $execute0_lowered;
	[smem:$0x3FD2] =	sst s25  }
0xa6: {  	s4 =	sshll.u32 s26, $0x1;
	_ =	strace $0x80000046;
	[dreg:$0x1] =	wrdreg $0xFFFFFFFF  }
0xa7: {  	s28 =	simm.s32 $_size_execute0_lowered;
	s2 =	sadd.s32 s2, s4;
	[dreg:$0x0] =	wrdreg $0x0  }
0xa8: {  	s4 =	sshll.u32 s28, $0x1;
	[dreg:$0x2] =	wrdreg s2  }
0xa9: {  	[dreg:$0x3] =	wrdreg s4  }
0xaa: {  	[dreg:$0x4] =	wrdreg $0xC0  }
0xab: {  	_ =	task [dreg:s6], $0x5FFFF  }
0xac: {  	[dreg:$0x1] =	wrdreg $0xFFFFFFFF  }
0xad: {  	[dreg:$0x0] =	wrdreg $0x60  }
0xae: {  	[dreg:$0x2] =	wrdreg s24  }
0xaf: {  	[dreg:$0x3] =	wrdreg $0x79800  }
0xb0: {  	[dreg:$0x4] =	wrdreg $0x9  }
0xb1: {  	_ =	task.clear_ibuf [dreg:s6], $0x5FFFF;
	_ =	strace $0x90000046  }
0xb2: {  	s29 =	simm.s32 $0x9;
	_ =	strace $0x80000048  }
0xb3: {  	_ =	swait.ge [sflag:s29], $0x1  }
0xb4: {  	[sflag:s29] =	ssyncadd.s32 $0xFFFFFFFF  }
0xb5: {  	_ =	strace $0x90000048  }
0xb6: {  	_ =	sfence  }
0xb7: {  	s30 =	sld [smem:$0x0];
	_ =	sdelay $0x2  }
0xb8: {  	s31 =	sshll.u32 s1, $0xD;
	s1 =	sshrl.u32 s1, $0x2  }
0xb9: {  	s3 =	sand.u32 $0x4000, s31;
	s1 =	sadd.s32 s1, s30  }
0xba: {  	s0 =	sor.u32 s3, s0;
	s1 =	sshll.u32 s1, $0x11  }
0xbb: {  	s0 =	sor.u32 s1, s0  }
0xbc: {  	s0 =	sadd.s32 $0x8F2B, s0  }
0xbd: {  	[sflag:s0] =	ssyncadd.remote.s32 $0x1  }
0xbe: {  	_ =	sfence.sel $0xFFFF  }
0xbf: {  	[dreg:$0x0] =	wrdreg $0xFFFFFFFF;
	(pc) =	sbr.abs _section_cstart, $3  }
0xc0: {  	[dreg:$0x1] =	wrdreg $0xFFFFFFFF  }
0xc1: {  	_ =	task.clear_ibuf [dreg:s6], $0x2FFFF;
	_ =	strace $0x9FFFFFFF  }
0xc2: {  	(tm) =	ssettm $0x7FFFFFFF  }
0xc3: {  	_ =	shalt  }
tec
execute0_lowered:
.L_overlay_start_1:
0x0: {  	(tag) =	ssettag $0x1  }
0x1: {  	s9 =	rddreg [dreg:$0x0]  }
0x2: {  	s1 =	rddreg [dreg:$0x1]  }
0x3: {  	s0 =	rddreg [dreg:$0x2];
	s3 =	simm.s32 $0x0;
	s2 =	stileid.u32  }
0x4: {  	s5 =	srdreg.scid;
	s17 =	simm.s32 $0x50;
	s18 =	simm.s32 $0x2980  }
0x5: {  	s19 =	simm.s32 $0x180;
	s20 =	simm.s32 $0x1;
	s21 =	simm.s32 $0x2  }
0x6: {  	s22 =	simm.s32 $0x5180;
	[smem:$0x7FF] =	sst s3;
	s4 =	sadd.s32 $0x47E00, s9  }
0x7: {  	s10 =	smul.u32 $0x14000, s2;
	s11 =	sand.u32 $0x1, s5;
	s5 =	sadd.s32 $0x20C00, s9  }
0x8: {  	s6 =	sadd.s32 $0xD000, s9;
	s7 =	sadd.s32 $0x3200, s9;
	s8 =	sadd.s32 $0x16E00, s9  }
0x9: {  	s15 =	smul.u32 $0x50000, s2;
	s29 =	sshll.u32 s2, $0x1;
	s31 =	sshll.u32 s2, $0x6  }
0xa: {  	_ =	strace $0x80000047;
	s12 =	smul.u32 $0x140000, s11;
	s28 =	ssub.s32 $0x2, s11  }
0xb: {  	s11 =	sor.u32 s11, s29;
	s13 =	sshrl.u32 s10, $0x3;
	s14 =	sshrl.u32 s28, $0x1  }
0xc: {  	s30 =	sshrl.u32 s15, $0x2;
	s11 =	smul.u32 $0x2710, s11;
	s10 =	sadd.s32 s10, s12  }
0xd: {  	s13 =	sadd.s32 s13, s9;
	s14 =	ssub.s32 s28, s14;
	s10 =	sshrl.u32 s10, $0x3  }
0xe: {  	s15 =	sadd.s32 s30, s1;
	s16 =	sadd.s32 s10, s9;
	s9 =	sadd.s32 $0x6F000, s13  }
0xf: {  	v0 =	vlaneseq.u32;
	s10 =	sor.u32 $0x1C03, s31;
	s13 =	smax.u32 s14, $0x1;
	s14 =	sshrl.u32 s15, $0x3  }
0x10: {  	v0 =	vmul.u32 $0x80, v0;
	s15 =	simm.s32 $0x3;
	s12 =	sadd.s32 $0x97000, s16;
	s16 =	simm.s32 $0x80  }
.LBB2_1:
0x11: {  	[spmem:s14], [sflag:s10] =	dma.local [hbm:s9], $0x2800  }
0x12: {  	_ =	swait.ge [sflag:s15], $0x2800  }
0x13: {  	[sflag:s15] =	ssyncset.done $0x0  }
0x14: {  	[sflag:s15] =	ssyncadd.s32 $0xFFFFD800  }
0x15: {  	s23 =	simm.s32 $0x0;
	[bflag:$0x0] =	sbarrier.arrive $0xFFFF  }
.LBB2_2:
0x16: {  	s24 =	smul.u32 $0x50, s23;
	_ =	sdelay $0x1  }
0x17: {  	s24 =	sadd.s32 s11, s24  }
0x18: {  	s25 =	sshrl.u32 s24, $0x3  }
0x19: {  	s24 =	simm.s32 $0x0;
	s26 =	sadd.s32 s6, s25  }
0x1a: {  	[tilespmem:s24], [sflag:$0x3] =	stream.linear.gather [hbm4b:s26+s24], $0x50, $0x38;
	[tilespmem:$0x1B980] =	vst v63  }
0x1b: {  	_ =	swait.ge [sflag:s15], $0x50  }
0x1c: {  	[sflag:s15] =	ssyncset.done $0x0  }
0x1d: {  	s30 =	sadd.s32 s7, s25;
	[sflag:s15] =	ssyncadd.s32 $0xFFFFFFB0  }
0x1e: {  	[tilespmem:s16], [sflag:$0x3] =	stream.linear.gather [hbm4b:s30+s24], $0x50, $0x38;
	[tilespmem:$0x1B980] =	vst v63  }
0x1f: {  	_ =	swait.ge [sflag:s15], $0x50  }
0x20: {  	[sflag:s15] =	ssyncset.done $0x0  }
0x21: {  	s31 =	sadd.s32 s8, s25;
	s25 =	simm.s32 $0x100;
	[sflag:s15] =	ssyncadd.s32 $0xFFFFFFB0  }
0x22: {  	[tilespmem:s25], [sflag:$0x3] =	stream.linear.gather [hbm4b:s31+s24], $0x50, $0x38;
	[tilespmem:$0x1B980] =	vst v63  }
0x23: {  	_ =	swait.ge [sflag:s15], $0x50  }
0x24: {  	[sflag:s15] =	ssyncset.done $0x0  }
0x25: {  	[sflag:s15] =	ssyncadd.s32 $0xFFFFFFB0  }
0x26: {  	[tilespmem:s18], [sflag:$0x1] =	stream.indirect.gather [hbm4b:s5+s17], $0x80, s24, s17, $0xb8;
	[tilespmem:$0x1B980] =	vst v63  }
0x27: {  	_ = 	snop  }
0x28: {  	[tilespmem:s19], [sflag:$0x2] =	stream.indirect.gather [hbm4b:s4+s17], $0x80, s16, s17, $0xb8;
	[tilespmem:$0x1B980] =	vst v63  }
0x29: {  	_ =	swait.ge [sflag:s20], $0x2800  }
0x2a: {  	[sflag:s20] =	ssyncset.done $0x0  }
0x2b: {  	[sflag:s20] =	ssyncadd.s32 $0xFFFFD800  }
0x2c: {  	_ =	swait.ge [sflag:s21], $0x2800  }
0x2d: {  	[sflag:s21] =	ssyncset.done $0x0  }
0x2e: {  	[sflag:s21] =	ssyncadd.s32 $0xFFFFD800  }
.LBB2_3:
0x2f: {  	v1 =	vmov s24  }
0x30: {  	v1 =	vshll.u32 v1, $0x7  }
0x31: {  	v4 =	vor.u32 v0, v1  }
0x32: {  	v2 =	vor.u32 $0x20, v4;
	_ =	sdelay $0x1  }
0x33: {  	v1 =	vor.u32 $0x21, v4  }
0x34: {  	v3 =	vld [tilespmem:s25+$0x0];
	v11 =	vor.u32 $0x1, v4  }
0x35: {  	v10 =	vld.idx.msk [tilespmem:v4+s19+$0x0], $0xffff  }
0x36: {  	v9 =	vor.u32 $0x2, v4;
	v6 =	vld.idx.msk [tilespmem:v2+s19+$0x0], $0xffff  }
0x37: {  	v12 =	vld.idx.msk [tilespmem:v4+s18+$0x0], $0xffff  }
0x38: {  	v7 =	vor.u32 $0x3, v4;
	v8 =	vld.idx.msk [tilespmem:v1+s19+$0x0], $0xffff  }
0x39: {  	v13 =	vld.idx.msk [tilespmem:v11+s19+$0x0], $0xffff  }
0x3a: {  	v5 =	vor.u32 $0x4, v4;
	v14 =	vld.idx.msk [tilespmem:v11+s18+$0x0], $0xffff  }
0x3b: {  	v16 =	vld.idx.msk [tilespmem:v9+s19+$0x0], $0xffff;
	v15 =	vmul.f32 v6, v3  }
0x3c: {  	v17 =	vld.idx.msk [tilespmem:v9+s18+$0x0], $0xffff;
	v6 =	vor.u32 $0x5, v4  }
0x3d: {  	v18 =	vld.idx.msk [tilespmem:v7+s19+$0x0], $0xffff;
	v10 =	vmul.f32 v12, v10;
	v15 =	vadd.f32 v8, v15  }
0x3e: {  	v19 =	vld.idx.msk [tilespmem:v7+s18+$0x0], $0xffff;
	v8 =	vor.u32 $0x6, v4  }
0x3f: {  	v43 =	vld.idx.msk [tilespmem:v5+s19+$0x0], $0xffff;
	v13 =	vmul.f32 v14, v13;
	v12 =	vadd.f32 v10, v15  }
0x40: {  	v44 =	vld.idx.msk [tilespmem:v5+s18+$0x0], $0xffff;
	v10 =	vor.u32 $0x7, v4  }
0x41: {  	v16 =	vmul.f32 v17, v16;
	v45 =	vld.idx.msk [tilespmem:v6+s19+$0x0], $0xffff;
	v13 =	vadd.f32 v13, v12  }
0x42: {  	v20 =	vld.idx.msk [tilespmem:v6+s18+$0x0], $0xffff;
	v12 =	vor.u32 $0x8, v4  }
0x43: {  	v18 =	vmul.f32 v19, v18;
	v46 =	vld.idx.msk [tilespmem:v8+s19+$0x0], $0xffff;
	v16 =	vadd.f32 v16, v13  }
0x44: {  	v21 =	vld.idx.msk [tilespmem:v8+s18+$0x0], $0xffff;
	v13 =	vor.u32 $0x9, v4  }
0x45: {  	v15 =	vmul.f32 v44, v43;
	v47 =	vld.idx.msk [tilespmem:v10+s19+$0x0], $0xffff;
	v16 =	vadd.f32 v18, v16  }
0x46: {  	v14 =	vor.u32 $0xA, v4;
	v22 =	vld.idx.msk [tilespmem:v10+s18+$0x0], $0xffff  }
0x47: {  	v17 =	vmul.f32 v20, v45;
	v48 =	vld.idx.msk [tilespmem:v12+s19+$0x0], $0xffff;
	v16 =	vadd.f32 v15, v16  }
0x48: {  	v23 =	vld.idx.msk [tilespmem:v12+s18+$0x0], $0xffff;
	v15 =	vor.u32 $0xB, v4  }
0x49: {  	v19 =	vmul.f32 v21, v46;
	v49 =	vld.idx.msk [tilespmem:v13+s19+$0x0], $0xffff;
	v17 =	vadd.f32 v17, v16  }
0x4a: {  	v24 =	vld.idx.msk [tilespmem:v13+s18+$0x0], $0xffff;
	v16 =	vor.u32 $0xC, v4  }
0x4b: {  	v50 =	vld.idx.msk [tilespmem:v14+s19+$0x0], $0xffff;
	v18 =	vmul.f32 v22, v47;
	v19 =	vadd.f32 v19, v17  }
0x4c: {  	v25 =	vld.idx.msk [tilespmem:v14+s18+$0x0], $0xffff;
	v17 =	vor.u32 $0xD, v4  }
0x4d: {  	v20 =	vmul.f32 v23, v48;
	v51 =	vld.idx.msk [tilespmem:v15+s19+$0x0], $0xffff;
	v19 =	vadd.f32 v18, v19  }
0x4e: {  	v26 =	vld.idx.msk [tilespmem:v15+s18+$0x0], $0xffff;
	v18 =	vor.u32 $0xE, v4  }
0x4f: {  	v21 =	vmul.f32 v24, v49;
	v52 =	vld.idx.msk [tilespmem:v16+s19+$0x0], $0xffff;
	v20 =	vadd.f32 v20, v19  }
0x50: {  	v27 =	vld.idx.msk [tilespmem:v16+s18+$0x0], $0xffff;
	v19 =	vor.u32 $0xF, v4  }
0x51: {  	v22 =	vmul.f32 v25, v50;
	v53 =	vld.idx.msk [tilespmem:v17+s19+$0x0], $0xffff;
	v21 =	vadd.f32 v21, v20  }
0x52: {  	v28 =	vld.idx.msk [tilespmem:v17+s18+$0x0], $0xffff;
	v20 =	vor.u32 $0x10, v4  }
0x53: {  	v23 =	vmul.f32 v26, v51;
	v54 =	vld.idx.msk [tilespmem:v18+s19+$0x0], $0xffff;
	v22 =	vadd.f32 v22, v21  }
0x54: {  	v29 =	vld.idx.msk [tilespmem:v18+s18+$0x0], $0xffff;
	v21 =	vor.u32 $0x11, v4  }
0x55: {  	v24 =	vmul.f32 v27, v52;
	v55 =	vld.idx.msk [tilespmem:v19+s19+$0x0], $0xffff;
	v23 =	vadd.f32 v23, v22  }
0x56: {  	v30 =	vld.idx.msk [tilespmem:v19+s18+$0x0], $0xffff;
	v22 =	vor.u32 $0x12, v4  }
0x57: {  	v25 =	vmul.f32 v28, v53;
	v56 =	vld.idx.msk [tilespmem:v20+s19+$0x0], $0xffff;
	v24 =	vadd.f32 v24, v23  }
0x58: {  	v31 =	vld.idx.msk [tilespmem:v20+s18+$0x0], $0xffff;
	v23 =	vor.u32 $0x13, v4  }
0x59: {  	v26 =	vmul.f32 v29, v54;
	v57 =	vld.idx.msk [tilespmem:v21+s19+$0x0], $0xffff;
	v25 =	vadd.f32 v25, v24  }
0x5a: {  	v32 =	vld.idx.msk [tilespmem:v21+s18+$0x0], $0xffff;
	v24 =	vor.u32 $0x14, v4  }
0x5b: {  	v27 =	vmul.f32 v30, v55;
	v58 =	vld.idx.msk [tilespmem:v22+s19+$0x0], $0xffff;
	v26 =	vadd.f32 v26, v25  }
0x5c: {  	v33 =	vld.idx.msk [tilespmem:v22+s18+$0x0], $0xffff;
	v25 =	vor.u32 $0x15, v4  }
0x5d: {  	v28 =	vmul.f32 v31, v56;
	v59 =	vld.idx.msk [tilespmem:v23+s19+$0x0], $0xffff;
	v27 =	vadd.f32 v27, v26  }
0x5e: {  	v34 =	vld.idx.msk [tilespmem:v23+s18+$0x0], $0xffff;
	v26 =	vor.u32 $0x16, v4  }
0x5f: {  	v29 =	vmul.f32 v32, v57;
	v60 =	vld.idx.msk [tilespmem:v24+s19+$0x0], $0xffff;
	v28 =	vadd.f32 v28, v27  }
0x60: {  	v35 =	vld.idx.msk [tilespmem:v24+s18+$0x0], $0xffff;
	v27 =	vor.u32 $0x17, v4  }
0x61: {  	v30 =	vmul.f32 v33, v58;
	v61 =	vld.idx.msk [tilespmem:v25+s19+$0x0], $0xffff;
	v29 =	vadd.f32 v29, v28  }
0x62: {  	v36 =	vld.idx.msk [tilespmem:v25+s18+$0x0], $0xffff;
	v28 =	vor.u32 $0x18, v4  }
0x63: {  	v31 =	vmul.f32 v34, v59;
	v62 =	vld.idx.msk [tilespmem:v26+s19+$0x0], $0xffff;
	v30 =	vadd.f32 v30, v29  }
0x64: {  	v37 =	vld.idx.msk [tilespmem:v26+s18+$0x0], $0xffff;
	v29 =	vor.u32 $0x19, v4  }
0x65: {  	v32 =	vmul.f32 v35, v60;
	v63 =	vld.idx.msk [tilespmem:v27+s19+$0x0], $0xffff;
	v31 =	vadd.f32 v31, v30  }
0x66: {  	v38 =	vld.idx.msk [tilespmem:v27+s18+$0x0], $0xffff;
	v30 =	vor.u32 $0x1A, v4  }
0x67: {  	v33 =	vmul.f32 v36, v61;
	v44 =	vld.idx.msk [tilespmem:v28+s19+$0x0], $0xffff;
	v32 =	vadd.f32 v32, v31  }
0x68: {  	v39 =	vld.idx.msk [tilespmem:v28+s18+$0x0], $0xffff;
	v31 =	vor.u32 $0x1B, v4  }
0x69: {  	v34 =	vmul.f32 v37, v62;
	v45 =	vld.idx.msk [tilespmem:v29+s19+$0x0], $0xffff;
	v33 =	vadd.f32 v33, v32  }
0x6a: {  	v40 =	vld.idx.msk [tilespmem:v29+s18+$0x0], $0xffff;
	v32 =	vor.u32 $0x1C, v4  }
0x6b: {  	v35 =	vmul.f32 v38, v63;
	v46 =	vld.idx.msk [tilespmem:v30+s19+$0x0], $0xffff;
	v34 =	vadd.f32 v34, v33  }
0x6c: {  	v41 =	vld.idx.msk [tilespmem:v30+s18+$0x0], $0xffff;
	v33 =	vor.u32 $0x1D, v4  }
0x6d: {  	v36 =	vmul.f32 v39, v44;
	v47 =	vld.idx.msk [tilespmem:v31+s19+$0x0], $0xffff;
	v35 =	vadd.f32 v35, v34  }
0x6e: {  	v42 =	vld.idx.msk [tilespmem:v31+s18+$0x0], $0xffff;
	v34 =	vor.u32 $0x1E, v4  }
0x6f: {  	v37 =	vmul.f32 v40, v45;
	v48 =	vld.idx.msk [tilespmem:v32+s19+$0x0], $0xffff;
	v36 =	vadd.f32 v36, v35  }
0x70: {  	v43 =	vld.idx.msk [tilespmem:v32+s18+$0x0], $0xffff;
	v35 =	vor.u32 $0x1F, v4  }
0x71: {  	v49 =	vmul.f32 v41, v46;
	v50 =	vld.idx.msk [tilespmem:v33+s19+$0x0], $0xffff;
	v36 =	vadd.f32 v37, v36  }
0x72: {  	v51 =	vld.idx.msk [tilespmem:v33+s18+$0x0], $0xffff  }
0x73: {  	v52 =	vmul.f32 v42, v47;
	v53 =	vld.idx.msk [tilespmem:v34+s19+$0x0], $0xffff;
	v36 =	vadd.f32 v49, v36  }
0x74: {  	v54 =	vld.idx.msk [tilespmem:v34+s18+$0x0], $0xffff  }
0x75: {  	v55 =	vmul.f32 v43, v48;
	v56 =	vld.idx.msk [tilespmem:v35+s19+$0x0], $0xffff;
	v36 =	vadd.f32 v52, v36  }
0x76: {  	v57 =	vld.idx.msk [tilespmem:v35+s18+$0x0], $0xffff  }
0x77: {  	v58 =	vmul.f32 v51, v50;
	v36 =	vadd.f32 v55, v36;
	_ =	sdelay $0x1  }
0x78: {  	v59 =	vmul.f32 v54, v53;
	v36 =	vadd.f32 v58, v36;
	_ =	sdelay $0x1  }
0x79: {  	v60 =	vmul.f32 v57, v56;
	v36 =	vadd.f32 v59, v36;
	_ =	sdelay $0x1  }
0x7a: {  	v36 =	vadd.f32 v60, v36;
	_ =	sdelay $0x1  }
0x7b: {  	v36 =	vmul.f32 $1.442695020e+00, v36;
	_ =	sdelay $0x1  }
0x7c: {  	(erf) = vpow2.f32 v36;
	_ =	sdelay $0x4  }
0x7d: {  	v61 =	vld.idx.msk [tilespmem:v2+s18+$0x0], $0xffff;
	_ =	sdelay $0x3  }
0x7e: {  	v37 =	vpop (erf)  }
0x7f: {  	v36 =	vmul.f32 v37, v61;
	_ =	sdelay $0x1  }
0x80: {  	[tilespmem:v4+s22+$0x0] =	vst.idx.msk $0xffff, v36  }
0x81: {  	v36 =	vld.idx.msk [tilespmem:v1+s18+$0x0], $0xffff;
	_ =	sdelay $0x2  }
0x82: {  	v62 =	vor.u32 $0x22, v4;
	_ =	sdelay $0x1  }
0x83: {  	v36 =	vmul.f32 v37, v36;
	_ =	sdelay $0x1  }
0x84: {  	[tilespmem:v11+s22+$0x0] =	vst.idx.msk $0xffff, v36  }
0x85: {  	v11 =	vld.idx.msk [tilespmem:v62+s18+$0x0], $0xffff;
	_ =	sdelay $0x2  }
0x86: {  	v63 =	vor.u32 $0x23, v4;
	_ =	sdelay $0x1  }
0x87: {  	v11 =	vmul.f32 v11, v37;
	_ =	sdelay $0x1  }
0x88: {  	[tilespmem:v9+s22+$0x0] =	vst.idx.msk $0xffff, v11  }
0x89: {  	v9 =	vld.idx.msk [tilespmem:v63+s18+$0x0], $0xffff;
	_ =	sdelay $0x2  }
0x8a: {  	v36 =	vor.u32 $0x24, v4;
	_ =	sdelay $0x1  }
0x8b: {  	v9 =	vmul.f32 v9, v37;
	_ =	sdelay $0x1  }
0x8c: {  	[tilespmem:v7+s22+$0x0] =	vst.idx.msk $0xffff, v9  }
0x8d: {  	v7 =	vld.idx.msk [tilespmem:v36+s18+$0x0], $0xffff;
	_ =	sdelay $0x2  }
0x8e: {  	v38 =	vor.u32 $0x25, v4;
	_ =	sdelay $0x1  }
0x8f: {  	v7 =	vmul.f32 v7, v37;
	_ =	sdelay $0x1  }
0x90: {  	[tilespmem:v5+s22+$0x0] =	vst.idx.msk $0xffff, v7  }
0x91: {  	v5 =	vld.idx.msk [tilespmem:v38+s18+$0x0], $0xffff;
	_ =	sdelay $0x2  }
0x92: {  	v39 =	vor.u32 $0x26, v4;
	_ =	sdelay $0x1  }
0x93: {  	v5 =	vmul.f32 v5, v37;
	_ =	sdelay $0x1  }
0x94: {  	[tilespmem:v6+s22+$0x0] =	vst.idx.msk $0xffff, v5  }
0x95: {  	v5 =	vld.idx.msk [tilespmem:v39+s18+$0x0], $0xffff;
	_ =	sdelay $0x2  }
0x96: {  	v40 =	vor.u32 $0x27, v4;
	_ =	sdelay $0x1  }
0x97: {  	v5 =	vmul.f32 v5, v37;
	_ =	sdelay $0x1  }
0x98: {  	[tilespmem:v8+s22+$0x0] =	vst.idx.msk $0xffff, v5  }
0x99: {  	v5 =	vld.idx.msk [tilespmem:v40+s18+$0x0], $0xffff;
	_ =	sdelay $0x2  }
0x9a: {  	v41 =	vor.u32 $0x28, v4;
	_ =	sdelay $0x1  }
0x9b: {  	v5 =	vmul.f32 v5, v37;
	_ =	sdelay $0x1  }
0x9c: {  	[tilespmem:v10+s22+$0x0] =	vst.idx.msk $0xffff, v5  }
0x9d: {  	v5 =	vld.idx.msk [tilespmem:v41+s18+$0x0], $0xffff;
	_ =	sdelay $0x2  }
0x9e: {  	v42 =	vor.u32 $0x29, v4;
	_ =	sdelay $0x1  }
0x9f: {  	v5 =	vmul.f32 v5, v37;
	_ =	sdelay $0x1  }
0xa0: {  	[tilespmem:v12+s22+$0x0] =	vst.idx.msk $0xffff, v5  }
0xa1: {  	v5 =	vld.idx.msk [tilespmem:v42+s18+$0x0], $0xffff;
	_ =	sdelay $0x2  }
0xa2: {  	v43 =	vor.u32 $0x2A, v4;
	_ =	sdelay $0x1  }
0xa3: {  	v5 =	vmul.f32 v5, v37;
	_ =	sdelay $0x1  }
0xa4: {  	[tilespmem:v13+s22+$0x0] =	vst.idx.msk $0xffff, v5  }
0xa5: {  	v5 =	vld.idx.msk [tilespmem:v43+s18+$0x0], $0xffff;
	_ =	sdelay $0x2  }
0xa6: {  	v44 =	vor.u32 $0x2B, v4;
	_ =	sdelay $0x1  }
0xa7: {  	v5 =	vmul.f32 v5, v37;
	_ =	sdelay $0x1  }
0xa8: {  	[tilespmem:v14+s22+$0x0] =	vst.idx.msk $0xffff, v5  }
0xa9: {  	v5 =	vld.idx.msk [tilespmem:v44+s18+$0x0], $0xffff;
	_ =	sdelay $0x2  }
0xaa: {  	v45 =	vor.u32 $0x2C, v4;
	_ =	sdelay $0x1  }
0xab: {  	v5 =	vmul.f32 v5, v37;
	_ =	sdelay $0x1  }
0xac: {  	[tilespmem:v15+s22+$0x0] =	vst.idx.msk $0xffff, v5  }
0xad: {  	v5 =	vld.idx.msk [tilespmem:v45+s18+$0x0], $0xffff;
	_ =	sdelay $0x2  }
0xae: {  	v46 =	vor.u32 $0x2D, v4;
	_ =	sdelay $0x1  }
0xaf: {  	v5 =	vmul.f32 v5, v37;
	_ =	sdelay $0x1  }
0xb0: {  	[tilespmem:v16+s22+$0x0] =	vst.idx.msk $0xffff, v5  }
0xb1: {  	v5 =	vld.idx.msk [tilespmem:v46+s18+$0x0], $0xffff;
	_ =	sdelay $0x2  }
0xb2: {  	v47 =	vor.u32 $0x2E, v4;
	_ =	sdelay $0x1  }
0xb3: {  	v5 =	vmul.f32 v5, v37;
	_ =	sdelay $0x1  }
0xb4: {  	[tilespmem:v17+s22+$0x0] =	vst.idx.msk $0xffff, v5  }
0xb5: {  	v5 =	vld.idx.msk [tilespmem:v47+s18+$0x0], $0xffff;
	_ =	sdelay $0x2  }
0xb6: {  	v48 =	vor.u32 $0x2F, v4;
	_ =	sdelay $0x1  }
0xb7: {  	v5 =	vmul.f32 v5, v37;
	_ =	sdelay $0x1  }
0xb8: {  	[tilespmem:v18+s22+$0x0] =	vst.idx.msk $0xffff, v5  }
0xb9: {  	v5 =	vld.idx.msk [tilespmem:v48+s18+$0x0], $0xffff;
	_ =	sdelay $0x2  }
0xba: {  	v49 =	vor.u32 $0x30, v4;
	_ =	sdelay $0x1  }
0xbb: {  	v5 =	vmul.f32 v5, v37;
	_ =	sdelay $0x1  }
0xbc: {  	[tilespmem:v19+s22+$0x0] =	vst.idx.msk $0xffff, v5  }
0xbd: {  	v5 =	vld.idx.msk [tilespmem:v49+s18+$0x0], $0xffff;
	_ =	sdelay $0x2  }
0xbe: {  	v50 =	vor.u32 $0x31, v4;
	_ =	sdelay $0x1  }
0xbf: {  	v5 =	vmul.f32 v5, v37;
	_ =	sdelay $0x1  }
0xc0: {  	[tilespmem:v20+s22+$0x0] =	vst.idx.msk $0xffff, v5  }
0xc1: {  	v5 =	vld.idx.msk [tilespmem:v50+s18+$0x0], $0xffff;
	_ =	sdelay $0x2  }
0xc2: {  	v51 =	vor.u32 $0x32, v4;
	_ =	sdelay $0x1  }
0xc3: {  	v5 =	vmul.f32 v5, v37;
	_ =	sdelay $0x1  }
0xc4: {  	[tilespmem:v21+s22+$0x0] =	vst.idx.msk $0xffff, v5  }
0xc5: {  	v5 =	vld.idx.msk [tilespmem:v51+s18+$0x0], $0xffff;
	_ =	sdelay $0x2  }
0xc6: {  	v52 =	vor.u32 $0x33, v4;
	_ =	sdelay $0x1  }
0xc7: {  	v5 =	vmul.f32 v5, v37;
	_ =	sdelay $0x1  }
0xc8: {  	[tilespmem:v22+s22+$0x0] =	vst.idx.msk $0xffff, v5  }
0xc9: {  	v5 =	vld.idx.msk [tilespmem:v52+s18+$0x0], $0xffff;
	_ =	sdelay $0x2  }
0xca: {  	v53 =	vor.u32 $0x34, v4;
	_ =	sdelay $0x1  }
0xcb: {  	v5 =	vmul.f32 v5, v37;
	_ =	sdelay $0x1  }
0xcc: {  	[tilespmem:v23+s22+$0x0] =	vst.idx.msk $0xffff, v5  }
0xcd: {  	v5 =	vld.idx.msk [tilespmem:v53+s18+$0x0], $0xffff;
	_ =	sdelay $0x2  }
0xce: {  	v54 =	vor.u32 $0x35, v4;
	_ =	sdelay $0x1  }
0xcf: {  	v5 =	vmul.f32 v5, v37;
	_ =	sdelay $0x1  }
0xd0: {  	[tilespmem:v24+s22+$0x0] =	vst.idx.msk $0xffff, v5  }
0xd1: {  	v5 =	vld.idx.msk [tilespmem:v54+s18+$0x0], $0xffff;
	_ =	sdelay $0x2  }
0xd2: {  	v55 =	vor.u32 $0x36, v4;
	_ =	sdelay $0x1  }
0xd3: {  	v5 =	vmul.f32 v5, v37;
	_ =	sdelay $0x1  }
0xd4: {  	[tilespmem:v25+s22+$0x0] =	vst.idx.msk $0xffff, v5  }
0xd5: {  	v5 =	vld.idx.msk [tilespmem:v55+s18+$0x0], $0xffff;
	_ =	sdelay $0x2  }
0xd6: {  	v56 =	vor.u32 $0x37, v4;
	_ =	sdelay $0x1  }
0xd7: {  	v5 =	vmul.f32 v5, v37;
	_ =	sdelay $0x1  }
0xd8: {  	[tilespmem:v26+s22+$0x0] =	vst.idx.msk $0xffff, v5  }
0xd9: {  	v5 =	vld.idx.msk [tilespmem:v56+s18+$0x0], $0xffff;
	_ =	sdelay $0x2  }
0xda: {  	v57 =	vor.u32 $0x38, v4;
	_ =	sdelay $0x1  }
0xdb: {  	v5 =	vmul.f32 v5, v37;
	_ =	sdelay $0x1  }
0xdc: {  	[tilespmem:v27+s22+$0x0] =	vst.idx.msk $0xffff, v5  }
0xdd: {  	v5 =	vld.idx.msk [tilespmem:v57+s18+$0x0], $0xffff;
	_ =	sdelay $0x2  }
0xde: {  	v58 =	vor.u32 $0x39, v4;
	_ =	sdelay $0x1  }
0xdf: {  	v5 =	vmul.f32 v5, v37;
	_ =	sdelay $0x1  }
0xe0: {  	[tilespmem:v28+s22+$0x0] =	vst.idx.msk $0xffff, v5  }
0xe1: {  	v5 =	vld.idx.msk [tilespmem:v58+s18+$0x0], $0xffff;
	_ =	sdelay $0x2  }
0xe2: {  	v59 =	vor.u32 $0x3A, v4;
	_ =	sdelay $0x1  }
0xe3: {  	v5 =	vmul.f32 v5, v37;
	_ =	sdelay $0x1  }
0xe4: {  	[tilespmem:v29+s22+$0x0] =	vst.idx.msk $0xffff, v5  }
0xe5: {  	v5 =	vld.idx.msk [tilespmem:v59+s18+$0x0], $0xffff;
	_ =	sdelay $0x2  }
0xe6: {  	v60 =	vor.u32 $0x3B, v4;
	_ =	sdelay $0x1  }
0xe7: {  	v5 =	vmul.f32 v5, v37;
	_ =	sdelay $0x1  }
0xe8: {  	[tilespmem:v30+s22+$0x0] =	vst.idx.msk $0xffff, v5  }
0xe9: {  	v5 =	vld.idx.msk [tilespmem:v60+s18+$0x0], $0xffff;
	_ =	sdelay $0x2  }
0xea: {  	v61 =	vor.u32 $0x3C, v4;
	_ =	sdelay $0x1  }
0xeb: {  	v5 =	vmul.f32 v5, v37;
	_ =	sdelay $0x1  }
0xec: {  	[tilespmem:v31+s22+$0x0] =	vst.idx.msk $0xffff, v5  }
0xed: {  	v5 =	vld.idx.msk [tilespmem:v61+s18+$0x0], $0xffff;
	_ =	sdelay $0x2  }
0xee: {  	v62 =	vor.u32 $0x3D, v4;
	_ =	sdelay $0x1  }
0xef: {  	v5 =	vmul.f32 v5, v37;
	_ =	sdelay $0x1  }
0xf0: {  	[tilespmem:v32+s22+$0x0] =	vst.idx.msk $0xffff, v5  }
0xf1: {  	v5 =	vld.idx.msk [tilespmem:v62+s18+$0x0], $0xffff;
	_ =	sdelay $0x2  }
0xf2: {  	v63 =	vor.u32 $0x3E, v4;
	_ =	sdelay $0x1  }
0xf3: {  	v5 =	vmul.f32 v5, v37;
	_ =	sdelay $0x1  }
0xf4: {  	[tilespmem:v33+s22+$0x0] =	vst.idx.msk $0xffff, v5  }
0xf5: {  	v5 =	vld.idx.msk [tilespmem:v63+s18+$0x0], $0xffff;
	_ =	sdelay $0x2  }
0xf6: {  	v4 =	vor.u32 $0x3F, v4;
	_ =	sdelay $0x1  }
0xf7: {  	v5 =	vmul.f32 v5, v37;
	_ =	sdelay $0x1  }
0xf8: {  	[tilespmem:v34+s22+$0x0] =	vst.idx.msk $0xffff, v5  }
0xf9: {  	v4 =	vld.idx.msk [tilespmem:v4+s18+$0x0], $0xffff;
	_ =	sdelay $0x3  }
0xfa: {  	p0 =	sne.s32 s24, $0x40  }
.Ltmp0:
0xfb: {  	v4 =	vmul.f32 v4, v37;
	(pc) =	sbr.rel @p0 .LBB2_3-.Ltmp0, $4  }
0xfc: {  	_ = 	snop  }
0xfd: {  	v3 =	vmul.f32 v37, v3;
	[tilespmem:v35+s22+$0x0] =	vst.idx.msk $0xffff, v4  }
0xfe: {  	[tilespmem:v2+s22+$0x0] =	vst.idx.msk $0xffff, v37  }
0xff: {  	s25 =	sadd.s32 $0x10, s25;
	s24 =	sadd.s32 $0x10, s24;
	[tilespmem:v1+s22+$0x0] =	vst.idx.msk $0xffff, v3  }
0x100: {  	s23 =	sadd.s32 $0x1, s23  }
0x101: {  	p0 =	sne.s32 s23, $0x7D  }
.Ltmp1:
0x102: {  	_ = 	snop;
	(pc) =	sbr.rel @p0 .LBB2_2-.Ltmp1, $4  }
0x103: {  	[spmem:s1] =	stream.indirect.scatter.add.f32 [tilespmem:s22], [sflag:$0x3], $0x80, s16, s17, $0xb8;
	[tilespmem:$0x1B980] =	vst v63  }
0x104: {  	_ =	swait.ge [sflag:s15], $0x2800  }
0x105: {  	[sflag:s15] =	ssyncset.done $0x0  }
0x106: {  	[sflag:s15] =	ssyncadd.s32 $0xFFFFD800  }
0x107: {  	s3 =	sadd.s32 $0x1, s3  }
0x108: {  	p0 =	sne.s32 s3, s13  }
.Ltmp2:
0x109: {  	[bflag:$0x0] =	sbarrier.arrive $0xFFFF;
	(pc) =	sbr.rel @p0 .LBB2_1-.Ltmp2, $4  }
0x10a: {  	[hbm:s12], [sflag:s10] =	dma.local [spmem:s14], $0x2800  }
0x10b: {  	_ =	swait.ge [sflag:s15], $0x2800  }
0x10c: {  	[sflag:s15] =	ssyncset.done $0x0  }
0x10d: {  	[sflag:s15] =	ssyncadd.s32 $0xFFFFD800  }
0x10e: {  	_ =	sfence.sel $0x180000  }
0x10f: {  	[bflag:$0x0] =	sbarrier.arrive $0xFFFF  }
0x110: {  	p0 =	sne.s32 s2, $0x0;
	_ =	strace $0x90000047  }
0x111: {  	s0 =	sadd.s32 @!p0 $0x100000, s0;
	[bflag:$0x2] =	sbarrier.arrive $0xFFFF  }
0x112: {  	[sflag:s0] =	ssyncadd.tile.s32 @!p0 $0x1;
	_ =	shalt  }
.Lfunc_end2:
_tile_overlayer_lowered:
.L_overlay_start_2:
0x113: {  	(tag) =	ssettag $0x2  }
0x114: {  	s0 =	rddreg [dreg:$0x0];
	s2 =	stileid.u32  }
0x115: {  	s1 =	rddreg [dreg:$0x1];
	p0 =	sne.s32 s2, $0x0  }
0x116: {  	s3 =	rddreg [dreg:$0x2];
	[bflag:$0x3] =	sbarrier.arrive $0xFFFF;
	s2 =	simm.s32 @!p0 $0x1C03  }
0x117: {  	[timem:s3], [sflag:s2] =	dma.local @!p0 [hbm:s0], s1  }
0x118: {  	s0 =	simm.s32 @!p0 $0x3  }
0x119: {  	_ =	swait.ge @!p0 [sflag:s0], s1  }
0x11a: {  	s1 =	ssub.s32 @!p0 $0x0, s1;
	[sflag:s0] =	ssyncset.done @!p0 $0x0  }
0x11b: {  	[sflag:s0] =	ssyncadd.s32 @!p0 s1  }
0x11c: {  	[bflag:$0x3] =	sbarrier.arrive $0xFFFF  }
0x11d: {  	_ =	shalt  }

</sc_bundles>
